<compile_context>
chip_gen: v7x
topology: tpu7x:2x2x1
jax: 0.10.2.dev20260603
libtpu: 0.0.44.dev20260713+nightly
codegen_flags: <defaults>
</compile_context>

<pallas_src>
import jax
import jax.numpy as jnp
from jax import lax
from jax.experimental import pallas as pl
from jax.experimental.pallas import tpu as pltpu
from jax.experimental.pallas import tpu_sc as plsc

_NC = 2
_NS = 16
_CH = 80


def _make_sc_agg(n_pad, d, e_pad):
    rows_per_tile = n_pad // _NS
    ept = e_pad // (_NC * _NS)
    nch = ept // _CH
    assert ept % (4 * _CH) == 0 and rows_per_tile % 8 == 0

    def body(h_hbm, sd_hbm, zrow_hbm, p_hbm,
             sd0, sd1, sd2, sd3, buf0, buf1, agg_sh,
             gsem0, gsem1, ssem0, ssem1,
             sdsem0, sdsem1, sdsem2, sdsem3):
        c = lax.axis_index("c")
        s = lax.axis_index("s")
        t = c * _NS + s
        r0 = s * rows_per_tile
        cbase = t * nch
        pltpu.sync_copy(zrow_hbm, agg_sh.at[pl.ds(r0, rows_per_tile)])
        plsc.subcore_barrier()

        def drain(sem, buf):
            pltpu.make_async_copy(h_hbm.at[pl.ds(0, _CH)], buf, sem).wait()

        def drain_sd(sem, sd):
            pltpu.make_async_copy(sd_hbm.at[cbase], sd, sem).wait()

        sds = [sd0, sd1, sd2, sd3]
        sdsems = [sdsem0, sdsem1, sdsem2, sdsem3]
        bufs = [buf0, buf1]
        gsems = [gsem0, gsem1]
        ssems = [ssem0, ssem1]

        for r in range(4):
            pltpu.async_copy(sd_hbm.at[cbase + r], sds[r], sdsems[r])
        drain_sd(sdsems[0], sds[0])
        pltpu.async_copy(h_hbm.at[sds[0].at[0]], buf0, gsem0)
        drain_sd(sdsems[1], sds[1])
        pltpu.async_copy(h_hbm.at[sds[1].at[0]], buf1, gsem1)

        def quad(i0, fire_from):
            for j in range(4):
                b = j % 2
                i = i0 + j
                drain(gsems[b], bufs[b])
                pltpu.async_copy(bufs[b], agg_sh.at[sds[j].at[1]],
                                 ssems[b], add=True)
                drain(ssems[b], bufs[b])
                if fire_from >= 2:
                    pltpu.async_copy(sd_hbm.at[cbase + i + 4], sds[j],
                                     sdsems[j])
                if fire_from >= 1:
                    r = (j + 2) % 4
                    drain_sd(sdsems[r], sds[r])
                    pltpu.async_copy(h_hbm.at[sds[r].at[0]], bufs[b], gsems[b])

        def step(k, carry):
            quad(4 * k, 2)
            return carry

        lax.fori_loop(0, nch // 4 - 1, step, 0)
        for j in range(4):
            b = j % 2
            drain(gsems[b], bufs[b])
            pltpu.async_copy(bufs[b], agg_sh.at[sds[j].at[1]],
                             ssems[b], add=True)
            drain(ssems[b], bufs[b])
            if j < 2:
                r = j + 2
                drain_sd(sdsems[r], sds[r])
                pltpu.async_copy(h_hbm.at[sds[r].at[0]], bufs[b], gsems[b])

        plsc.subcore_barrier()
        pltpu.sync_copy(agg_sh.at[pl.ds(r0, rows_per_tile)],
                        p_hbm.at[c, pl.ds(r0, rows_per_tile)])

    mesh = plsc.VectorSubcoreMesh(core_axis_name="c", subcore_axis_name="s")
    return pl.kernel(
        body,
        out_type=jax.ShapeDtypeStruct((_NC, n_pad, d), jnp.float32),
        mesh=mesh,
        scratch_types=[
            pltpu.VMEM((2, _CH), jnp.int32),
            pltpu.VMEM((2, _CH), jnp.int32),
            pltpu.VMEM((2, _CH), jnp.int32),
            pltpu.VMEM((2, _CH), jnp.int32),
            pltpu.VMEM((_CH, d), jnp.float32),
            pltpu.VMEM((_CH, d), jnp.float32),
            pltpu.VMEM_SHARED((n_pad, d), jnp.float32),
            pltpu.SemaphoreType.DMA,
            pltpu.SemaphoreType.DMA,
            pltpu.SemaphoreType.DMA,
            pltpu.SemaphoreType.DMA,
            pltpu.SemaphoreType.DMA,
            pltpu.SemaphoreType.DMA,
            pltpu.SemaphoreType.DMA,
            pltpu.SemaphoreType.DMA,
        ],
    )


def _make_sc_cnt(n_pad, d, e_pad):
    rows_per_tile = n_pad // _NS
    ept = e_pad // (_NC * _NS)
    nch = ept // _CH

    def body(dst_hbm, zrow_hbm, ones_hbm, cnt_hbm,
             dst_c0, dst_c1, ones_v, cnt_sh, ssem0, ssem1):
        c = lax.axis_index("c")
        s = lax.axis_index("s")
        t = c * _NS + s
        r0 = s * rows_per_tile
        base = t * ept
        pltpu.sync_copy(zrow_hbm, cnt_sh.at[pl.ds(r0, rows_per_tile)])
        pltpu.sync_copy(ones_hbm, ones_v)
        plsc.subcore_barrier()

        def drain(sem):
            pltpu.make_async_copy(zrow_hbm.at[pl.ds(0, _CH)], ones_v, sem).wait()

        pltpu.sync_copy(dst_hbm.at[pl.ds(base, _CH)], dst_c0)
        pltpu.async_copy(ones_v, cnt_sh.at[dst_c0], ssem0, add=True)
        pltpu.sync_copy(dst_hbm.at[pl.ds(base + _CH, _CH)], dst_c1)
        pltpu.async_copy(ones_v, cnt_sh.at[dst_c1], ssem1, add=True)

        def step(k, carry):
            i = 2 * k + 2
            drain(ssem0)
            pltpu.sync_copy(dst_hbm.at[pl.ds(base + i * _CH, _CH)], dst_c0)
            pltpu.async_copy(ones_v, cnt_sh.at[dst_c0], ssem0, add=True)
            drain(ssem1)
            pltpu.sync_copy(dst_hbm.at[pl.ds(base + (i + 1) * _CH, _CH)], dst_c1)
            pltpu.async_copy(ones_v, cnt_sh.at[dst_c1], ssem1, add=True)
            return carry

        lax.fori_loop(0, nch // 2 - 1, step, 0)
        drain(ssem0)
        drain(ssem1)
        plsc.subcore_barrier()
        pltpu.sync_copy(cnt_sh.at[pl.ds(r0, rows_per_tile)],
                        cnt_hbm.at[c, pl.ds(r0, rows_per_tile)])

    mesh = plsc.VectorSubcoreMesh(core_axis_name="c", subcore_axis_name="s")
    return pl.kernel(
        body,
        out_type=jax.ShapeDtypeStruct((_NC, n_pad, d), jnp.float32),
        mesh=mesh,
        scratch_types=[
            pltpu.VMEM((_CH,), jnp.int32),
            pltpu.VMEM((_CH,), jnp.int32),
            pltpu.VMEM((_CH, d), jnp.float32),
            pltpu.VMEM_SHARED((n_pad, d), jnp.float32),
            pltpu.SemaphoreType.DMA,
            pltpu.SemaphoreType.DMA,
        ],
    )


def _layer_math(p, cnth, h, wl, bl, wr, g, b):
    agg = p[0] + p[1]
    cnt = cnth[0, :, 0] + cnth[1, :, 0]
    mean = agg / jnp.maximum(cnt, 1.0)[:, None]
    out = lax.dot_general(mean, wl, (((1,), (1,)), ((), ())),
                          preferred_element_type=jnp.float32) + bl[None, :]
    out = out + lax.dot_general(h, wr, (((1,), (1,)), ((), ())),
                                preferred_element_type=jnp.float32)
    mu = jnp.mean(out, axis=-1, keepdims=True)
    var = jnp.mean((out - mu) ** 2, axis=-1, keepdims=True)
    y = (out - mu) * lax.rsqrt(var + 1e-5) * g[None, :] + b[None, :]
    return jnp.maximum(y, 0.0)


def _tc_layer_body(p_ref, cnt_ref, h_ref, wl_ref, bl_ref, wr_ref, g_ref, b_ref,
                   o_ref):
    o_ref[...] = _layer_math(p_ref[...], cnt_ref[...], h_ref[...], wl_ref[...],
                             bl_ref[...], wr_ref[...], g_ref[...], b_ref[...])


def _tc_final_body(p_ref, cnt_ref, h_ref, wl_ref, bl_ref, wr_ref, g_ref, b_ref,
                   wo_ref, bo_ref, o_ref):
    hr = _layer_math(p_ref[...], cnt_ref[...], h_ref[...], wl_ref[...],
                     bl_ref[...], wr_ref[...], g_ref[...], b_ref[...])
    logits = lax.dot_general(hr, wo_ref[...], (((1,), (1,)), ((), ())),
                             preferred_element_type=jnp.float32) + bo_ref[...][None, :]
    m = jnp.max(logits, axis=-1, keepdims=True)
    lse = jnp.log(jnp.sum(jnp.exp(logits - m), axis=-1, keepdims=True)) + m
    o_ref[...] = logits - lse


_BLK = 400


def _make_tc_layer(n, d):
    grid = (n // _BLK,)
    in_specs = [
        pl.BlockSpec((_NC, _BLK, d), lambda i: (0, i, 0)),
        pl.BlockSpec((_NC, _BLK, d), lambda i: (0, i, 0)),
        pl.BlockSpec((_BLK, d), lambda i: (i, 0)),
        pl.BlockSpec((d, d), lambda i: (0, 0)),
        pl.BlockSpec((d,), lambda i: (0,)),
        pl.BlockSpec((d, d), lambda i: (0, 0)),
        pl.BlockSpec((d,), lambda i: (0,)),
        pl.BlockSpec((d,), lambda i: (0,)),
    ]
    return pl.pallas_call(
        _tc_layer_body,
        grid=grid,
        in_specs=in_specs,
        out_specs=pl.BlockSpec((_BLK, d), lambda i: (i, 0)),
        out_shape=jax.ShapeDtypeStruct((n, d), jnp.float32),
    )


def _make_tc_final(n, d, c_out):
    grid = (n // _BLK,)
    in_specs = [
        pl.BlockSpec((_NC, _BLK, d), lambda i: (0, i, 0)),
        pl.BlockSpec((_NC, _BLK, d), lambda i: (0, i, 0)),
        pl.BlockSpec((_BLK, d), lambda i: (i, 0)),
        pl.BlockSpec((d, d), lambda i: (0, 0)),
        pl.BlockSpec((d,), lambda i: (0,)),
        pl.BlockSpec((d, d), lambda i: (0, 0)),
        pl.BlockSpec((d,), lambda i: (0,)),
        pl.BlockSpec((d,), lambda i: (0,)),
        pl.BlockSpec((c_out, d), lambda i: (0, 0)),
        pl.BlockSpec((c_out,), lambda i: (0,)),
    ]
    return pl.pallas_call(
        _tc_final_body,
        grid=grid,
        in_specs=in_specs,
        out_specs=pl.BlockSpec((_BLK, c_out), lambda i: (i, 0)),
        out_shape=jax.ShapeDtypeStruct((n, c_out), jnp.float32),
    )


def kernel(x, edge_index, Wl0, bl0, Wr0, g0, b0, Wl1, bl1, Wr1, g1, b1,
           Wl2, bl2, Wr2, g2, b2, Wout, bout):
    n, d = x.shape
    e = edge_index.shape[1]
    c_out = Wout.shape[0]
    n_pad = ((n + _NS * 8 - 1) // (_NS * 8)) * (_NS * 8)
    unit = _NC * _NS * _CH * 4
    e_pad = ((e + unit - 1) // unit) * unit
    assert n < n_pad, "edge padding needs a spare accumulator row"

    dst = edge_index[0]
    src = edge_index[1]
    pad = e_pad - e
    src1 = jnp.concatenate([src, jnp.zeros((pad,), jnp.int32)])
    pad_dst = n + jnp.arange(pad, dtype=jnp.int32) % (n_pad - n)
    dst1 = jnp.concatenate([dst, pad_dst])
    sd = jnp.stack([src1.reshape(-1, _CH), dst1.reshape(-1, _CH)], axis=1)
    zrow = jnp.zeros((n_pad // _NS, d), jnp.float32)
    ones = jnp.ones((_CH, d), jnp.float32)

    sc_agg = _make_sc_agg(n_pad, d, e_pad)
    sc_cnt = _make_sc_cnt(n_pad, d, e_pad)
    tc_layer = _make_tc_layer(n, d)
    tc_final = _make_tc_final(n, d, c_out)

    cnth = sc_cnt(dst1, zrow, ones)
    p0 = sc_agg(x, sd, zrow)
    h1 = tc_layer(p0, cnth, x, Wl0, bl0, Wr0, g0, b0)
    p1 = sc_agg(h1, sd, zrow)
    h2 = tc_layer(p1, cnth, h1, Wl1, bl1, Wr1, g1, b1)
    p2 = sc_agg(h2, sd, zrow)
    return tc_final(p2, cnth, h2, Wl2, bl2, Wr2, g2, b2, Wout, bout)

# --- scband reference (transcript-rebuilt; emitter-appended) ---
"""Pipeline reference for scband-sagemodel-45226005627219 (READ-ONLY COPY).

The authoritative reference and input builder live on the scoring server;
editing this copy changes nothing except your own understanding.
"""

import jax, jax.numpy as jnp
import numpy as np

N = 10000
E = 320000
D = 128
H = 128
C = 47


def setup_inputs(seed: int = 0) -> dict:
    key = jax.random.key(seed)
    ks = jax.random.split(key, 24)
    inp = {}
    inp['x'] = jax.random.normal(ks[0], (N, D), dtype=jnp.float32)
    inp['edge_index'] = jax.random.randint(ks[1], (2, E), 0, N, dtype=jnp.int32)
    s = 0.05
    # layer 0: SAGEConv(D -> H) + LayerNorm(H)
    inp['Wl0'] = jax.random.normal(ks[2], (H, D), dtype=jnp.float32) * s
    inp['bl0'] = jnp.zeros((H,), dtype=jnp.float32)
    inp['Wr0'] = jax.random.normal(ks[3], (H, D), dtype=jnp.float32) * s
    inp['g0'] = jnp.ones((H,), dtype=jnp.float32)
    inp['b0'] = jnp.zeros((H,), dtype=jnp.float32)
    # layer 1: SAGEConv(H -> H) + LayerNorm(H)
    inp['Wl1'] = jax.random.normal(ks[4], (H, H), dtype=jnp.float32) * s
    inp['bl1'] = jnp.zeros((H,), dtype=jnp.float32)
    inp['Wr1'] = jax.random.normal(ks[5], (H, H), dtype=jnp.float32) * s
    inp['g1'] = jnp.ones((H,), dtype=jnp.float32)
    inp['b1'] = jnp.zeros((H,), dtype=jnp.float32)
    # layer 2: SAGEConv(H -> H) + LayerNorm(H)
    inp['Wl2'] = jax.random.normal(ks[6], (H, H), dtype=jnp.float32) * s
    inp['bl2'] = jnp.zeros((H,), dtype=jnp.float32)
    inp['Wr2'] = jax.random.normal(ks[7], (H, H), dtype=jnp.float32) * s
    inp['g2'] = jnp.ones((H,), dtype=jnp.float32)
    inp['b2'] = jnp.zeros((H,), dtype=jnp.float32)
    # final classifier Linear(H -> C)
    inp['Wout'] = jax.random.normal(ks[8], (C, H), dtype=jnp.float32) * s
    inp['bout'] = jnp.zeros((C,), dtype=jnp.float32)
    return inp


def _sage_conv(x, edge_index, Wl, bl, Wr):
    # adj_t built as SparseTensor(row=edge_index[0], col=edge_index[1])
    # matmul(adj_t, x, reduce='mean')[i] = mean_{e: dst(e)==i} x[src(e)]
    dst = edge_index[0]
    src = edge_index[1]
    agg = jax.ops.segment_sum(x[src], dst, num_segments=N)
    cnt = jax.ops.segment_sum(jnp.ones((src.shape[0],), dtype=x.dtype), dst, num_segments=N)
    mean = agg / jnp.maximum(cnt, 1.0)[:, None]
    out = mean @ Wl.T + bl          # lin_l (bias=True)
    out = out + x @ Wr.T            # lin_r (root weight, bias=False)
    return out


def _layernorm(x, g, b, eps=1e-5):
    mu = jnp.mean(x, axis=-1, keepdims=True)
    var = jnp.mean((x - mu) ** 2, axis=-1, keepdims=True)
    return (x - mu) / jnp.sqrt(var + eps) * g + b


def reference(x, edge_index, Wl0, bl0, Wr0, g0, b0, Wl1, bl1, Wr1, g1, b1, Wl2, bl2, Wr2, g2, b2, Wout, bout):
    h = _sage_conv(x, edge_index, Wl0, bl0, Wr0)
    h = jax.nn.relu(_layernorm(h, g0, b0))  # dropout is identity in eval
    h = _sage_conv(h, edge_index, Wl1, bl1, Wr1)
    h = jax.nn.relu(_layernorm(h, g1, b1))
    h = _sage_conv(h, edge_index, Wl2, bl2, Wr2)
    h = jax.nn.relu(_layernorm(h, g2, b2))
    logits = h @ Wout.T + bout
    return jax.nn.log_softmax(logits, axis=-1)

if __name__ == "__main__":
    import jax
    _d = setup_inputs()
    print(jax.jit(kernel)(*tuple(_d.values())))

</pallas_src>

<mosaic_0001>
#map = affine_map<(d0, d1) -> (0, 0)>
#map1 = affine_map<(d0, d1) -> (0, 0, 0)>
module attributes {stable_mosaic.version = 14 : i64} {
  func.func @body(%arg0: i32, %arg1: i32, %arg2: memref<10000x128xf32, #tpu.memory_space<hbm>>, %arg3: memref<4096x2x80xi32, #tpu.memory_space<hbm>>, %arg4: memref<632x128xf32, #tpu.memory_space<hbm>>, %arg5: memref<2x10112x128xf32, #tpu.memory_space<hbm>>, %arg6: memref<2x80xi32, #tpu.memory_space<vmem>>, %arg7: memref<2x80xi32, #tpu.memory_space<vmem>>, %arg8: memref<2x80xi32, #tpu.memory_space<vmem>>, %arg9: memref<2x80xi32, #tpu.memory_space<vmem>>, %arg10: memref<80x128xf32, #tpu.memory_space<vmem>>, %arg11: memref<80x128xf32, #tpu.memory_space<vmem>>, %arg12: memref<10112x128xf32, #tpu.memory_space<vmem_shared>>, %arg13: memref<!tpu.dma_semaphore, #tpu.memory_space<semaphore_mem>>, %arg14: memref<!tpu.dma_semaphore, #tpu.memory_space<semaphore_mem>>, %arg15: memref<!tpu.dma_semaphore, #tpu.memory_space<semaphore_mem>>, %arg16: memref<!tpu.dma_semaphore, #tpu.memory_space<semaphore_mem>>, %arg17: memref<!tpu.dma_semaphore, #tpu.memory_space<semaphore_mem>>, %arg18: memref<!tpu.dma_semaphore, #tpu.memory_space<semaphore_mem>>, %arg19: memref<!tpu.dma_semaphore, #tpu.memory_space<semaphore_mem>>, %arg20: memref<!tpu.dma_semaphore, #tpu.memory_space<semaphore_mem>>) attributes {dimension_semantics = [#tpu.dimension_semantics<core_parallel>, #tpu.dimension_semantics<subcore_parallel>], iteration_bounds = array<i64: 2, 16>, scalar_prefetch = 0 : i64, scratch_operands = 15 : i64, tpu.core_type = #tpu.core_type<sc_vector_subcore>, window_params = [{transform_indices = #map}, {transform_indices = #map1}, {transform_indices = #map}, {transform_indices = #map1}]} {
    %mul3A = arith.constant 16 : i32
    %mul3A_0 = arith.muli %arg0, %mul3A : i32
    %add3A = arith.addi %mul3A_0, %arg1 : i32
    %mul3A_1 = arith.constant 632 : i32
    %mul3A_2 = arith.muli %arg1, %mul3A_1 : i32
    %mul3A_3 = arith.constant 128 : i32
    %mul3A_4 = arith.muli %add3A, %mul3A_3 : i32
    "tpu.region"() ({
      %run_scoped3A = tpu.sem_alloc : memref<!tpu.dma_semaphore, #tpu.memory_space<semaphore_mem>>
      %dma_start3A_185 = arith.constant 0 : i32
      %dma_start3A_186 = tpu.memref_slice %arg12[%mul3A_2, %dma_start3A_185] : memref<10112x128xf32, #tpu.memory_space<vmem_shared>> -> memref<632x128xf32, #tpu.memory_space<vmem_shared>>
      tpu.enqueue_dma source(%arg4 : memref<632x128xf32, #tpu.memory_space<hbm>>) target(%dma_start3A_186 : memref<632x128xf32, #tpu.memory_space<vmem_shared>>) target_semaphore(%run_scoped3A : memref<!tpu.dma_semaphore, #tpu.memory_space<semaphore_mem>>)
      %dma_wait3A_187 = arith.constant 0 : i32
      %dma_wait3A_188 = tpu.memref_slice %arg12[%mul3A_2, %dma_wait3A_187] : memref<10112x128xf32, #tpu.memory_space<vmem_shared>> -> memref<632x128xf32, #tpu.memory_space<vmem_shared>>
      tpu.wait_dma2 semaphore(%run_scoped3A : memref<!tpu.dma_semaphore, #tpu.memory_space<semaphore_mem>>) src(%arg4 : memref<632x128xf32, #tpu.memory_space<hbm>>) dst(%dma_wait3A_188 : memref<632x128xf32, #tpu.memory_space<vmem_shared>>)
      tpu.yield
    }) : () -> ()
    %barrier3A = arith.constant 0 : index
    tpu.barrier barrier_id(%barrier3A)
    %add3A_5 = arith.constant 0 : i32
    %add3A_6 = arith.addi %mul3A_4, %add3A_5 : i32
    %dma_start3A = arith.constant 0 : i32
    %dma_start3A_7 = arith.constant 0 : i32
    %dma_start3A_8 = tpu.memref_slice %arg3[%add3A_6, %dma_start3A, %dma_start3A_7] : memref<4096x2x80xi32, #tpu.memory_space<hbm>> -> memref<1x2x80xi32, #tpu.memory_space<hbm>>
    %dma_start3A_9 = tpu.memref_squeeze %dma_start3A_8 : memref<1x2x80xi32, #tpu.memory_space<hbm>> -> memref<2x80xi32, #tpu.memory_space<hbm>>
    %dma_start3A_10 = arith.constant 0 : i32
    %dma_start3A_11 = arith.constant 0 : i32
    %dma_start3A_12 = tpu.memref_slice %arg3[%add3A_6, %dma_start3A_10, %dma_start3A_11] : memref<4096x2x80xi32, #tpu.memory_space<hbm>> -> memref<1x2x80xi32, #tpu.memory_space<hbm>>
    %dma_start3A_13 = tpu.memref_squeeze %dma_start3A_12 : memref<1x2x80xi32, #tpu.memory_space<hbm>> -> memref<2x80xi32, #tpu.memory_space<hbm>>
    tpu.enqueue_dma source(%dma_start3A_13 : memref<2x80xi32, #tpu.memory_space<hbm>>) target(%arg6 : memref<2x80xi32, #tpu.memory_space<vmem>>) target_semaphore(%arg17 : memref<!tpu.dma_semaphore, #tpu.memory_space<semaphore_mem>>)
    %add3A_14 = arith.constant 1 : i32
    %add3A_15 = arith.addi %mul3A_4, %add3A_14 : i32
    %dma_start3A_16 = arith.constant 0 : i32
    %dma_start3A_17 = arith.constant 0 : i32
    %dma_start3A_18 = tpu.memref_slice %arg3[%add3A_15, %dma_start3A_16, %dma_start3A_17] : memref<4096x2x80xi32, #tpu.memory_space<hbm>> -> memref<1x2x80xi32, #tpu.memory_space<hbm>>
    %dma_start3A_19 = tpu.memref_squeeze %dma_start3A_18 : memref<1x2x80xi32, #tpu.memory_space<hbm>> -> memref<2x80xi32, #tpu.memory_space<hbm>>
    %dma_start3A_20 = arith.constant 0 : i32
    %dma_start3A_21 = arith.constant 0 : i32
    %dma_start3A_22 = tpu.memref_slice %arg3[%add3A_15, %dma_start3A_20, %dma_start3A_21] : memref<4096x2x80xi32, #tpu.memory_space<hbm>> -> memref<1x2x80xi32, #tpu.memory_space<hbm>>
    %dma_start3A_23 = tpu.memref_squeeze %dma_start3A_22 : memref<1x2x80xi32, #tpu.memory_space<hbm>> -> memref<2x80xi32, #tpu.memory_space<hbm>>
    tpu.enqueue_dma source(%dma_start3A_23 : memref<2x80xi32, #tpu.memory_space<hbm>>) target(%arg7 : memref<2x80xi32, #tpu.memory_space<vmem>>) target_semaphore(%arg18 : memref<!tpu.dma_semaphore, #tpu.memory_space<semaphore_mem>>)
    %add3A_24 = arith.constant 2 : i32
    %add3A_25 = arith.addi %mul3A_4, %add3A_24 : i32
    %dma_start3A_26 = arith.constant 0 : i32
    %dma_start3A_27 = arith.constant 0 : i32
    %dma_start3A_28 = tpu.memref_slice %arg3[%add3A_25, %dma_start3A_26, %dma_start3A_27] : memref<4096x2x80xi32, #tpu.memory_space<hbm>> -> memref<1x2x80xi32, #tpu.memory_space<hbm>>
    %dma_start3A_29 = tpu.memref_squeeze %dma_start3A_28 : memref<1x2x80xi32, #tpu.memory_space<hbm>> -> memref<2x80xi32, #tpu.memory_space<hbm>>
    %dma_start3A_30 = arith.constant 0 : i32
    %dma_start3A_31 = arith.constant 0 : i32
    %dma_start3A_32 = tpu.memref_slice %arg3[%add3A_25, %dma_start3A_30, %dma_start3A_31] : memref<4096x2x80xi32, #tpu.memory_space<hbm>> -> memref<1x2x80xi32, #tpu.memory_space<hbm>>
    %dma_start3A_33 = tpu.memref_squeeze %dma_start3A_32 : memref<1x2x80xi32, #tpu.memory_space<hbm>> -> memref<2x80xi32, #tpu.memory_space<hbm>>
    tpu.enqueue_dma source(%dma_start3A_33 : memref<2x80xi32, #tpu.memory_space<hbm>>) target(%arg8 : memref<2x80xi32, #tpu.memory_space<vmem>>) target_semaphore(%arg19 : memref<!tpu.dma_semaphore, #tpu.memory_space<semaphore_mem>>)
    %add3A_34 = arith.constant 3 : i32
    %add3A_35 = arith.addi %mul3A_4, %add3A_34 : i32
    %dma_start3A_36 = arith.constant 0 : i32
    %dma_start3A_37 = arith.constant 0 : i32
    %dma_start3A_38 = tpu.memref_slice %arg3[%add3A_35, %dma_start3A_36, %dma_start3A_37] : memref<4096x2x80xi32, #tpu.memory_space<hbm>> -> memref<1x2x80xi32, #tpu.memory_space<hbm>>
    %dma_start3A_39 = tpu.memref_squeeze %dma_start3A_38 : memref<1x2x80xi32, #tpu.memory_space<hbm>> -> memref<2x80xi32, #tpu.memory_space<hbm>>
    %dma_start3A_40 = arith.constant 0 : i32
    %dma_start3A_41 = arith.constant 0 : i32
    %dma_start3A_42 = tpu.memref_slice %arg3[%add3A_35, %dma_start3A_40, %dma_start3A_41] : memref<4096x2x80xi32, #tpu.memory_space<hbm>> -> memref<1x2x80xi32, #tpu.memory_space<hbm>>
    %dma_start3A_43 = tpu.memref_squeeze %dma_start3A_42 : memref<1x2x80xi32, #tpu.memory_space<hbm>> -> memref<2x80xi32, #tpu.memory_space<hbm>>
    tpu.enqueue_dma source(%dma_start3A_43 : memref<2x80xi32, #tpu.memory_space<hbm>>) target(%arg9 : memref<2x80xi32, #tpu.memory_space<vmem>>) target_semaphore(%arg20 : memref<!tpu.dma_semaphore, #tpu.memory_space<semaphore_mem>>)
    %dma_wait3A = arith.constant 0 : i32
    %dma_wait3A_44 = arith.constant 0 : i32
    %dma_wait3A_45 = tpu.memref_slice %arg3[%mul3A_4, %dma_wait3A, %dma_wait3A_44] : memref<4096x2x80xi32, #tpu.memory_space<hbm>> -> memref<1x2x80xi32, #tpu.memory_space<hbm>>
    %dma_wait3A_46 = tpu.memref_squeeze %dma_wait3A_45 : memref<1x2x80xi32, #tpu.memory_space<hbm>> -> memref<2x80xi32, #tpu.memory_space<hbm>>
    %dma_wait3A_47 = arith.constant 0 : i32
    %dma_wait3A_48 = arith.constant 0 : i32
    %dma_wait3A_49 = tpu.memref_slice %arg3[%mul3A_4, %dma_wait3A_47, %dma_wait3A_48] : memref<4096x2x80xi32, #tpu.memory_space<hbm>> -> memref<1x2x80xi32, #tpu.memory_space<hbm>>
    %dma_wait3A_50 = tpu.memref_squeeze %dma_wait3A_49 : memref<1x2x80xi32, #tpu.memory_space<hbm>> -> memref<2x80xi32, #tpu.memory_space<hbm>>
    tpu.wait_dma2 semaphore(%arg17 : memref<!tpu.dma_semaphore, #tpu.memory_space<semaphore_mem>>) src(%dma_wait3A_50 : memref<2x80xi32, #tpu.memory_space<hbm>>) dst(%arg6 : memref<2x80xi32, #tpu.memory_space<vmem>>)
    %dma_start3A_51 = arith.constant 0 : i32
    %dma_start3A_52 = arith.constant 0 : i32
    %dma_start3A_53 = tpu.memref_slice %arg6[%dma_start3A_51, %dma_start3A_52] : memref<2x80xi32, #tpu.memory_space<vmem>> -> memref<1x80xi32, #tpu.memory_space<vmem>>
    %dma_start3A_54 = tpu.memref_squeeze %dma_start3A_53 : memref<1x80xi32, #tpu.memory_space<vmem>> -> memref<80xi32, #tpu.memory_space<vmem>>
    %dma_start3A_55 = arith.constant 0 : i32
    %dma_start3A_56 = arith.constant 0 : i32
    %dma_start3A_57 = tpu.memref_slice %arg2[%dma_start3A_55, %dma_start3A_56] : memref<10000x128xf32, #tpu.memory_space<hbm>> -> memref<10000x128xf32, #tpu.memory_space<hbm>>
    tpu.enqueue_indirect_dma source(%dma_start3A_57 : memref<10000x128xf32, #tpu.memory_space<hbm>>) target(%arg10 : memref<80x128xf32, #tpu.memory_space<vmem>>) offsets(%dma_start3A_54 : memref<80xi32, #tpu.memory_space<vmem>>) semaphore(%arg13 : memref<!tpu.dma_semaphore, #tpu.memory_space<semaphore_mem>>)
    %dma_wait3A_58 = arith.constant 0 : i32
    %dma_wait3A_59 = arith.constant 0 : i32
    %dma_wait3A_60 = tpu.memref_slice %arg3[%mul3A_4, %dma_wait3A_58, %dma_wait3A_59] : memref<4096x2x80xi32, #tpu.memory_space<hbm>> -> memref<1x2x80xi32, #tpu.memory_space<hbm>>
    %dma_wait3A_61 = tpu.memref_squeeze %dma_wait3A_60 : memref<1x2x80xi32, #tpu.memory_space<hbm>> -> memref<2x80xi32, #tpu.memory_space<hbm>>
    %dma_wait3A_62 = arith.constant 0 : i32
    %dma_wait3A_63 = arith.constant 0 : i32
    %dma_wait3A_64 = tpu.memref_slice %arg3[%mul3A_4, %dma_wait3A_62, %dma_wait3A_63] : memref<4096x2x80xi32, #tpu.memory_space<hbm>> -> memref<1x2x80xi32, #tpu.memory_space<hbm>>
    %dma_wait3A_65 = tpu.memref_squeeze %dma_wait3A_64 : memref<1x2x80xi32, #tpu.memory_space<hbm>> -> memref<2x80xi32, #tpu.memory_space<hbm>>
    tpu.wait_dma2 semaphore(%arg18 : memref<!tpu.dma_semaphore, #tpu.memory_space<semaphore_mem>>) src(%dma_wait3A_65 : memref<2x80xi32, #tpu.memory_space<hbm>>) dst(%arg7 : memref<2x80xi32, #tpu.memory_space<vmem>>)
    %dma_start3A_66 = arith.constant 0 : i32
    %dma_start3A_67 = arith.constant 0 : i32
    %dma_start3A_68 = tpu.memref_slice %arg7[%dma_start3A_66, %dma_start3A_67] : memref<2x80xi32, #tpu.memory_space<vmem>> -> memref<1x80xi32, #tpu.memory_space<vmem>>
    %dma_start3A_69 = tpu.memref_squeeze %dma_start3A_68 : memref<1x80xi32, #tpu.memory_space<vmem>> -> memref<80xi32, #tpu.memory_space<vmem>>
    %dma_start3A_70 = arith.constant 0 : i32
    %dma_start3A_71 = arith.constant 0 : i32
    %dma_start3A_72 = tpu.memref_slice %arg2[%dma_start3A_70, %dma_start3A_71] : memref<10000x128xf32, #tpu.memory_space<hbm>> -> memref<10000x128xf32, #tpu.memory_space<hbm>>
    tpu.enqueue_indirect_dma source(%dma_start3A_72 : memref<10000x128xf32, #tpu.memory_space<hbm>>) target(%arg11 : memref<80x128xf32, #tpu.memory_space<vmem>>) offsets(%dma_start3A_69 : memref<80xi32, #tpu.memory_space<vmem>>) semaphore(%arg14 : memref<!tpu.dma_semaphore, #tpu.memory_space<semaphore_mem>>)
    %scan3A = arith.constant 0 : i32
    %scan3A_73 = arith.constant 0 : i32
    %scan3A_74 = arith.constant 31 : i32
    %scan3A_75 = arith.addi %scan3A_73, %scan3A_74 : i32
    %scan3A_76 = arith.constant 1 : i32
    scf.for %scan3A_185 = %scan3A_73 to %scan3A_75 step %scan3A_76  : i32 {
      %mul3A_186 = arith.constant 4 : i32
      %mul3A_187 = arith.muli %mul3A_186, %scan3A_185 : i32
      %add3A_188 = arith.constant 0 : i32
      %add3A_189 = arith.addi %mul3A_187, %add3A_188 : i32
      %dma_wait3A_190 = arith.constant 0 : i32
      %dma_wait3A_191 = arith.constant 0 : i32
      %dma_wait3A_192 = tpu.memref_slice %arg2[%dma_wait3A_190, %dma_wait3A_191] : memref<10000x128xf32, #tpu.memory_space<hbm>> -> memref<80x128xf32, #tpu.memory_space<hbm>>
      %dma_wait3A_193 = arith.constant 0 : i32
      %dma_wait3A_194 = arith.constant 0 : i32
      %dma_wait3A_195 = tpu.memref_slice %arg2[%dma_wait3A_193, %dma_wait3A_194] : memref<10000x128xf32, #tpu.memory_space<hbm>> -> memref<80x128xf32, #tpu.memory_space<hbm>>
      tpu.wait_dma2 semaphore(%arg13 : memref<!tpu.dma_semaphore, #tpu.memory_space<semaphore_mem>>) src(%dma_wait3A_195 : memref<80x128xf32, #tpu.memory_space<hbm>>) dst(%arg10 : memref<80x128xf32, #tpu.memory_space<vmem>>)
      %dma_start3A_196 = arith.constant 1 : i32
      %dma_start3A_197 = arith.constant 0 : i32
      %dma_start3A_198 = tpu.memref_slice %arg6[%dma_start3A_196, %dma_start3A_197] : memref<2x80xi32, #tpu.memory_space<vmem>> -> memref<1x80xi32, #tpu.memory_space<vmem>>
      %dma_start3A_199 = tpu.memref_squeeze %dma_start3A_198 : memref<1x80xi32, #tpu.memory_space<vmem>> -> memref<80xi32, #tpu.memory_space<vmem>>
      %dma_start3A_200 = arith.constant 0 : i32
      %dma_start3A_201 = arith.constant 0 : i32
      %dma_start3A_202 = tpu.memref_slice %arg12[%dma_start3A_200, %dma_start3A_201] : memref<10112x128xf32, #tpu.memory_space<vmem_shared>> -> memref<10112x128xf32, #tpu.memory_space<vmem_shared>>
      tpu.enqueue_indirect_dma source(%arg10 : memref<80x128xf32, #tpu.memory_space<vmem>>) target(%dma_start3A_202 : memref<10112x128xf32, #tpu.memory_space<vmem_shared>>) offsets(%dma_start3A_199 : memref<80xi32, #tpu.memory_space<vmem>>) semaphore(%arg15 : memref<!tpu.dma_semaphore, #tpu.memory_space<semaphore_mem>>) {add = true}
      %dma_wait3A_203 = arith.constant 0 : i32
      %dma_wait3A_204 = arith.constant 0 : i32
      %dma_wait3A_205 = tpu.memref_slice %arg2[%dma_wait3A_203, %dma_wait3A_204] : memref<10000x128xf32, #tpu.memory_space<hbm>> -> memref<80x128xf32, #tpu.memory_space<hbm>>
      %dma_wait3A_206 = arith.constant 0 : i32
      %dma_wait3A_207 = arith.constant 0 : i32
      %dma_wait3A_208 = tpu.memref_slice %arg2[%dma_wait3A_206, %dma_wait3A_207] : memref<10000x128xf32, #tpu.memory_space<hbm>> -> memref<80x128xf32, #tpu.memory_space<hbm>>
      tpu.wait_dma2 semaphore(%arg15 : memref<!tpu.dma_semaphore, #tpu.memory_space<semaphore_mem>>) src(%dma_wait3A_208 : memref<80x128xf32, #tpu.memory_space<hbm>>) dst(%arg10 : memref<80x128xf32, #tpu.memory_space<vmem>>)
      %add3A_209 = arith.addi %mul3A_4, %add3A_189 : i32
      %add3A_210 = arith.constant 4 : i32
      %add3A_211 = arith.addi %add3A_209, %add3A_210 : i32
      %dma_start3A_212 = arith.constant 0 : i32
      %dma_start3A_213 = arith.constant 0 : i32
      %dma_start3A_214 = tpu.memref_slice %arg3[%add3A_211, %dma_start3A_212, %dma_start3A_213] : memref<4096x2x80xi32, #tpu.memory_space<hbm>> -> memref<1x2x80xi32, #tpu.memory_space<hbm>>
      %dma_start3A_215 = tpu.memref_squeeze %dma_start3A_214 : memref<1x2x80xi32, #tpu.memory_space<hbm>> -> memref<2x80xi32, #tpu.memory_space<hbm>>
      %dma_start3A_216 = arith.constant 0 : i32
      %dma_start3A_217 = arith.constant 0 : i32
      %dma_start3A_218 = tpu.memref_slice %arg3[%add3A_211, %dma_start3A_216, %dma_start3A_217] : memref<4096x2x80xi32, #tpu.memory_space<hbm>> -> memref<1x2x80xi32, #tpu.memory_space<hbm>>
      %dma_start3A_219 = tpu.memref_squeeze %dma_start3A_218 : memref<1x2x80xi32, #tpu.memory_space<hbm>> -> memref<2x80xi32, #tpu.memory_space<hbm>>
      tpu.enqueue_dma source(%dma_start3A_219 : memref<2x80xi32, #tpu.memory_space<hbm>>) target(%arg6 : memref<2x80xi32, #tpu.memory_space<vmem>>) target_semaphore(%arg17 : memref<!tpu.dma_semaphore, #tpu.memory_space<semaphore_mem>>)
      %dma_wait3A_220 = arith.constant 0 : i32
      %dma_wait3A_221 = arith.constant 0 : i32
      %dma_wait3A_222 = tpu.memref_slice %arg3[%mul3A_4, %dma_wait3A_220, %dma_wait3A_221] : memref<4096x2x80xi32, #tpu.memory_space<hbm>> -> memref<1x2x80xi32, #tpu.memory_space<hbm>>
      %dma_wait3A_223 = tpu.memref_squeeze %dma_wait3A_222 : memref<1x2x80xi32, #tpu.memory_space<hbm>> -> memref<2x80xi32, #tpu.memory_space<hbm>>
      %dma_wait3A_224 = arith.constant 0 : i32
      %dma_wait3A_225 = arith.constant 0 : i32
      %dma_wait3A_226 = tpu.memref_slice %arg3[%mul3A_4, %dma_wait3A_224, %dma_wait3A_225] : memref<4096x2x80xi32, #tpu.memory_space<hbm>> -> memref<1x2x80xi32, #tpu.memory_space<hbm>>
      %dma_wait3A_227 = tpu.memref_squeeze %dma_wait3A_226 : memref<1x2x80xi32, #tpu.memory_space<hbm>> -> memref<2x80xi32, #tpu.memory_space<hbm>>
      tpu.wait_dma2 semaphore(%arg19 : memref<!tpu.dma_semaphore, #tpu.memory_space<semaphore_mem>>) src(%dma_wait3A_227 : memref<2x80xi32, #tpu.memory_space<hbm>>) dst(%arg8 : memref<2x80xi32, #tpu.memory_space<vmem>>)
      %dma_start3A_228 = arith.constant 0 : i32
      %dma_start3A_229 = arith.constant 0 : i32
      %dma_start3A_230 = tpu.memref_slice %arg8[%dma_start3A_228, %dma_start3A_229] : memref<2x80xi32, #tpu.memory_space<vmem>> -> memref<1x80xi32, #tpu.memory_space<vmem>>
      %dma_start3A_231 = tpu.memref_squeeze %dma_start3A_230 : memref<1x80xi32, #tpu.memory_space<vmem>> -> memref<80xi32, #tpu.memory_space<vmem>>
      %dma_start3A_232 = arith.constant 0 : i32
      %dma_start3A_233 = arith.constant 0 : i32
      %dma_start3A_234 = tpu.memref_slice %arg2[%dma_start3A_232, %dma_start3A_233] : memref<10000x128xf32, #tpu.memory_space<hbm>> -> memref<10000x128xf32, #tpu.memory_space<hbm>>
      tpu.enqueue_indirect_dma source(%dma_start3A_234 : memref<10000x128xf32, #tpu.memory_space<hbm>>) target(%arg10 : memref<80x128xf32, #tpu.memory_space<vmem>>) offsets(%dma_start3A_231 : memref<80xi32, #tpu.memory_space<vmem>>) semaphore(%arg13 : memref<!tpu.dma_semaphore, #tpu.memory_space<semaphore_mem>>)
      %add3A_235 = arith.constant 1 : i32
      %add3A_236 = arith.addi %mul3A_187, %add3A_235 : i32
      %dma_wait3A_237 = arith.constant 0 : i32
      %dma_wait3A_238 = arith.constant 0 : i32
      %dma_wait3A_239 = tpu.memref_slice %arg2[%dma_wait3A_237, %dma_wait3A_238] : memref<10000x128xf32, #tpu.memory_space<hbm>> -> memref<80x128xf32, #tpu.memory_space<hbm>>
      %dma_wait3A_240 = arith.constant 0 : i32
      %dma_wait3A_241 = arith.constant 0 : i32
      %dma_wait3A_242 = tpu.memref_slice %arg2[%dma_wait3A_240, %dma_wait3A_241] : memref<10000x128xf32, #tpu.memory_space<hbm>> -> memref<80x128xf32, #tpu.memory_space<hbm>>
      tpu.wait_dma2 semaphore(%arg14 : memref<!tpu.dma_semaphore, #tpu.memory_space<semaphore_mem>>) src(%dma_wait3A_242 : memref<80x128xf32, #tpu.memory_space<hbm>>) dst(%arg11 : memref<80x128xf32, #tpu.memory_space<vmem>>)
      %dma_start3A_243 = arith.constant 1 : i32
      %dma_start3A_244 = arith.constant 0 : i32
      %dma_start3A_245 = tpu.memref_slice %arg7[%dma_start3A_243, %dma_start3A_244] : memref<2x80xi32, #tpu.memory_space<vmem>> -> memref<1x80xi32, #tpu.memory_space<vmem>>
      %dma_start3A_246 = tpu.memref_squeeze %dma_start3A_245 : memref<1x80xi32, #tpu.memory_space<vmem>> -> memref<80xi32, #tpu.memory_space<vmem>>
      %dma_start3A_247 = arith.constant 0 : i32
      %dma_start3A_248 = arith.constant 0 : i32
      %dma_start3A_249 = tpu.memref_slice %arg12[%dma_start3A_247, %dma_start3A_248] : memref<10112x128xf32, #tpu.memory_space<vmem_shared>> -> memref<10112x128xf32, #tpu.memory_space<vmem_shared>>
      tpu.enqueue_indirect_dma source(%arg11 : memref<80x128xf32, #tpu.memory_space<vmem>>) target(%dma_start3A_249 : memref<10112x128xf32, #tpu.memory_space<vmem_shared>>) offsets(%dma_start3A_246 : memref<80xi32, #tpu.memory_space<vmem>>) semaphore(%arg16 : memref<!tpu.dma_semaphore, #tpu.memory_space<semaphore_mem>>) {add = true}
      %dma_wait3A_250 = arith.constant 0 : i32
      %dma_wait3A_251 = arith.constant 0 : i32
      %dma_wait3A_252 = tpu.memref_slice %arg2[%dma_wait3A_250, %dma_wait3A_251] : memref<10000x128xf32, #tpu.memory_space<hbm>> -> memref<80x128xf32, #tpu.memory_space<hbm>>
      %dma_wait3A_253 = arith.constant 0 : i32
      %dma_wait3A_254 = arith.constant 0 : i32
      %dma_wait3A_255 = tpu.memref_slice %arg2[%dma_wait3A_253, %dma_wait3A_254] : memref<10000x128xf32, #tpu.memory_space<hbm>> -> memref<80x128xf32, #tpu.memory_space<hbm>>
      tpu.wait_dma2 semaphore(%arg16 : memref<!tpu.dma_semaphore, #tpu.memory_space<semaphore_mem>>) src(%dma_wait3A_255 : memref<80x128xf32, #tpu.memory_space<hbm>>) dst(%arg11 : memref<80x128xf32, #tpu.memory_space<vmem>>)
      %add3A_256 = arith.addi %mul3A_4, %add3A_236 : i32
      %add3A_257 = arith.constant 4 : i32
      %add3A_258 = arith.addi %add3A_256, %add3A_257 : i32
      %dma_start3A_259 = arith.constant 0 : i32
      %dma_start3A_260 = arith.constant 0 : i32
      %dma_start3A_261 = tpu.memref_slice %arg3[%add3A_258, %dma_start3A_259, %dma_start3A_260] : memref<4096x2x80xi32, #tpu.memory_space<hbm>> -> memref<1x2x80xi32, #tpu.memory_space<hbm>>
      %dma_start3A_262 = tpu.memref_squeeze %dma_start3A_261 : memref<1x2x80xi32, #tpu.memory_space<hbm>> -> memref<2x80xi32, #tpu.memory_space<hbm>>
      %dma_start3A_263 = arith.constant 0 : i32
      %dma_start3A_264 = arith.constant 0 : i32
      %dma_start3A_265 = tpu.memref_slice %arg3[%add3A_258, %dma_start3A_263, %dma_start3A_264] : memref<4096x2x80xi32, #tpu.memory_space<hbm>> -> memref<1x2x80xi32, #tpu.memory_space<hbm>>
      %dma_start3A_266 = tpu.memref_squeeze %dma_start3A_265 : memref<1x2x80xi32, #tpu.memory_space<hbm>> -> memref<2x80xi32, #tpu.memory_space<hbm>>
      tpu.enqueue_dma source(%dma_start3A_266 : memref<2x80xi32, #tpu.memory_space<hbm>>) target(%arg7 : memref<2x80xi32, #tpu.memory_space<vmem>>) target_semaphore(%arg18 : memref<!tpu.dma_semaphore, #tpu.memory_space<semaphore_mem>>)
      %dma_wait3A_267 = arith.constant 0 : i32
      %dma_wait3A_268 = arith.constant 0 : i32
      %dma_wait3A_269 = tpu.memref_slice %arg3[%mul3A_4, %dma_wait3A_267, %dma_wait3A_268] : memref<4096x2x80xi32, #tpu.memory_space<hbm>> -> memref<1x2x80xi32, #tpu.memory_space<hbm>>
      %dma_wait3A_270 = tpu.memref_squeeze %dma_wait3A_269 : memref<1x2x80xi32, #tpu.memory_space<hbm>> -> memref<2x80xi32, #tpu.memory_space<hbm>>
      %dma_wait3A_271 = arith.constant 0 : i32
      %dma_wait3A_272 = arith.constant 0 : i32
      %dma_wait3A_273 = tpu.memref_slice %arg3[%mul3A_4, %dma_wait3A_271, %dma_wait3A_272] : memref<4096x2x80xi32, #tpu.memory_space<hbm>> -> memref<1x2x80xi32, #tpu.memory_space<hbm>>
      %dma_wait3A_274 = tpu.memref_squeeze %dma_wait3A_273 : memref<1x2x80xi32, #tpu.memory_space<hbm>> -> memref<2x80xi32, #tpu.memory_space<hbm>>
      tpu.wait_dma2 semaphore(%arg20 : memref<!tpu.dma_semaphore, #tpu.memory_space<semaphore_mem>>) src(%dma_wait3A_274 : memref<2x80xi32, #tpu.memory_space<hbm>>) dst(%arg9 : memref<2x80xi32, #tpu.memory_space<vmem>>)
      %dma_start3A_275 = arith.constant 0 : i32
      %dma_start3A_276 = arith.constant 0 : i32
      %dma_start3A_277 = tpu.memref_slice %arg9[%dma_start3A_275, %dma_start3A_276] : memref<2x80xi32, #tpu.memory_space<vmem>> -> memref<1x80xi32, #tpu.memory_space<vmem>>
      %dma_start3A_278 = tpu.memref_squeeze %dma_start3A_277 : memref<1x80xi32, #tpu.memory_space<vmem>> -> memref<80xi32, #tpu.memory_space<vmem>>
      %dma_start3A_279 = arith.constant 0 : i32
      %dma_start3A_280 = arith.constant 0 : i32
      %dma_start3A_281 = tpu.memref_slice %arg2[%dma_start3A_279, %dma_start3A_280] : memref<10000x128xf32, #tpu.memory_space<hbm>> -> memref<10000x128xf32, #tpu.memory_space<hbm>>
      tpu.enqueue_indirect_dma source(%dma_start3A_281 : memref<10000x128xf32, #tpu.memory_space<hbm>>) target(%arg11 : memref<80x128xf32, #tpu.memory_space<vmem>>) offsets(%dma_start3A_278 : memref<80xi32, #tpu.memory_space<vmem>>) semaphore(%arg14 : memref<!tpu.dma_semaphore, #tpu.memory_space<semaphore_mem>>)
      %add3A_282 = arith.constant 2 : i32
      %add3A_283 = arith.addi %mul3A_187, %add3A_282 : i32
      %dma_wait3A_284 = arith.constant 0 : i32
      %dma_wait3A_285 = arith.constant 0 : i32
      %dma_wait3A_286 = tpu.memref_slice %arg2[%dma_wait3A_284, %dma_wait3A_285] : memref<10000x128xf32, #tpu.memory_space<hbm>> -> memref<80x128xf32, #tpu.memory_space<hbm>>
      %dma_wait3A_287 = arith.constant 0 : i32
      %dma_wait3A_288 = arith.constant 0 : i32
      %dma_wait3A_289 = tpu.memref_slice %arg2[%dma_wait3A_287, %dma_wait3A_288] : memref<10000x128xf32, #tpu.memory_space<hbm>> -> memref<80x128xf32, #tpu.memory_space<hbm>>
      tpu.wait_dma2 semaphore(%arg13 : memref<!tpu.dma_semaphore, #tpu.memory_space<semaphore_mem>>) src(%dma_wait3A_289 : memref<80x128xf32, #tpu.memory_space<hbm>>) dst(%arg10 : memref<80x128xf32, #tpu.memory_space<vmem>>)
      %dma_start3A_290 = arith.constant 1 : i32
      %dma_start3A_291 = arith.constant 0 : i32
      %dma_start3A_292 = tpu.memref_slice %arg8[%dma_start3A_290, %dma_start3A_291] : memref<2x80xi32, #tpu.memory_space<vmem>> -> memref<1x80xi32, #tpu.memory_space<vmem>>
      %dma_start3A_293 = tpu.memref_squeeze %dma_start3A_292 : memref<1x80xi32, #tpu.memory_space<vmem>> -> memref<80xi32, #tpu.memory_space<vmem>>
      %dma_start3A_294 = arith.constant 0 : i32
      %dma_start3A_295 = arith.constant 0 : i32
      %dma_start3A_296 = tpu.memref_slice %arg12[%dma_start3A_294, %dma_start3A_295] : memref<10112x128xf32, #tpu.memory_space<vmem_shared>> -> memref<10112x128xf32, #tpu.memory_space<vmem_shared>>
      tpu.enqueue_indirect_dma source(%arg10 : memref<80x128xf32, #tpu.memory_space<vmem>>) target(%dma_start3A_296 : memref<10112x128xf32, #tpu.memory_space<vmem_shared>>) offsets(%dma_start3A_293 : memref<80xi32, #tpu.memory_space<vmem>>) semaphore(%arg15 : memref<!tpu.dma_semaphore, #tpu.memory_space<semaphore_mem>>) {add = true}
      %dma_wait3A_297 = arith.constant 0 : i32
      %dma_wait3A_298 = arith.constant 0 : i32
      %dma_wait3A_299 = tpu.memref_slice %arg2[%dma_wait3A_297, %dma_wait3A_298] : memref<10000x128xf32, #tpu.memory_space<hbm>> -> memref<80x128xf32, #tpu.memory_space<hbm>>
      %dma_wait3A_300 = arith.constant 0 : i32
      %dma_wait3A_301 = arith.constant 0 : i32
      %dma_wait3A_302 = tpu.memref_slice %arg2[%dma_wait3A_300, %dma_wait3A_301] : memref<10000x128xf32, #tpu.memory_space<hbm>> -> memref<80x128xf32, #tpu.memory_space<hbm>>
      tpu.wait_dma2 semaphore(%arg15 : memref<!tpu.dma_semaphore, #tpu.memory_space<semaphore_mem>>) src(%dma_wait3A_302 : memref<80x128xf32, #tpu.memory_space<hbm>>) dst(%arg10 : memref<80x128xf32, #tpu.memory_space<vmem>>)
      %add3A_303 = arith.addi %mul3A_4, %add3A_283 : i32
      %add3A_304 = arith.constant 4 : i32
      %add3A_305 = arith.addi %add3A_303, %add3A_304 : i32
      %dma_start3A_306 = arith.constant 0 : i32
      %dma_start3A_307 = arith.constant 0 : i32
      %dma_start3A_308 = tpu.memref_slice %arg3[%add3A_305, %dma_start3A_306, %dma_start3A_307] : memref<4096x2x80xi32, #tpu.memory_space<hbm>> -> memref<1x2x80xi32, #tpu.memory_space<hbm>>
      %dma_start3A_309 = tpu.memref_squeeze %dma_start3A_308 : memref<1x2x80xi32, #tpu.memory_space<hbm>> -> memref<2x80xi32, #tpu.memory_space<hbm>>
      %dma_start3A_310 = arith.constant 0 : i32
      %dma_start3A_311 = arith.constant 0 : i32
      %dma_start3A_312 = tpu.memref_slice %arg3[%add3A_305, %dma_start3A_310, %dma_start3A_311] : memref<4096x2x80xi32, #tpu.memory_space<hbm>> -> memref<1x2x80xi32, #tpu.memory_space<hbm>>
      %dma_start3A_313 = tpu.memref_squeeze %dma_start3A_312 : memref<1x2x80xi32, #tpu.memory_space<hbm>> -> memref<2x80xi32, #tpu.memory_space<hbm>>
      tpu.enqueue_dma source(%dma_start3A_313 : memref<2x80xi32, #tpu.memory_space<hbm>>) target(%arg8 : memref<2x80xi32, #tpu.memory_space<vmem>>) target_semaphore(%arg19 : memref<!tpu.dma_semaphore, #tpu.memory_space<semaphore_mem>>)
      %dma_wait3A_314 = arith.constant 0 : i32
      %dma_wait3A_315 = arith.constant 0 : i32
      %dma_wait3A_316 = tpu.memref_slice %arg3[%mul3A_4, %dma_wait3A_314, %dma_wait3A_315] : memref<4096x2x80xi32, #tpu.memory_space<hbm>> -> memref<1x2x80xi32, #tpu.memory_space<hbm>>
      %dma_wait3A_317 = tpu.memref_squeeze %dma_wait3A_316 : memref<1x2x80xi32, #tpu.memory_space<hbm>> -> memref<2x80xi32, #tpu.memory_space<hbm>>
      %dma_wait3A_318 = arith.constant 0 : i32
      %dma_wait3A_319 = arith.constant 0 : i32
      %dma_wait3A_320 = tpu.memref_slice %arg3[%mul3A_4, %dma_wait3A_318, %dma_wait3A_319] : memref<4096x2x80xi32, #tpu.memory_space<hbm>> -> memref<1x2x80xi32, #tpu.memory_space<hbm>>
      %dma_wait3A_321 = tpu.memref_squeeze %dma_wait3A_320 : memref<1x2x80xi32, #tpu.memory_space<hbm>> -> memref<2x80xi32, #tpu.memory_space<hbm>>
      tpu.wait_dma2 semaphore(%arg17 : memref<!tpu.dma_semaphore, #tpu.memory_space<semaphore_mem>>) src(%dma_wait3A_321 : memref<2x80xi32, #tpu.memory_space<hbm>>) dst(%arg6 : memref<2x80xi32, #tpu.memory_space<vmem>>)
      %dma_start3A_322 = arith.constant 0 : i32
      %dma_start3A_323 = arith.constant 0 : i32
      %dma_start3A_324 = tpu.memref_slice %arg6[%dma_start3A_322, %dma_start3A_323] : memref<2x80xi32, #tpu.memory_space<vmem>> -> memref<1x80xi32, #tpu.memory_space<vmem>>
      %dma_start3A_325 = tpu.memref_squeeze %dma_start3A_324 : memref<1x80xi32, #tpu.memory_space<vmem>> -> memref<80xi32, #tpu.memory_space<vmem>>
      %dma_start3A_326 = arith.constant 0 : i32
      %dma_start3A_327 = arith.constant 0 : i32
      %dma_start3A_328 = tpu.memref_slice %arg2[%dma_start3A_326, %dma_start3A_327] : memref<10000x128xf32, #tpu.memory_space<hbm>> -> memref<10000x128xf32, #tpu.memory_space<hbm>>
      tpu.enqueue_indirect_dma source(%dma_start3A_328 : memref<10000x128xf32, #tpu.memory_space<hbm>>) target(%arg10 : memref<80x128xf32, #tpu.memory_space<vmem>>) offsets(%dma_start3A_325 : memref<80xi32, #tpu.memory_space<vmem>>) semaphore(%arg13 : memref<!tpu.dma_semaphore, #tpu.memory_space<semaphore_mem>>)
      %add3A_329 = arith.constant 3 : i32
      %add3A_330 = arith.addi %mul3A_187, %add3A_329 : i32
      %dma_wait3A_331 = arith.constant 0 : i32
      %dma_wait3A_332 = arith.constant 0 : i32
      %dma_wait3A_333 = tpu.memref_slice %arg2[%dma_wait3A_331, %dma_wait3A_332] : memref<10000x128xf32, #tpu.memory_space<hbm>> -> memref<80x128xf32, #tpu.memory_space<hbm>>
      %dma_wait3A_334 = arith.constant 0 : i32
      %dma_wait3A_335 = arith.constant 0 : i32
      %dma_wait3A_336 = tpu.memref_slice %arg2[%dma_wait3A_334, %dma_wait3A_335] : memref<10000x128xf32, #tpu.memory_space<hbm>> -> memref<80x128xf32, #tpu.memory_space<hbm>>
      tpu.wait_dma2 semaphore(%arg14 : memref<!tpu.dma_semaphore, #tpu.memory_space<semaphore_mem>>) src(%dma_wait3A_336 : memref<80x128xf32, #tpu.memory_space<hbm>>) dst(%arg11 : memref<80x128xf32, #tpu.memory_space<vmem>>)
      %dma_start3A_337 = arith.constant 1 : i32
      %dma_start3A_338 = arith.constant 0 : i32
      %dma_start3A_339 = tpu.memref_slice %arg9[%dma_start3A_337, %dma_start3A_338] : memref<2x80xi32, #tpu.memory_space<vmem>> -> memref<1x80xi32, #tpu.memory_space<vmem>>
      %dma_start3A_340 = tpu.memref_squeeze %dma_start3A_339 : memref<1x80xi32, #tpu.memory_space<vmem>> -> memref<80xi32, #tpu.memory_space<vmem>>
      %dma_start3A_341 = arith.constant 0 : i32
      %dma_start3A_342 = arith.constant 0 : i32
      %dma_start3A_343 = tpu.memref_slice %arg12[%dma_start3A_341, %dma_start3A_342] : memref<10112x128xf32, #tpu.memory_space<vmem_shared>> -> memref<10112x128xf32, #tpu.memory_space<vmem_shared>>
      tpu.enqueue_indirect_dma source(%arg11 : memref<80x128xf32, #tpu.memory_space<vmem>>) target(%dma_start3A_343 : memref<10112x128xf32, #tpu.memory_space<vmem_shared>>) offsets(%dma_start3A_340 : memref<80xi32, #tpu.memory_space<vmem>>) semaphore(%arg16 : memref<!tpu.dma_semaphore, #tpu.memory_space<semaphore_mem>>) {add = true}
      %dma_wait3A_344 = arith.constant 0 : i32
      %dma_wait3A_345 = arith.constant 0 : i32
      %dma_wait3A_346 = tpu.memref_slice %arg2[%dma_wait3A_344, %dma_wait3A_345] : memref<10000x128xf32, #tpu.memory_space<hbm>> -> memref<80x128xf32, #tpu.memory_space<hbm>>
      %dma_wait3A_347 = arith.constant 0 : i32
      %dma_wait3A_348 = arith.constant 0 : i32
      %dma_wait3A_349 = tpu.memref_slice %arg2[%dma_wait3A_347, %dma_wait3A_348] : memref<10000x128xf32, #tpu.memory_space<hbm>> -> memref<80x128xf32, #tpu.memory_space<hbm>>
      tpu.wait_dma2 semaphore(%arg16 : memref<!tpu.dma_semaphore, #tpu.memory_space<semaphore_mem>>) src(%dma_wait3A_349 : memref<80x128xf32, #tpu.memory_space<hbm>>) dst(%arg11 : memref<80x128xf32, #tpu.memory_space<vmem>>)
      %add3A_350 = arith.addi %mul3A_4, %add3A_330 : i32
      %add3A_351 = arith.constant 4 : i32
      %add3A_352 = arith.addi %add3A_350, %add3A_351 : i32
      %dma_start3A_353 = arith.constant 0 : i32
      %dma_start3A_354 = arith.constant 0 : i32
      %dma_start3A_355 = tpu.memref_slice %arg3[%add3A_352, %dma_start3A_353, %dma_start3A_354] : memref<4096x2x80xi32, #tpu.memory_space<hbm>> -> memref<1x2x80xi32, #tpu.memory_space<hbm>>
      %dma_start3A_356 = tpu.memref_squeeze %dma_start3A_355 : memref<1x2x80xi32, #tpu.memory_space<hbm>> -> memref<2x80xi32, #tpu.memory_space<hbm>>
      %dma_start3A_357 = arith.constant 0 : i32
      %dma_start3A_358 = arith.constant 0 : i32
      %dma_start3A_359 = tpu.memref_slice %arg3[%add3A_352, %dma_start3A_357, %dma_start3A_358] : memref<4096x2x80xi32, #tpu.memory_space<hbm>> -> memref<1x2x80xi32, #tpu.memory_space<hbm>>
      %dma_start3A_360 = tpu.memref_squeeze %dma_start3A_359 : memref<1x2x80xi32, #tpu.memory_space<hbm>> -> memref<2x80xi32, #tpu.memory_space<hbm>>
      tpu.enqueue_dma source(%dma_start3A_360 : memref<2x80xi32, #tpu.memory_space<hbm>>) target(%arg9 : memref<2x80xi32, #tpu.memory_space<vmem>>) target_semaphore(%arg20 : memref<!tpu.dma_semaphore, #tpu.memory_space<semaphore_mem>>)
      %dma_wait3A_361 = arith.constant 0 : i32
      %dma_wait3A_362 = arith.constant 0 : i32
      %dma_wait3A_363 = tpu.memref_slice %arg3[%mul3A_4, %dma_wait3A_361, %dma_wait3A_362] : memref<4096x2x80xi32, #tpu.memory_space<hbm>> -> memref<1x2x80xi32, #tpu.memory_space<hbm>>
      %dma_wait3A_364 = tpu.memref_squeeze %dma_wait3A_363 : memref<1x2x80xi32, #tpu.memory_space<hbm>> -> memref<2x80xi32, #tpu.memory_space<hbm>>
      %dma_wait3A_365 = arith.constant 0 : i32
      %dma_wait3A_366 = arith.constant 0 : i32
      %dma_wait3A_367 = tpu.memref_slice %arg3[%mul3A_4, %dma_wait3A_365, %dma_wait3A_366] : memref<4096x2x80xi32, #tpu.memory_space<hbm>> -> memref<1x2x80xi32, #tpu.memory_space<hbm>>
      %dma_wait3A_368 = tpu.memref_squeeze %dma_wait3A_367 : memref<1x2x80xi32, #tpu.memory_space<hbm>> -> memref<2x80xi32, #tpu.memory_space<hbm>>
      tpu.wait_dma2 semaphore(%arg18 : memref<!tpu.dma_semaphore, #tpu.memory_space<semaphore_mem>>) src(%dma_wait3A_368 : memref<2x80xi32, #tpu.memory_space<hbm>>) dst(%arg7 : memref<2x80xi32, #tpu.memory_space<vmem>>)
      %dma_start3A_369 = arith.constant 0 : i32
      %dma_start3A_370 = arith.constant 0 : i32
      %dma_start3A_371 = tpu.memref_slice %arg7[%dma_start3A_369, %dma_start3A_370] : memref<2x80xi32, #tpu.memory_space<vmem>> -> memref<1x80xi32, #tpu.memory_space<vmem>>
      %dma_start3A_372 = tpu.memref_squeeze %dma_start3A_371 : memref<1x80xi32, #tpu.memory_space<vmem>> -> memref<80xi32, #tpu.memory_space<vmem>>
      %dma_start3A_373 = arith.constant 0 : i32
      %dma_start3A_374 = arith.constant 0 : i32
      %dma_start3A_375 = tpu.memref_slice %arg2[%dma_start3A_373, %dma_start3A_374] : memref<10000x128xf32, #tpu.memory_space<hbm>> -> memref<10000x128xf32, #tpu.memory_space<hbm>>
      tpu.enqueue_indirect_dma source(%dma_start3A_375 : memref<10000x128xf32, #tpu.memory_space<hbm>>) target(%arg11 : memref<80x128xf32, #tpu.memory_space<vmem>>) offsets(%dma_start3A_372 : memref<80xi32, #tpu.memory_space<vmem>>) semaphore(%arg14 : memref<!tpu.dma_semaphore, #tpu.memory_space<semaphore_mem>>)
    }
    %scan3A_77 = arith.constant 31 : i32
    %dma_wait3A_78 = arith.constant 0 : i32
    %dma_wait3A_79 = arith.constant 0 : i32
    %dma_wait3A_80 = tpu.memref_slice %arg2[%dma_wait3A_78, %dma_wait3A_79] : memref<10000x128xf32, #tpu.memory_space<hbm>> -> memref<80x128xf32, #tpu.memory_space<hbm>>
    %dma_wait3A_81 = arith.constant 0 : i32
    %dma_wait3A_82 = arith.constant 0 : i32
    %dma_wait3A_83 = tpu.memref_slice %arg2[%dma_wait3A_81, %dma_wait3A_82] : memref<10000x128xf32, #tpu.memory_space<hbm>> -> memref<80x128xf32, #tpu.memory_space<hbm>>
    tpu.wait_dma2 semaphore(%arg13 : memref<!tpu.dma_semaphore, #tpu.memory_space<semaphore_mem>>) src(%dma_wait3A_83 : memref<80x128xf32, #tpu.memory_space<hbm>>) dst(%arg10 : memref<80x128xf32, #tpu.memory_space<vmem>>)
    %dma_start3A_84 = arith.constant 1 : i32
    %dma_start3A_85 = arith.constant 0 : i32
    %dma_start3A_86 = tpu.memref_slice %arg6[%dma_start3A_84, %dma_start3A_85] : memref<2x80xi32, #tpu.memory_space<vmem>> -> memref<1x80xi32, #tpu.memory_space<vmem>>
    %dma_start3A_87 = tpu.memref_squeeze %dma_start3A_86 : memref<1x80xi32, #tpu.memory_space<vmem>> -> memref<80xi32, #tpu.memory_space<vmem>>
    %dma_start3A_88 = arith.constant 0 : i32
    %dma_start3A_89 = arith.constant 0 : i32
    %dma_start3A_90 = tpu.memref_slice %arg12[%dma_start3A_88, %dma_start3A_89] : memref<10112x128xf32, #tpu.memory_space<vmem_shared>> -> memref<10112x128xf32, #tpu.memory_space<vmem_shared>>
    tpu.enqueue_indirect_dma source(%arg10 : memref<80x128xf32, #tpu.memory_space<vmem>>) target(%dma_start3A_90 : memref<10112x128xf32, #tpu.memory_space<vmem_shared>>) offsets(%dma_start3A_87 : memref<80xi32, #tpu.memory_space<vmem>>) semaphore(%arg15 : memref<!tpu.dma_semaphore, #tpu.memory_space<semaphore_mem>>) {add = true}
    %dma_wait3A_91 = arith.constant 0 : i32
    %dma_wait3A_92 = arith.constant 0 : i32
    %dma_wait3A_93 = tpu.memref_slice %arg2[%dma_wait3A_91, %dma_wait3A_92] : memref<10000x128xf32, #tpu.memory_space<hbm>> -> memref<80x128xf32, #tpu.memory_space<hbm>>
    %dma_wait3A_94 = arith.constant 0 : i32
    %dma_wait3A_95 = arith.constant 0 : i32
    %dma_wait3A_96 = tpu.memref_slice %arg2[%dma_wait3A_94, %dma_wait3A_95] : memref<10000x128xf32, #tpu.memory_space<hbm>> -> memref<80x128xf32, #tpu.memory_space<hbm>>
    tpu.wait_dma2 semaphore(%arg15 : memref<!tpu.dma_semaphore, #tpu.memory_space<semaphore_mem>>) src(%dma_wait3A_96 : memref<80x128xf32, #tpu.memory_space<hbm>>) dst(%arg10 : memref<80x128xf32, #tpu.memory_space<vmem>>)
    %dma_wait3A_97 = arith.constant 0 : i32
    %dma_wait3A_98 = arith.constant 0 : i32
    %dma_wait3A_99 = tpu.memref_slice %arg3[%mul3A_4, %dma_wait3A_97, %dma_wait3A_98] : memref<4096x2x80xi32, #tpu.memory_space<hbm>> -> memref<1x2x80xi32, #tpu.memory_space<hbm>>
    %dma_wait3A_100 = tpu.memref_squeeze %dma_wait3A_99 : memref<1x2x80xi32, #tpu.memory_space<hbm>> -> memref<2x80xi32, #tpu.memory_space<hbm>>
    %dma_wait3A_101 = arith.constant 0 : i32
    %dma_wait3A_102 = arith.constant 0 : i32
    %dma_wait3A_103 = tpu.memref_slice %arg3[%mul3A_4, %dma_wait3A_101, %dma_wait3A_102] : memref<4096x2x80xi32, #tpu.memory_space<hbm>> -> memref<1x2x80xi32, #tpu.memory_space<hbm>>
    %dma_wait3A_104 = tpu.memref_squeeze %dma_wait3A_103 : memref<1x2x80xi32, #tpu.memory_space<hbm>> -> memref<2x80xi32, #tpu.memory_space<hbm>>
    tpu.wait_dma2 semaphore(%arg19 : memref<!tpu.dma_semaphore, #tpu.memory_space<semaphore_mem>>) src(%dma_wait3A_104 : memref<2x80xi32, #tpu.memory_space<hbm>>) dst(%arg8 : memref<2x80xi32, #tpu.memory_space<vmem>>)
    %dma_start3A_105 = arith.constant 0 : i32
    %dma_start3A_106 = arith.constant 0 : i32
    %dma_start3A_107 = tpu.memref_slice %arg8[%dma_start3A_105, %dma_start3A_106] : memref<2x80xi32, #tpu.memory_space<vmem>> -> memref<1x80xi32, #tpu.memory_space<vmem>>
    %dma_start3A_108 = tpu.memref_squeeze %dma_start3A_107 : memref<1x80xi32, #tpu.memory_space<vmem>> -> memref<80xi32, #tpu.memory_space<vmem>>
    %dma_start3A_109 = arith.constant 0 : i32
    %dma_start3A_110 = arith.constant 0 : i32
    %dma_start3A_111 = tpu.memref_slice %arg2[%dma_start3A_109, %dma_start3A_110] : memref<10000x128xf32, #tpu.memory_space<hbm>> -> memref<10000x128xf32, #tpu.memory_space<hbm>>
    tpu.enqueue_indirect_dma source(%dma_start3A_111 : memref<10000x128xf32, #tpu.memory_space<hbm>>) target(%arg10 : memref<80x128xf32, #tpu.memory_space<vmem>>) offsets(%dma_start3A_108 : memref<80xi32, #tpu.memory_space<vmem>>) semaphore(%arg13 : memref<!tpu.dma_semaphore, #tpu.memory_space<semaphore_mem>>)
    %dma_wait3A_112 = arith.constant 0 : i32
    %dma_wait3A_113 = arith.constant 0 : i32
    %dma_wait3A_114 = tpu.memref_slice %arg2[%dma_wait3A_112, %dma_wait3A_113] : memref<10000x128xf32, #tpu.memory_space<hbm>> -> memref<80x128xf32, #tpu.memory_space<hbm>>
    %dma_wait3A_115 = arith.constant 0 : i32
    %dma_wait3A_116 = arith.constant 0 : i32
    %dma_wait3A_117 = tpu.memref_slice %arg2[%dma_wait3A_115, %dma_wait3A_116] : memref<10000x128xf32, #tpu.memory_space<hbm>> -> memref<80x128xf32, #tpu.memory_space<hbm>>
    tpu.wait_dma2 semaphore(%arg14 : memref<!tpu.dma_semaphore, #tpu.memory_space<semaphore_mem>>) src(%dma_wait3A_117 : memref<80x128xf32, #tpu.memory_space<hbm>>) dst(%arg11 : memref<80x128xf32, #tpu.memory_space<vmem>>)
    %dma_start3A_118 = arith.constant 1 : i32
    %dma_start3A_119 = arith.constant 0 : i32
    %dma_start3A_120 = tpu.memref_slice %arg7[%dma_start3A_118, %dma_start3A_119] : memref<2x80xi32, #tpu.memory_space<vmem>> -> memref<1x80xi32, #tpu.memory_space<vmem>>
    %dma_start3A_121 = tpu.memref_squeeze %dma_start3A_120 : memref<1x80xi32, #tpu.memory_space<vmem>> -> memref<80xi32, #tpu.memory_space<vmem>>
    %dma_start3A_122 = arith.constant 0 : i32
    %dma_start3A_123 = arith.constant 0 : i32
    %dma_start3A_124 = tpu.memref_slice %arg12[%dma_start3A_122, %dma_start3A_123] : memref<10112x128xf32, #tpu.memory_space<vmem_shared>> -> memref<10112x128xf32, #tpu.memory_space<vmem_shared>>
    tpu.enqueue_indirect_dma source(%arg11 : memref<80x128xf32, #tpu.memory_space<vmem>>) target(%dma_start3A_124 : memref<10112x128xf32, #tpu.memory_space<vmem_shared>>) offsets(%dma_start3A_121 : memref<80xi32, #tpu.memory_space<vmem>>) semaphore(%arg16 : memref<!tpu.dma_semaphore, #tpu.memory_space<semaphore_mem>>) {add = true}
    %dma_wait3A_125 = arith.constant 0 : i32
    %dma_wait3A_126 = arith.constant 0 : i32
    %dma_wait3A_127 = tpu.memref_slice %arg2[%dma_wait3A_125, %dma_wait3A_126] : memref<10000x128xf32, #tpu.memory_space<hbm>> -> memref<80x128xf32, #tpu.memory_space<hbm>>
    %dma_wait3A_128 = arith.constant 0 : i32
    %dma_wait3A_129 = arith.constant 0 : i32
    %dma_wait3A_130 = tpu.memref_slice %arg2[%dma_wait3A_128, %dma_wait3A_129] : memref<10000x128xf32, #tpu.memory_space<hbm>> -> memref<80x128xf32, #tpu.memory_space<hbm>>
    tpu.wait_dma2 semaphore(%arg16 : memref<!tpu.dma_semaphore, #tpu.memory_space<semaphore_mem>>) src(%dma_wait3A_130 : memref<80x128xf32, #tpu.memory_space<hbm>>) dst(%arg11 : memref<80x128xf32, #tpu.memory_space<vmem>>)
    %dma_wait3A_131 = arith.constant 0 : i32
    %dma_wait3A_132 = arith.constant 0 : i32
    %dma_wait3A_133 = tpu.memref_slice %arg3[%mul3A_4, %dma_wait3A_131, %dma_wait3A_132] : memref<4096x2x80xi32, #tpu.memory_space<hbm>> -> memref<1x2x80xi32, #tpu.memory_space<hbm>>
    %dma_wait3A_134 = tpu.memref_squeeze %dma_wait3A_133 : memref<1x2x80xi32, #tpu.memory_space<hbm>> -> memref<2x80xi32, #tpu.memory_space<hbm>>
    %dma_wait3A_135 = arith.constant 0 : i32
    %dma_wait3A_136 = arith.constant 0 : i32
    %dma_wait3A_137 = tpu.memref_slice %arg3[%mul3A_4, %dma_wait3A_135, %dma_wait3A_136] : memref<4096x2x80xi32, #tpu.memory_space<hbm>> -> memref<1x2x80xi32, #tpu.memory_space<hbm>>
    %dma_wait3A_138 = tpu.memref_squeeze %dma_wait3A_137 : memref<1x2x80xi32, #tpu.memory_space<hbm>> -> memref<2x80xi32, #tpu.memory_space<hbm>>
    tpu.wait_dma2 semaphore(%arg20 : memref<!tpu.dma_semaphore, #tpu.memory_space<semaphore_mem>>) src(%dma_wait3A_138 : memref<2x80xi32, #tpu.memory_space<hbm>>) dst(%arg9 : memref<2x80xi32, #tpu.memory_space<vmem>>)
    %dma_start3A_139 = arith.constant 0 : i32
    %dma_start3A_140 = arith.constant 0 : i32
    %dma_start3A_141 = tpu.memref_slice %arg9[%dma_start3A_139, %dma_start3A_140] : memref<2x80xi32, #tpu.memory_space<vmem>> -> memref<1x80xi32, #tpu.memory_space<vmem>>
    %dma_start3A_142 = tpu.memref_squeeze %dma_start3A_141 : memref<1x80xi32, #tpu.memory_space<vmem>> -> memref<80xi32, #tpu.memory_space<vmem>>
    %dma_start3A_143 = arith.constant 0 : i32
    %dma_start3A_144 = arith.constant 0 : i32
    %dma_start3A_145 = tpu.memref_slice %arg2[%dma_start3A_143, %dma_start3A_144] : memref<10000x128xf32, #tpu.memory_space<hbm>> -> memref<10000x128xf32, #tpu.memory_space<hbm>>
    tpu.enqueue_indirect_dma source(%dma_start3A_145 : memref<10000x128xf32, #tpu.memory_space<hbm>>) target(%arg11 : memref<80x128xf32, #tpu.memory_space<vmem>>) offsets(%dma_start3A_142 : memref<80xi32, #tpu.memory_space<vmem>>) semaphore(%arg14 : memref<!tpu.dma_semaphore, #tpu.memory_space<semaphore_mem>>)
    %dma_wait3A_146 = arith.constant 0 : i32
    %dma_wait3A_147 = arith.constant 0 : i32
    %dma_wait3A_148 = tpu.memref_slice %arg2[%dma_wait3A_146, %dma_wait3A_147] : memref<10000x128xf32, #tpu.memory_space<hbm>> -> memref<80x128xf32, #tpu.memory_space<hbm>>
    %dma_wait3A_149 = arith.constant 0 : i32
    %dma_wait3A_150 = arith.constant 0 : i32
    %dma_wait3A_151 = tpu.memref_slice %arg2[%dma_wait3A_149, %dma_wait3A_150] : memref<10000x128xf32, #tpu.memory_space<hbm>> -> memref<80x128xf32, #tpu.memory_space<hbm>>
    tpu.wait_dma2 semaphore(%arg13 : memref<!tpu.dma_semaphore, #tpu.memory_space<semaphore_mem>>) src(%dma_wait3A_151 : memref<80x128xf32, #tpu.memory_space<hbm>>) dst(%arg10 : memref<80x128xf32, #tpu.memory_space<vmem>>)
    %dma_start3A_152 = arith.constant 1 : i32
    %dma_start3A_153 = arith.constant 0 : i32
    %dma_start3A_154 = tpu.memref_slice %arg8[%dma_start3A_152, %dma_start3A_153] : memref<2x80xi32, #tpu.memory_space<vmem>> -> memref<1x80xi32, #tpu.memory_space<vmem>>
    %dma_start3A_155 = tpu.memref_squeeze %dma_start3A_154 : memref<1x80xi32, #tpu.memory_space<vmem>> -> memref<80xi32, #tpu.memory_space<vmem>>
    %dma_start3A_156 = arith.constant 0 : i32
    %dma_start3A_157 = arith.constant 0 : i32
    %dma_start3A_158 = tpu.memref_slice %arg12[%dma_start3A_156, %dma_start3A_157] : memref<10112x128xf32, #tpu.memory_space<vmem_shared>> -> memref<10112x128xf32, #tpu.memory_space<vmem_shared>>
    tpu.enqueue_indirect_dma source(%arg10 : memref<80x128xf32, #tpu.memory_space<vmem>>) target(%dma_start3A_158 : memref<10112x128xf32, #tpu.memory_space<vmem_shared>>) offsets(%dma_start3A_155 : memref<80xi32, #tpu.memory_space<vmem>>) semaphore(%arg15 : memref<!tpu.dma_semaphore, #tpu.memory_space<semaphore_mem>>) {add = true}
    %dma_wait3A_159 = arith.constant 0 : i32
    %dma_wait3A_160 = arith.constant 0 : i32
    %dma_wait3A_161 = tpu.memref_slice %arg2[%dma_wait3A_159, %dma_wait3A_160] : memref<10000x128xf32, #tpu.memory_space<hbm>> -> memref<80x128xf32, #tpu.memory_space<hbm>>
    %dma_wait3A_162 = arith.constant 0 : i32
    %dma_wait3A_163 = arith.constant 0 : i32
    %dma_wait3A_164 = tpu.memref_slice %arg2[%dma_wait3A_162, %dma_wait3A_163] : memref<10000x128xf32, #tpu.memory_space<hbm>> -> memref<80x128xf32, #tpu.memory_space<hbm>>
    tpu.wait_dma2 semaphore(%arg15 : memref<!tpu.dma_semaphore, #tpu.memory_space<semaphore_mem>>) src(%dma_wait3A_164 : memref<80x128xf32, #tpu.memory_space<hbm>>) dst(%arg10 : memref<80x128xf32, #tpu.memory_space<vmem>>)
    %dma_wait3A_165 = arith.constant 0 : i32
    %dma_wait3A_166 = arith.constant 0 : i32
    %dma_wait3A_167 = tpu.memref_slice %arg2[%dma_wait3A_165, %dma_wait3A_166] : memref<10000x128xf32, #tpu.memory_space<hbm>> -> memref<80x128xf32, #tpu.memory_space<hbm>>
    %dma_wait3A_168 = arith.constant 0 : i32
    %dma_wait3A_169 = arith.constant 0 : i32
    %dma_wait3A_170 = tpu.memref_slice %arg2[%dma_wait3A_168, %dma_wait3A_169] : memref<10000x128xf32, #tpu.memory_space<hbm>> -> memref<80x128xf32, #tpu.memory_space<hbm>>
    tpu.wait_dma2 semaphore(%arg14 : memref<!tpu.dma_semaphore, #tpu.memory_space<semaphore_mem>>) src(%dma_wait3A_170 : memref<80x128xf32, #tpu.memory_space<hbm>>) dst(%arg11 : memref<80x128xf32, #tpu.memory_space<vmem>>)
    %dma_start3A_171 = arith.constant 1 : i32
    %dma_start3A_172 = arith.constant 0 : i32
    %dma_start3A_173 = tpu.memref_slice %arg9[%dma_start3A_171, %dma_start3A_172] : memref<2x80xi32, #tpu.memory_space<vmem>> -> memref<1x80xi32, #tpu.memory_space<vmem>>
    %dma_start3A_174 = tpu.memref_squeeze %dma_start3A_173 : memref<1x80xi32, #tpu.memory_space<vmem>> -> memref<80xi32, #tpu.memory_space<vmem>>
    %dma_start3A_175 = arith.constant 0 : i32
    %dma_start3A_176 = arith.constant 0 : i32
    %dma_start3A_177 = tpu.memref_slice %arg12[%dma_start3A_175, %dma_start3A_176] : memref<10112x128xf32, #tpu.memory_space<vmem_shared>> -> memref<10112x128xf32, #tpu.memory_space<vmem_shared>>
    tpu.enqueue_indirect_dma source(%arg11 : memref<80x128xf32, #tpu.memory_space<vmem>>) target(%dma_start3A_177 : memref<10112x128xf32, #tpu.memory_space<vmem_shared>>) offsets(%dma_start3A_174 : memref<80xi32, #tpu.memory_space<vmem>>) semaphore(%arg16 : memref<!tpu.dma_semaphore, #tpu.memory_space<semaphore_mem>>) {add = true}
    %dma_wait3A_178 = arith.constant 0 : i32
    %dma_wait3A_179 = arith.constant 0 : i32
    %dma_wait3A_180 = tpu.memref_slice %arg2[%dma_wait3A_178, %dma_wait3A_179] : memref<10000x128xf32, #tpu.memory_space<hbm>> -> memref<80x128xf32, #tpu.memory_space<hbm>>
    %dma_wait3A_181 = arith.constant 0 : i32
    %dma_wait3A_182 = arith.constant 0 : i32
    %dma_wait3A_183 = tpu.memref_slice %arg2[%dma_wait3A_181, %dma_wait3A_182] : memref<10000x128xf32, #tpu.memory_space<hbm>> -> memref<80x128xf32, #tpu.memory_space<hbm>>
    tpu.wait_dma2 semaphore(%arg16 : memref<!tpu.dma_semaphore, #tpu.memory_space<semaphore_mem>>) src(%dma_wait3A_183 : memref<80x128xf32, #tpu.memory_space<hbm>>) dst(%arg11 : memref<80x128xf32, #tpu.memory_space<vmem>>)
    %barrier3A_184 = arith.constant 0 : index
    tpu.barrier barrier_id(%barrier3A_184)
    "tpu.region"() ({
      %run_scoped3A = tpu.sem_alloc : memref<!tpu.dma_semaphore, #tpu.memory_space<semaphore_mem>>
      %dma_start3A_185 = arith.constant 0 : i32
      %dma_start3A_186 = tpu.memref_slice %arg5[%arg0, %mul3A_2, %dma_start3A_185] : memref<2x10112x128xf32, #tpu.memory_space<hbm>> -> memref<1x632x128xf32, #tpu.memory_space<hbm>>
      %dma_start3A_187 = tpu.memref_squeeze %dma_start3A_186 : memref<1x632x128xf32, #tpu.memory_space<hbm>> -> memref<632x128xf32, #tpu.memory_space<hbm>>
      %dma_start3A_188 = arith.constant 0 : i32
      %dma_start3A_189 = tpu.memref_slice %arg12[%mul3A_2, %dma_start3A_188] : memref<10112x128xf32, #tpu.memory_space<vmem_shared>> -> memref<632x128xf32, #tpu.memory_space<vmem_shared>>
      tpu.enqueue_dma source(%dma_start3A_189 : memref<632x128xf32, #tpu.memory_space<vmem_shared>>) target(%dma_start3A_187 : memref<632x128xf32, #tpu.memory_space<hbm>>) target_semaphore(%run_scoped3A : memref<!tpu.dma_semaphore, #tpu.memory_space<semaphore_mem>>)
      %dma_wait3A_190 = arith.constant 0 : i32
      %dma_wait3A_191 = tpu.memref_slice %arg5[%arg0, %mul3A_2, %dma_wait3A_190] : memref<2x10112x128xf32, #tpu.memory_space<hbm>> -> memref<1x632x128xf32, #tpu.memory_space<hbm>>
      %dma_wait3A_192 = tpu.memref_squeeze %dma_wait3A_191 : memref<1x632x128xf32, #tpu.memory_space<hbm>> -> memref<632x128xf32, #tpu.memory_space<hbm>>
      %dma_wait3A_193 = arith.constant 0 : i32
      %dma_wait3A_194 = tpu.memref_slice %arg12[%mul3A_2, %dma_wait3A_193] : memref<10112x128xf32, #tpu.memory_space<vmem_shared>> -> memref<632x128xf32, #tpu.memory_space<vmem_shared>>
      tpu.wait_dma2 semaphore(%run_scoped3A : memref<!tpu.dma_semaphore, #tpu.memory_space<semaphore_mem>>) src(%dma_wait3A_194 : memref<632x128xf32, #tpu.memory_space<vmem_shared>>) dst(%dma_wait3A_192 : memref<632x128xf32, #tpu.memory_space<hbm>>)
      tpu.yield
    }) : () -> ()
    return
  }
}

#map = affine_map<(d0, d1) -> (0, 0)>
#map1 = affine_map<(d0, d1) -> (0, 0, 0)>
module attributes {stable_mosaic.version = 14 : i64} {
  func.func @body(%arg0: i32, %arg1: i32, %arg2: memref<10000x128xf32, #tpu.memory_space<hbm>>, %arg3: memref<4096x2x80xi32, #tpu.memory_space<hbm>>, %arg4: memref<632x128xf32, #tpu.memory_space<hbm>>, %arg5: memref<2x10112x128xf32, #tpu.memory_space<hbm>>, %arg6: memref<2x80xi32, #tpu.memory_space<vmem>>, %arg7: memref<2x80xi32, #tpu.memory_space<vmem>>, %arg8: memref<2x80xi32, #tpu.memory_space<vmem>>, %arg9: memref<2x80xi32, #tpu.memory_space<vmem>>, %arg10: memref<80x128xf32, #tpu.memory_space<vmem>>, %arg11: memref<80x128xf32, #tpu.memory_space<vmem>>, %arg12: memref<10112x128xf32, #tpu.memory_space<vmem_shared>>, %arg13: memref<!tpu.dma_semaphore, #tpu.memory_space<semaphore_mem>>, %arg14: memref<!tpu.dma_semaphore, #tpu.memory_space<semaphore_mem>>, %arg15: memref<!tpu.dma_semaphore, #tpu.memory_space<semaphore_mem>>, %arg16: memref<!tpu.dma_semaphore, #tpu.memory_space<semaphore_mem>>, %arg17: memref<!tpu.dma_semaphore, #tpu.memory_space<semaphore_mem>>, %arg18: memref<!tpu.dma_semaphore, #tpu.memory_space<semaphore_mem>>, %arg19: memref<!tpu.dma_semaphore, #tpu.memory_space<semaphore_mem>>, %arg20: memref<!tpu.dma_semaphore, #tpu.memory_space<semaphore_mem>>) attributes {dimension_semantics = [#tpu.dimension_semantics<core_parallel>, #tpu.dimension_semantics<subcore_parallel>], iteration_bounds = array<i64: 2, 16>, scalar_prefetch = 0 : i64, scratch_operands = 15 : i64, tpu.core_type = #tpu.core_type<sc_vector_subcore>, window_params = [{transform_indices = #map}, {transform_indices = #map1}, {transform_indices = #map}, {transform_indices = #map1}]} {
    %mul3A = arith.constant 16 : i32
    %mul3A_0 = arith.muli %arg0, %mul3A : i32
    %add3A = arith.addi %mul3A_0, %arg1 : i32
    %mul3A_1 = arith.constant 632 : i32
    %mul3A_2 = arith.muli %arg1, %mul3A_1 : i32
    %mul3A_3 = arith.constant 128 : i32
    %mul3A_4 = arith.muli %add3A, %mul3A_3 : i32
    "tpu.region"() ({
      %run_scoped3A = tpu.sem_alloc : memref<!tpu.dma_semaphore, #tpu.memory_space<semaphore_mem>>
      %dma_start3A_185 = arith.constant 0 : i32
      %dma_start3A_186 = tpu.memref_slice %arg12[%mul3A_2, %dma_start3A_185] : memref<10112x128xf32, #tpu.memory_space<vmem_shared>> -> memref<632x128xf32, #tpu.memory_space<vmem_shared>>
      tpu.enqueue_dma source(%arg4 : memref<632x128xf32, #tpu.memory_space<hbm>>) target(%dma_start3A_186 : memref<632x128xf32, #tpu.memory_space<vmem_shared>>) target_semaphore(%run_scoped3A : memref<!tpu.dma_semaphore, #tpu.memory_space<semaphore_mem>>)
      %dma_wait3A_187 = arith.constant 0 : i32
      %dma_wait3A_188 = tpu.memref_slice %arg12[%mul3A_2, %dma_wait3A_187] : memref<10112x128xf32, #tpu.memory_space<vmem_shared>> -> memref<632x128xf32, #tpu.memory_space<vmem_shared>>
      tpu.wait_dma2 semaphore(%run_scoped3A : memref<!tpu.dma_semaphore, #tpu.memory_space<semaphore_mem>>) src(%arg4 : memref<632x128xf32, #tpu.memory_space<hbm>>) dst(%dma_wait3A_188 : memref<632x128xf32, #tpu.memory_space<vmem_shared>>)
      tpu.yield
    }) : () -> ()
    %barrier3A = arith.constant 0 : index
    tpu.barrier barrier_id(%barrier3A)
    %add3A_5 = arith.constant 0 : i32
    %add3A_6 = arith.addi %mul3A_4, %add3A_5 : i32
    %dma_start3A = arith.constant 0 : i32
    %dma_start3A_7 = arith.constant 0 : i32
    %dma_start3A_8 = tpu.memref_slice %arg3[%add3A_6, %dma_start3A, %dma_start3A_7] : memref<4096x2x80xi32, #tpu.memory_space<hbm>> -> memref<1x2x80xi32, #tpu.memory_space<hbm>>
    %dma_start3A_9 = tpu.memref_squeeze %dma_start3A_8 : memref<1x2x80xi32, #tpu.memory_space<hbm>> -> memref<2x80xi32, #tpu.memory_space<hbm>>
    %dma_start3A_10 = arith.constant 0 : i32
    %dma_start3A_11 = arith.constant 0 : i32
    %dma_start3A_12 = tpu.memref_slice %arg3[%add3A_6, %dma_start3A_10, %dma_start3A_11] : memref<4096x2x80xi32, #tpu.memory_space<hbm>> -> memref<1x2x80xi32, #tpu.memory_space<hbm>>
    %dma_start3A_13 = tpu.memref_squeeze %dma_start3A_12 : memref<1x2x80xi32, #tpu.memory_space<hbm>> -> memref<2x80xi32, #tpu.memory_space<hbm>>
    tpu.enqueue_dma source(%dma_start3A_13 : memref<2x80xi32, #tpu.memory_space<hbm>>) target(%arg6 : memref<2x80xi32, #tpu.memory_space<vmem>>) target_semaphore(%arg17 : memref<!tpu.dma_semaphore, #tpu.memory_space<semaphore_mem>>)
    %add3A_14 = arith.constant 1 : i32
    %add3A_15 = arith.addi %mul3A_4, %add3A_14 : i32
    %dma_start3A_16 = arith.constant 0 : i32
    %dma_start3A_17 = arith.constant 0 : i32
    %dma_start3A_18 = tpu.memref_slice %arg3[%add3A_15, %dma_start3A_16, %dma_start3A_17] : memref<4096x2x80xi32, #tpu.memory_space<hbm>> -> memref<1x2x80xi32, #tpu.memory_space<hbm>>
    %dma_start3A_19 = tpu.memref_squeeze %dma_start3A_18 : memref<1x2x80xi32, #tpu.memory_space<hbm>> -> memref<2x80xi32, #tpu.memory_space<hbm>>
    %dma_start3A_20 = arith.constant 0 : i32
    %dma_start3A_21 = arith.constant 0 : i32
    %dma_start3A_22 = tpu.memref_slice %arg3[%add3A_15, %dma_start3A_20, %dma_start3A_21] : memref<4096x2x80xi32, #tpu.memory_space<hbm>> -> memref<1x2x80xi32, #tpu.memory_space<hbm>>
    %dma_start3A_23 = tpu.memref_squeeze %dma_start3A_22 : memref<1x2x80xi32, #tpu.memory_space<hbm>> -> memref<2x80xi32, #tpu.memory_space<hbm>>
    tpu.enqueue_dma source(%dma_start3A_23 : memref<2x80xi32, #tpu.memory_space<hbm>>) target(%arg7 : memref<2x80xi32, #tpu.memory_space<vmem>>) target_semaphore(%arg18 : memref<!tpu.dma_semaphore, #tpu.memory_space<semaphore_mem>>)
    %add3A_24 = arith.constant 2 : i32
    %add3A_25 = arith.addi %mul3A_4, %add3A_24 : i32
    %dma_start3A_26 = arith.constant 0 : i32
    %dma_start3A_27 = arith.constant 0 : i32
    %dma_start3A_28 = tpu.memref_slice %arg3[%add3A_25, %dma_start3A_26, %dma_start3A_27] : memref<4096x2x80xi32, #tpu.memory_space<hbm>> -> memref<1x2x80xi32, #tpu.memory_space<hbm>>
    %dma_start3A_29 = tpu.memref_squeeze %dma_start3A_28 : memref<1x2x80xi32, #tpu.memory_space<hbm>> -> memref<2x80xi32, #tpu.memory_space<hbm>>
    %dma_start3A_30 = arith.constant 0 : i32
    %dma_start3A_31 = arith.constant 0 : i32
    %dma_start3A_32 = tpu.memref_slice %arg3[%add3A_25, %dma_start3A_30, %dma_start3A_31] : memref<4096x2x80xi32, #tpu.memory_space<hbm>> -> memref<1x2x80xi32, #tpu.memory_space<hbm>>
    %dma_start3A_33 = tpu.memref_squeeze %dma_start3A_32 : memref<1x2x80xi32, #tpu.memory_space<hbm>> -> memref<2x80xi32, #tpu.memory_space<hbm>>
    tpu.enqueue_dma source(%dma_start3A_33 : memref<2x80xi32, #tpu.memory_space<hbm>>) target(%arg8 : memref<2x80xi32, #tpu.memory_space<vmem>>) target_semaphore(%arg19 : memref<!tpu.dma_semaphore, #tpu.memory_space<semaphore_mem>>)
    %add3A_34 = arith.constant 3 : i32
    %add3A_35 = arith.addi %mul3A_4, %add3A_34 : i32
    %dma_start3A_36 = arith.constant 0 : i32
    %dma_start3A_37 = arith.constant 0 : i32
    %dma_start3A_38 = tpu.memref_slice %arg3[%add3A_35, %dma_start3A_36, %dma_start3A_37] : memref<4096x2x80xi32, #tpu.memory_space<hbm>> -> memref<1x2x80xi32, #tpu.memory_space<hbm>>
    %dma_start3A_39 = tpu.memref_squeeze %dma_start3A_38 : memref<1x2x80xi32, #tpu.memory_space<hbm>> -> memref<2x80xi32, #tpu.memory_space<hbm>>
    %dma_start3A_40 = arith.constant 0 : i32
    %dma_start3A_41 = arith.constant 0 : i32
    %dma_start3A_42 = tpu.memref_slice %arg3[%add3A_35, %dma_start3A_40, %dma_start3A_41] : memref<4096x2x80xi32, #tpu.memory_space<hbm>> -> memref<1x2x80xi32, #tpu.memory_space<hbm>>
    %dma_start3A_43 = tpu.memref_squeeze %dma_start3A_42 : memref<1x2x80xi32, #tpu.memory_space<hbm>> -> memref<2x80xi32, #tpu.memory_space<hbm>>
    tpu.enqueue_dma source(%dma_start3A_43 : memref<2x80xi32, #tpu.memory_space<hbm>>) target(%arg9 : memref<2x80xi32, #tpu.memory_space<vmem>>) target_semaphore(%arg20 : memref<!tpu.dma_semaphore, #tpu.memory_space<semaphore_mem>>)
    %dma_wait3A = arith.constant 0 : i32
    %dma_wait3A_44 = arith.constant 0 : i32
    %dma_wait3A_45 = tpu.memref_slice %arg3[%mul3A_4, %dma_wait3A, %dma_wait3A_44] : memref<4096x2x80xi32, #tpu.memory_space<hbm>> -> memref<1x2x80xi32, #tpu.memory_space<hbm>>
    %dma_wait3A_46 = tpu.memref_squeeze %dma_wait3A_45 : memref<1x2x80xi32, #tpu.memory_space<hbm>> -> memref<2x80xi32, #tpu.memory_space<hbm>>
    %dma_wait3A_47 = arith.constant 0 : i32
    %dma_wait3A_48 = arith.constant 0 : i32
    %dma_wait3A_49 = tpu.memref_slice %arg3[%mul3A_4, %dma_wait3A_47, %dma_wait3A_48] : memref<4096x2x80xi32, #tpu.memory_space<hbm>> -> memref<1x2x80xi32, #tpu.memory_space<hbm>>
    %dma_wait3A_50 = tpu.memref_squeeze %dma_wait3A_49 : memref<1x2x80xi32, #tpu.memory_space<hbm>> -> memref<2x80xi32, #tpu.memory_space<hbm>>
    tpu.wait_dma2 semaphore(%arg17 : memref<!tpu.dma_semaphore, #tpu.memory_space<semaphore_mem>>) src(%dma_wait3A_50 : memref<2x80xi32, #tpu.memory_space<hbm>>) dst(%arg6 : memref<2x80xi32, #tpu.memory_space<vmem>>)
    %dma_start3A_51 = arith.constant 0 : i32
    %dma_start3A_52 = arith.constant 0 : i32
    %dma_start3A_53 = tpu.memref_slice %arg6[%dma_start3A_51, %dma_start3A_52] : memref<2x80xi32, #tpu.memory_space<vmem>> -> memref<1x80xi32, #tpu.memory_space<vmem>>
    %dma_start3A_54 = tpu.memref_squeeze %dma_start3A_53 : memref<1x80xi32, #tpu.memory_space<vmem>> -> memref<80xi32, #tpu.memory_space<vmem>>
    %dma_start3A_55 = arith.constant 0 : i32
    %dma_start3A_56 = arith.constant 0 : i32
    %dma_start3A_57 = tpu.memref_slice %arg2[%dma_start3A_55, %dma_start3A_56] : memref<10000x128xf32, #tpu.memory_space<hbm>> -> memref<10000x128xf32, #tpu.memory_space<hbm>>
    tpu.enqueue_indirect_dma source(%dma_start3A_57 : memref<10000x128xf32, #tpu.memory_space<hbm>>) target(%arg10 : memref<80x128xf32, #tpu.memory_space<vmem>>) offsets(%dma_start3A_54 : memref<80xi32, #tpu.memory_space<vmem>>) semaphore(%arg13 : memref<!tpu.dma_semaphore, #tpu.memory_space<semaphore_mem>>)
    %dma_wait3A_58 = arith.constant 0 : i32
    %dma_wait3A_59 = arith.constant 0 : i32
    %dma_wait3A_60 = tpu.memref_slice %arg3[%mul3A_4, %dma_wait3A_58, %dma_wait3A_59] : memref<4096x2x80xi32, #tpu.memory_space<hbm>> -> memref<1x2x80xi32, #tpu.memory_space<hbm>>
    %dma_wait3A_61 = tpu.memref_squeeze %dma_wait3A_60 : memref<1x2x80xi32, #tpu.memory_space<hbm>> -> memref<2x80xi32, #tpu.memory_space<hbm>>
    %dma_wait3A_62 = arith.constant 0 : i32
    %dma_wait3A_63 = arith.constant 0 : i32
    %dma_wait3A_64 = tpu.memref_slice %arg3[%mul3A_4, %dma_wait3A_62, %dma_wait3A_63] : memref<4096x2x80xi32, #tpu.memory_space<hbm>> -> memref<1x2x80xi32, #tpu.memory_space<hbm>>
    %dma_wait3A_65 = tpu.memref_squeeze %dma_wait3A_64 : memref<1x2x80xi32, #tpu.memory_space<hbm>> -> memref<2x80xi32, #tpu.memory_space<hbm>>
    tpu.wait_dma2 semaphore(%arg18 : memref<!tpu.dma_semaphore, #tpu.memory_space<semaphore_mem>>) src(%dma_wait3A_65 : memref<2x80xi32, #tpu.memory_space<hbm>>) dst(%arg7 : memref<2x80xi32, #tpu.memory_space<vmem>>)
    %dma_start3A_66 = arith.constant 0 : i32
    %dma_start3A_67 = arith.constant 0 : i32
    %dma_start3A_68 = tpu.memref_slice %arg7[%dma_start3A_66, %dma_start3A_67] : memref<2x80xi32, #tpu.memory_space<vmem>> -> memref<1x80xi32, #tpu.memory_space<vmem>>
    %dma_start3A_69 = tpu.memref_squeeze %dma_start3A_68 : memref<1x80xi32, #tpu.memory_space<vmem>> -> memref<80xi32, #tpu.memory_space<vmem>>
    %dma_start3A_70 = arith.constant 0 : i32
    %dma_start3A_71 = arith.constant 0 : i32
    %dma_start3A_72 = tpu.memref_slice %arg2[%dma_start3A_70, %dma_start3A_71] : memref<10000x128xf32, #tpu.memory_space<hbm>> -> memref<10000x128xf32, #tpu.memory_space<hbm>>
    tpu.enqueue_indirect_dma source(%dma_start3A_72 : memref<10000x128xf32, #tpu.memory_space<hbm>>) target(%arg11 : memref<80x128xf32, #tpu.memory_space<vmem>>) offsets(%dma_start3A_69 : memref<80xi32, #tpu.memory_space<vmem>>) semaphore(%arg14 : memref<!tpu.dma_semaphore, #tpu.memory_space<semaphore_mem>>)
    %scan3A = arith.constant 0 : i32
    %scan3A_73 = arith.constant 0 : i32
    %scan3A_74 = arith.constant 31 : i32
    %scan3A_75 = arith.addi %scan3A_73, %scan3A_74 : i32
    %scan3A_76 = arith.constant 1 : i32
    scf.for %scan3A_185 = %scan3A_73 to %scan3A_75 step %scan3A_76  : i32 {
      %mul3A_186 = arith.constant 4 : i32
      %mul3A_187 = arith.muli %mul3A_186, %scan3A_185 : i32
      %add3A_188 = arith.constant 0 : i32
      %add3A_189 = arith.addi %mul3A_187, %add3A_188 : i32
      %dma_wait3A_190 = arith.constant 0 : i32
      %dma_wait3A_191 = arith.constant 0 : i32
      %dma_wait3A_192 = tpu.memref_slice %arg2[%dma_wait3A_190, %dma_wait3A_191] : memref<10000x128xf32, #tpu.memory_space<hbm>> -> memref<80x128xf32, #tpu.memory_space<hbm>>
      %dma_wait3A_193 = arith.constant 0 : i32
      %dma_wait3A_194 = arith.constant 0 : i32
      %dma_wait3A_195 = tpu.memref_slice %arg2[%dma_wait3A_193, %dma_wait3A_194] : memref<10000x128xf32, #tpu.memory_space<hbm>> -> memref<80x128xf32, #tpu.memory_space<hbm>>
      tpu.wait_dma2 semaphore(%arg13 : memref<!tpu.dma_semaphore, #tpu.memory_space<semaphore_mem>>) src(%dma_wait3A_195 : memref<80x128xf32, #tpu.memory_space<hbm>>) dst(%arg10 : memref<80x128xf32, #tpu.memory_space<vmem>>)
      %dma_start3A_196 = arith.constant 1 : i32
      %dma_start3A_197 = arith.constant 0 : i32
      %dma_start3A_198 = tpu.memref_slice %arg6[%dma_start3A_196, %dma_start3A_197] : memref<2x80xi32, #tpu.memory_space<vmem>> -> memref<1x80xi32, #tpu.memory_space<vmem>>
      %dma_start3A_199 = tpu.memref_squeeze %dma_start3A_198 : memref<1x80xi32, #tpu.memory_space<vmem>> -> memref<80xi32, #tpu.memory_space<vmem>>
      %dma_start3A_200 = arith.constant 0 : i32
      %dma_start3A_201 = arith.constant 0 : i32
      %dma_start3A_202 = tpu.memref_slice %arg12[%dma_start3A_200, %dma_start3A_201] : memref<10112x128xf32, #tpu.memory_space<vmem_shared>> -> memref<10112x128xf32, #tpu.memory_space<vmem_shared>>
      tpu.enqueue_indirect_dma source(%arg10 : memref<80x128xf32, #tpu.memory_space<vmem>>) target(%dma_start3A_202 : memref<10112x128xf32, #tpu.memory_space<vmem_shared>>) offsets(%dma_start3A_199 : memref<80xi32, #tpu.memory_space<vmem>>) semaphore(%arg15 : memref<!tpu.dma_semaphore, #tpu.memory_space<semaphore_mem>>) {add = true}
      %dma_wait3A_203 = arith.constant 0 : i32
      %dma_wait3A_204 = arith.constant 0 : i32
      %dma_wait3A_205 = tpu.memref_slice %arg2[%dma_wait3A_203, %dma_wait3A_204] : memref<10000x128xf32, #tpu.memory_space<hbm>> -> memref<80x128xf32, #tpu.memory_space<hbm>>
      %dma_wait3A_206 = arith.constant 0 : i32
      %dma_wait3A_207 = arith.constant 0 : i32
      %dma_wait3A_208 = tpu.memref_slice %arg2[%dma_wait3A_206, %dma_wait3A_207] : memref<10000x128xf32, #tpu.memory_space<hbm>> -> memref<80x128xf32, #tpu.memory_space<hbm>>
      tpu.wait_dma2 semaphore(%arg15 : memref<!tpu.dma_semaphore, #tpu.memory_space<semaphore_mem>>) src(%dma_wait3A_208 : memref<80x128xf32, #tpu.memory_space<hbm>>) dst(%arg10 : memref<80x128xf32, #tpu.memory_space<vmem>>)
      %add3A_209 = arith.addi %mul3A_4, %add3A_189 : i32
      %add3A_210 = arith.constant 4 : i32
      %add3A_211 = arith.addi %add3A_209, %add3A_210 : i32
      %dma_start3A_212 = arith.constant 0 : i32
      %dma_start3A_213 = arith.constant 0 : i32
      %dma_start3A_214 = tpu.memref_slice %arg3[%add3A_211, %dma_start3A_212, %dma_start3A_213] : memref<4096x2x80xi32, #tpu.memory_space<hbm>> -> memref<1x2x80xi32, #tpu.memory_space<hbm>>
      %dma_start3A_215 = tpu.memref_squeeze %dma_start3A_214 : memref<1x2x80xi32, #tpu.memory_space<hbm>> -> memref<2x80xi32, #tpu.memory_space<hbm>>
      %dma_start3A_216 = arith.constant 0 : i32
      %dma_start3A_217 = arith.constant 0 : i32
      %dma_start3A_218 = tpu.memref_slice %arg3[%add3A_211, %dma_start3A_216, %dma_start3A_217] : memref<4096x2x80xi32, #tpu.memory_space<hbm>> -> memref<1x2x80xi32, #tpu.memory_space<hbm>>
      %dma_start3A_219 = tpu.memref_squeeze %dma_start3A_218 : memref<1x2x80xi32, #tpu.memory_space<hbm>> -> memref<2x80xi32, #tpu.memory_space<hbm>>
      tpu.enqueue_dma source(%dma_start3A_219 : memref<2x80xi32, #tpu.memory_space<hbm>>) target(%arg6 : memref<2x80xi32, #tpu.memory_space<vmem>>) target_semaphore(%arg17 : memref<!tpu.dma_semaphore, #tpu.memory_space<semaphore_mem>>)
      %dma_wait3A_220 = arith.constant 0 : i32
      %dma_wait3A_221 = arith.constant 0 : i32
      %dma_wait3A_222 = tpu.memref_slice %arg3[%mul3A_4, %dma_wait3A_220, %dma_wait3A_221] : memref<4096x2x80xi32, #tpu.memory_space<hbm>> -> memref<1x2x80xi32, #tpu.memory_space<hbm>>
      %dma_wait3A_223 = tpu.memref_squeeze %dma_wait3A_222 : memref<1x2x80xi32, #tpu.memory_space<hbm>> -> memref<2x80xi32, #tpu.memory_space<hbm>>
      %dma_wait3A_224 = arith.constant 0 : i32
      %dma_wait3A_225 = arith.constant 0 : i32
      %dma_wait3A_226 = tpu.memref_slice %arg3[%mul3A_4, %dma_wait3A_224, %dma_wait3A_225] : memref<4096x2x80xi32, #tpu.memory_space<hbm>> -> memref<1x2x80xi32, #tpu.memory_space<hbm>>
      %dma_wait3A_227 = tpu.memref_squeeze %dma_wait3A_226 : memref<1x2x80xi32, #tpu.memory_space<hbm>> -> memref<2x80xi32, #tpu.memory_space<hbm>>
      tpu.wait_dma2 semaphore(%arg19 : memref<!tpu.dma_semaphore, #tpu.memory_space<semaphore_mem>>) src(%dma_wait3A_227 : memref<2x80xi32, #tpu.memory_space<hbm>>) dst(%arg8 : memref<2x80xi32, #tpu.memory_space<vmem>>)
      %dma_start3A_228 = arith.constant 0 : i32
      %dma_start3A_229 = arith.constant 0 : i32
      %dma_start3A_230 = tpu.memref_slice %arg8[%dma_start3A_228, %dma_start3A_229] : memref<2x80xi32, #tpu.memory_space<vmem>> -> memref<1x80xi32, #tpu.memory_space<vmem>>
      %dma_start3A_231 = tpu.memref_squeeze %dma_start3A_230 : memref<1x80xi32, #tpu.memory_space<vmem>> -> memref<80xi32, #tpu.memory_space<vmem>>
      %dma_start3A_232 = arith.constant 0 : i32
      %dma_start3A_233 = arith.constant 0 : i32
      %dma_start3A_234 = tpu.memref_slice %arg2[%dma_start3A_232, %dma_start3A_233] : memref<10000x128xf32, #tpu.memory_space<hbm>> -> memref<10000x128xf32, #tpu.memory_space<hbm>>
      tpu.enqueue_indirect_dma source(%dma_start3A_234 : memref<10000x128xf32, #tpu.memory_space<hbm>>) target(%arg10 : memref<80x128xf32, #tpu.memory_space<vmem>>) offsets(%dma_start3A_231 : memref<80xi32, #tpu.memory_space<vmem>>) semaphore(%arg13 : memref<!tpu.dma_semaphore, #tpu.memory_space<semaphore_mem>>)
      %add3A_235 = arith.constant 1 : i32
      %add3A_236 = arith.addi %mul3A_187, %add3A_235 : i32
      %dma_wait3A_237 = arith.constant 0 : i32
      %dma_wait3A_238 = arith.constant 0 : i32
      %dma_wait3A_239 = tpu.memref_slice %arg2[%dma_wait3A_237, %dma_wait3A_238] : memref<10000x128xf32, #tpu.memory_space<hbm>> -> memref<80x128xf32, #tpu.memory_space<hbm>>
      %dma_wait3A_240 = arith.constant 0 : i32
      %dma_wait3A_241 = arith.constant 0 : i32
      %dma_wait3A_242 = tpu.memref_slice %arg2[%dma_wait3A_240, %dma_wait3A_241] : memref<10000x128xf32, #tpu.memory_space<hbm>> -> memref<80x128xf32, #tpu.memory_space<hbm>>
      tpu.wait_dma2 semaphore(%arg14 : memref<!tpu.dma_semaphore, #tpu.memory_space<semaphore_mem>>) src(%dma_wait3A_242 : memref<80x128xf32, #tpu.memory_space<hbm>>) dst(%arg11 : memref<80x128xf32, #tpu.memory_space<vmem>>)
      %dma_start3A_243 = arith.constant 1 : i32
      %dma_start3A_244 = arith.constant 0 : i32
      %dma_start3A_245 = tpu.memref_slice %arg7[%dma_start3A_243, %dma_start3A_244] : memref<2x80xi32, #tpu.memory_space<vmem>> -> memref<1x80xi32, #tpu.memory_space<vmem>>
      %dma_start3A_246 = tpu.memref_squeeze %dma_start3A_245 : memref<1x80xi32, #tpu.memory_space<vmem>> -> memref<80xi32, #tpu.memory_space<vmem>>
      %dma_start3A_247 = arith.constant 0 : i32
      %dma_start3A_248 = arith.constant 0 : i32
      %dma_start3A_249 = tpu.memref_slice %arg12[%dma_start3A_247, %dma_start3A_248] : memref<10112x128xf32, #tpu.memory_space<vmem_shared>> -> memref<10112x128xf32, #tpu.memory_space<vmem_shared>>
      tpu.enqueue_indirect_dma source(%arg11 : memref<80x128xf32, #tpu.memory_space<vmem>>) target(%dma_start3A_249 : memref<10112x128xf32, #tpu.memory_space<vmem_shared>>) offsets(%dma_start3A_246 : memref<80xi32, #tpu.memory_space<vmem>>) semaphore(%arg16 : memref<!tpu.dma_semaphore, #tpu.memory_space<semaphore_mem>>) {add = true}
      %dma_wait3A_250 = arith.constant 0 : i32
      %dma_wait3A_251 = arith.constant 0 : i32
      %dma_wait3A_252 = tpu.memref_slice %arg2[%dma_wait3A_250, %dma_wait3A_251] : memref<10000x128xf32, #tpu.memory_space<hbm>> -> memref<80x128xf32, #tpu.memory_space<hbm>>
      %dma_wait3A_253 = arith.constant 0 : i32
      %dma_wait3A_254 = arith.constant 0 : i32
      %dma_wait3A_255 = tpu.memref_slice %arg2[%dma_wait3A_253, %dma_wait3A_254] : memref<10000x128xf32, #tpu.memory_space<hbm>> -> memref<80x128xf32, #tpu.memory_space<hbm>>
      tpu.wait_dma2 semaphore(%arg16 : memref<!tpu.dma_semaphore, #tpu.memory_space<semaphore_mem>>) src(%dma_wait3A_255 : memref<80x128xf32, #tpu.memory_space<hbm>>) dst(%arg11 : memref<80x128xf32, #tpu.memory_space<vmem>>)
      %add3A_256 = arith.addi %mul3A_4, %add3A_236 : i32
      %add3A_257 = arith.constant 4 : i32
      %add3A_258 = arith.addi %add3A_256, %add3A_257 : i32
      %dma_start3A_259 = arith.constant 0 : i32
      %dma_start3A_260 = arith.constant 0 : i32
      %dma_start3A_261 = tpu.memref_slice %arg3[%add3A_258, %dma_start3A_259, %dma_start3A_260] : memref<4096x2x80xi32, #tpu.memory_space<hbm>> -> memref<1x2x80xi32, #tpu.memory_space<hbm>>
      %dma_start3A_262 = tpu.memref_squeeze %dma_start3A_261 : memref<1x2x80xi32, #tpu.memory_space<hbm>> -> memref<2x80xi32, #tpu.memory_space<hbm>>
      %dma_start3A_263 = arith.constant 0 : i32
      %dma_start3A_264 = arith.constant 0 : i32
      %dma_start3A_265 = tpu.memref_slice %arg3[%add3A_258, %dma_start3A_263, %dma_start3A_264] : memref<4096x2x80xi32, #tpu.memory_space<hbm>> -> memref<1x2x80xi32, #tpu.memory_space<hbm>>
      %dma_start3A_266 = tpu.memref_squeeze %dma_start3A_265 : memref<1x2x80xi32, #tpu.memory_space<hbm>> -> memref<2x80xi32, #tpu.memory_space<hbm>>
      tpu.enqueue_dma source(%dma_start3A_266 : memref<2x80xi32, #tpu.memory_space<hbm>>) target(%arg7 : memref<2x80xi32, #tpu.memory_space<vmem>>) target_semaphore(%arg18 : memref<!tpu.dma_semaphore, #tpu.memory_space<semaphore_mem>>)
      %dma_wait3A_267 = arith.constant 0 : i32
      %dma_wait3A_268 = arith.constant 0 : i32
      %dma_wait3A_269 = tpu.memref_slice %arg3[%mul3A_4, %dma_wait3A_267, %dma_wait3A_268] : memref<4096x2x80xi32, #tpu.memory_space<hbm>> -> memref<1x2x80xi32, #tpu.memory_space<hbm>>
      %dma_wait3A_270 = tpu.memref_squeeze %dma_wait3A_269 : memref<1x2x80xi32, #tpu.memory_space<hbm>> -> memref<2x80xi32, #tpu.memory_space<hbm>>
      %dma_wait3A_271 = arith.constant 0 : i32
      %dma_wait3A_272 = arith.constant 0 : i32
      %dma_wait3A_273 = tpu.memref_slice %arg3[%mul3A_4, %dma_wait3A_271, %dma_wait3A_272] : memref<4096x2x80xi32, #tpu.memory_space<hbm>> -> memref<1x2x80xi32, #tpu.memory_space<hbm>>
      %dma_wait3A_274 = tpu.memref_squeeze %dma_wait3A_273 : memref<1x2x80xi32, #tpu.memory_space<hbm>> -> memref<2x80xi32, #tpu.memory_space<hbm>>
      tpu.wait_dma2 semaphore(%arg20 : memref<!tpu.dma_semaphore, #tpu.memory_space<semaphore_mem>>) src(%dma_wait3A_274 : memref<2x80xi32, #tpu.memory_space<hbm>>) dst(%arg9 : memref<2x80xi32, #tpu.memory_space<vmem>>)
      %dma_start3A_275 = arith.constant 0 : i32
      %dma_start3A_276 = arith.constant 0 : i32
      %dma_start3A_277 = tpu.memref_slice %arg9[%dma_start3A_275, %dma_start3A_276] : memref<2x80xi32, #tpu.memory_space<vmem>> -> memref<1x80xi32, #tpu.memory_space<vmem>>
      %dma_start3A_278 = tpu.memref_squeeze %dma_start3A_277 : memref<1x80xi32, #tpu.memory_space<vmem>> -> memref<80xi32, #tpu.memory_space<vmem>>
      %dma_start3A_279 = arith.constant 0 : i32
      %dma_start3A_280 = arith.constant 0 : i32
      %dma_start3A_281 = tpu.memref_slice %arg2[%dma_start3A_279, %dma_start3A_280] : memref<10000x128xf32, #tpu.memory_space<hbm>> -> memref<10000x128xf32, #tpu.memory_space<hbm>>
      tpu.enqueue_indirect_dma source(%dma_start3A_281 : memref<10000x128xf32, #tpu.memory_space<hbm>>) target(%arg11 : memref<80x128xf32, #tpu.memory_space<vmem>>) offsets(%dma_start3A_278 : memref<80xi32, #tpu.memory_space<vmem>>) semaphore(%arg14 : memref<!tpu.dma_semaphore, #tpu.memory_space<semaphore_mem>>)
      %add3A_282 = arith.constant 2 : i32
      %add3A_283 = arith.addi %mul3A_187, %add3A_282 : i32
      %dma_wait3A_284 = arith.constant 0 : i32
      %dma_wait3A_285 = arith.constant 0 : i32
      %dma_wait3A_286 = tpu.memref_slice %arg2[%dma_wait3A_284, %dma_wait3A_285] : memref<10000x128xf32, #tpu.memory_space<hbm>> -> memref<80x128xf32, #tpu.memory_space<hbm>>
      %dma_wait3A_287 = arith.constant 0 : i32
      %dma_wait3A_288 = arith.constant 0 : i32
      %dma_wait3A_289 = tpu.memref_slice %arg2[%dma_wait3A_287, %dma_wait3A_288] : memref<10000x128xf32, #tpu.memory_space<hbm>> -> memref<80x128xf32, #tpu.memory_space<hbm>>
      tpu.wait_dma2 semaphore(%arg13 : memref<!tpu.dma_semaphore, #tpu.memory_space<semaphore_mem>>) src(%dma_wait3A_289 : memref<80x128xf32, #tpu.memory_space<hbm>>) dst(%arg10 : memref<80x128xf32, #tpu.memory_space<vmem>>)
      %dma_start3A_290 = arith.constant 1 : i32
      %dma_start3A_291 = arith.constant 0 : i32
      %dma_start3A_292 = tpu.memref_slice %arg8[%dma_start3A_290, %dma_start3A_291] : memref<2x80xi32, #tpu.memory_space<vmem>> -> memref<1x80xi32, #tpu.memory_space<vmem>>
      %dma_start3A_293 = tpu.memref_squeeze %dma_start3A_292 : memref<1x80xi32, #tpu.memory_space<vmem>> -> memref<80xi32, #tpu.memory_space<vmem>>
      %dma_start3A_294 = arith.constant 0 : i32
      %dma_start3A_295 = arith.constant 0 : i32
      %dma_start3A_296 = tpu.memref_slice %arg12[%dma_start3A_294, %dma_start3A_295] : memref<10112x128xf32, #tpu.memory_space<vmem_shared>> -> memref<10112x128xf32, #tpu.memory_space<vmem_shared>>
      tpu.enqueue_indirect_dma source(%arg10 : memref<80x128xf32, #tpu.memory_space<vmem>>) target(%dma_start3A_296 : memref<10112x128xf32, #tpu.memory_space<vmem_shared>>) offsets(%dma_start3A_293 : memref<80xi32, #tpu.memory_space<vmem>>) semaphore(%arg15 : memref<!tpu.dma_semaphore, #tpu.memory_space<semaphore_mem>>) {add = true}
      %dma_wait3A_297 = arith.constant 0 : i32
      %dma_wait3A_298 = arith.constant 0 : i32
      %dma_wait3A_299 = tpu.memref_slice %arg2[%dma_wait3A_297, %dma_wait3A_298] : memref<10000x128xf32, #tpu.memory_space<hbm>> -> memref<80x128xf32, #tpu.memory_space<hbm>>
      %dma_wait3A_300 = arith.constant 0 : i32
      %dma_wait3A_301 = arith.constant 0 : i32
      %dma_wait3A_302 = tpu.memref_slice %arg2[%dma_wait3A_300, %dma_wait3A_301] : memref<10000x128xf32, #tpu.memory_space<hbm>> -> memref<80x128xf32, #tpu.memory_space<hbm>>
      tpu.wait_dma2 semaphore(%arg15 : memref<!tpu.dma_semaphore, #tpu.memory_space<semaphore_mem>>) src(%dma_wait3A_302 : memref<80x128xf32, #tpu.memory_space<hbm>>) dst(%arg10 : memref<80x128xf32, #tpu.memory_space<vmem>>)
      %add3A_303 = arith.addi %mul3A_4, %add3A_283 : i32
      %add3A_304 = arith.constant 4 : i32
      %add3A_305 = arith.addi %add3A_303, %add3A_304 : i32
      %dma_start3A_306 = arith.constant 0 : i32
      %dma_start3A_307 = arith.constant 0 : i32
      %dma_start3A_308 = tpu.memref_slice %arg3[%add3A_305, %dma_start3A_306, %dma_start3A_307] : memref<4096x2x80xi32, #tpu.memory_space<hbm>> -> memref<1x2x80xi32, #tpu.memory_space<hbm>>
      %dma_start3A_309 = tpu.memref_squeeze %dma_start3A_308 : memref<1x2x80xi32, #tpu.memory_space<hbm>> -> memref<2x80xi32, #tpu.memory_space<hbm>>
      %dma_start3A_310 = arith.constant 0 : i32
      %dma_start3A_311 = arith.constant 0 : i32
      %dma_start3A_312 = tpu.memref_slice %arg3[%add3A_305, %dma_start3A_310, %dma_start3A_311] : memref<4096x2x80xi32, #tpu.memory_space<hbm>> -> memref<1x2x80xi32, #tpu.memory_space<hbm>>
      %dma_start3A_313 = tpu.memref_squeeze %dma_start3A_312 : memref<1x2x80xi32, #tpu.memory_space<hbm>> -> memref<2x80xi32, #tpu.memory_space<hbm>>
      tpu.enqueue_dma source(%dma_start3A_313 : memref<2x80xi32, #tpu.memory_space<hbm>>) target(%arg8 : memref<2x80xi32, #tpu.memory_space<vmem>>) target_semaphore(%arg19 : memref<!tpu.dma_semaphore, #tpu.memory_space<semaphore_mem>>)
      %dma_wait3A_314 = arith.constant 0 : i32
      %dma_wait3A_315 = arith.constant 0 : i32
      %dma_wait3A_316 = tpu.memref_slice %arg3[%mul3A_4, %dma_wait3A_314, %dma_wait3A_315] : memref<4096x2x80xi32, #tpu.memory_space<hbm>> -> memref<1x2x80xi32, #tpu.memory_space<hbm>>
      %dma_wait3A_317 = tpu.memref_squeeze %dma_wait3A_316 : memref<1x2x80xi32, #tpu.memory_space<hbm>> -> memref<2x80xi32, #tpu.memory_space<hbm>>
      %dma_wait3A_318 = arith.constant 0 : i32
      %dma_wait3A_319 = arith.constant 0 : i32
      %dma_wait3A_320 = tpu.memref_slice %arg3[%mul3A_4, %dma_wait3A_318, %dma_wait3A_319] : memref<4096x2x80xi32, #tpu.memory_space<hbm>> -> memref<1x2x80xi32, #tpu.memory_space<hbm>>
      %dma_wait3A_321 = tpu.memref_squeeze %dma_wait3A_320 : memref<1x2x80xi32, #tpu.memory_space<hbm>> -> memref<2x80xi32, #tpu.memory_space<hbm>>
      tpu.wait_dma2 semaphore(%arg17 : memref<!tpu.dma_semaphore, #tpu.memory_space<semaphore_mem>>) src(%dma_wait3A_321 : memref<2x80xi32, #tpu.memory_space<hbm>>) dst(%arg6 : memref<2x80xi32, #tpu.memory_space<vmem>>)
      %dma_start3A_322 = arith.constant 0 : i32
      %dma_start3A_323 = arith.constant 0 : i32
      %dma_start3A_324 = tpu.memref_slice %arg6[%dma_start3A_322, %dma_start3A_323] : memref<2x80xi32, #tpu.memory_space<vmem>> -> memref<1x80xi32, #tpu.memory_space<vmem>>
      %dma_start3A_325 = tpu.memref_squeeze %dma_start3A_324 : memref<1x80xi32, #tpu.memory_space<vmem>> -> memref<80xi32, #tpu.memory_space<vmem>>
      %dma_start3A_326 = arith.constant 0 : i32
      %dma_start3A_327 = arith.constant 0 : i32
      %dma_start3A_328 = tpu.memref_slice %arg2[%dma_start3A_326, %dma_start3A_327] : memref<10000x128xf32, #tpu.memory_space<hbm>> -> memref<10000x128xf32, #tpu.memory_space<hbm>>
      tpu.enqueue_indirect_dma source(%dma_start3A_328 : memref<10000x128xf32, #tpu.memory_space<hbm>>) target(%arg10 : memref<80x128xf32, #tpu.memory_space<vmem>>) offsets(%dma_start3A_325 : memref<80xi32, #tpu.memory_space<vmem>>) semaphore(%arg13 : memref<!tpu.dma_semaphore, #tpu.memory_space<semaphore_mem>>)
      %add3A_329 = arith.constant 3 : i32
      %add3A_330 = arith.addi %mul3A_187, %add3A_329 : i32
      %dma_wait3A_331 = arith.constant 0 : i32
      %dma_wait3A_332 = arith.constant 0 : i32
      %dma_wait3A_333 = tpu.memref_slice %arg2[%dma_wait3A_331, %dma_wait3A_332] : memref<10000x128xf32, #tpu.memory_space<hbm>> -> memref<80x128xf32, #tpu.memory_space<hbm>>
      %dma_wait3A_334 = arith.constant 0 : i32
      %dma_wait3A_335 = arith.constant 0 : i32
      %dma_wait3A_336 = tpu.memref_slice %arg2[%dma_wait3A_334, %dma_wait3A_335] : memref<10000x128xf32, #tpu.memory_space<hbm>> -> memref<80x128xf32, #tpu.memory_space<hbm>>
      tpu.wait_dma2 semaphore(%arg14 : memref<!tpu.dma_semaphore, #tpu.memory_space<semaphore_mem>>) src(%dma_wait3A_336 : memref<80x128xf32, #tpu.memory_space<hbm>>) dst(%arg11 : memref<80x128xf32, #tpu.memory_space<vmem>>)
      %dma_start3A_337 = arith.constant 1 : i32
      %dma_start3A_338 = arith.constant 0 : i32
      %dma_start3A_339 = tpu.memref_slice %arg9[%dma_start3A_337, %dma_start3A_338] : memref<2x80xi32, #tpu.memory_space<vmem>> -> memref<1x80xi32, #tpu.memory_space<vmem>>
      %dma_start3A_340 = tpu.memref_squeeze %dma_start3A_339 : memref<1x80xi32, #tpu.memory_space<vmem>> -> memref<80xi32, #tpu.memory_space<vmem>>
      %dma_start3A_341 = arith.constant 0 : i32
      %dma_start3A_342 = arith.constant 0 : i32
      %dma_start3A_343 = tpu.memref_slice %arg12[%dma_start3A_341, %dma_start3A_342] : memref<10112x128xf32, #tpu.memory_space<vmem_shared>> -> memref<10112x128xf32, #tpu.memory_space<vmem_shared>>
      tpu.enqueue_indirect_dma source(%arg11 : memref<80x128xf32, #tpu.memory_space<vmem>>) target(%dma_start3A_343 : memref<10112x128xf32, #tpu.memory_space<vmem_shared>>) offsets(%dma_start3A_340 : memref<80xi32, #tpu.memory_space<vmem>>) semaphore(%arg16 : memref<!tpu.dma_semaphore, #tpu.memory_space<semaphore_mem>>) {add = true}
      %dma_wait3A_344 = arith.constant 0 : i32
      %dma_wait3A_345 = arith.constant 0 : i32
      %dma_wait3A_346 = tpu.memref_slice %arg2[%dma_wait3A_344, %dma_wait3A_345] : memref<10000x128xf32, #tpu.memory_space<hbm>> -> memref<80x128xf32, #tpu.memory_space<hbm>>
      %dma_wait3A_347 = arith.constant 0 : i32
      %dma_wait3A_348 = arith.constant 0 : i32
      %dma_wait3A_349 = tpu.memref_slice %arg2[%dma_wait3A_347, %dma_wait3A_348] : memref<10000x128xf32, #tpu.memory_space<hbm>> -> memref<80x128xf32, #tpu.memory_space<hbm>>
      tpu.wait_dma2 semaphore(%arg16 : memref<!tpu.dma_semaphore, #tpu.memory_space<semaphore_mem>>) src(%dma_wait3A_349 : memref<80x128xf32, #tpu.memory_space<hbm>>) dst(%arg11 : memref<80x128xf32, #tpu.memory_space<vmem>>)
      %add3A_350 = arith.addi %mul3A_4, %add3A_330 : i32
      %add3A_351 = arith.constant 4 : i32
      %add3A_352 = arith.addi %add3A_350, %add3A_351 : i32
      %dma_start3A_353 = arith.constant 0 : i32
      %dma_start3A_354 = arith.constant 0 : i32
      %dma_start3A_355 = tpu.memref_slice %arg3[%add3A_352, %dma_start3A_353, %dma_start3A_354] : memref<4096x2x80xi32, #tpu.memory_space<hbm>> -> memref<1x2x80xi32, #tpu.memory_space<hbm>>
      %dma_start3A_356 = tpu.memref_squeeze %dma_start3A_355 : memref<1x2x80xi32, #tpu.memory_space<hbm>> -> memref<2x80xi32, #tpu.memory_space<hbm>>
      %dma_start3A_357 = arith.constant 0 : i32
      %dma_start3A_358 = arith.constant 0 : i32
      %dma_start3A_359 = tpu.memref_slice %arg3[%add3A_352, %dma_start3A_357, %dma_start3A_358] : memref<4096x2x80xi32, #tpu.memory_space<hbm>> -> memref<1x2x80xi32, #tpu.memory_space<hbm>>
      %dma_start3A_360 = tpu.memref_squeeze %dma_start3A_359 : memref<1x2x80xi32, #tpu.memory_space<hbm>> -> memref<2x80xi32, #tpu.memory_space<hbm>>
      tpu.enqueue_dma source(%dma_start3A_360 : memref<2x80xi32, #tpu.memory_space<hbm>>) target(%arg9 : memref<2x80xi32, #tpu.memory_space<vmem>>) target_semaphore(%arg20 : memref<!tpu.dma_semaphore, #tpu.memory_space<semaphore_mem>>)
      %dma_wait3A_361 = arith.constant 0 : i32
      %dma_wait3A_362 = arith.constant 0 : i32
      %dma_wait3A_363 = tpu.memref_slice %arg3[%mul3A_4, %dma_wait3A_361, %dma_wait3A_362] : memref<4096x2x80xi32, #tpu.memory_space<hbm>> -> memref<1x2x80xi32, #tpu.memory_space<hbm>>
      %dma_wait3A_364 = tpu.memref_squeeze %dma_wait3A_363 : memref<1x2x80xi32, #tpu.memory_space<hbm>> -> memref<2x80xi32, #tpu.memory_space<hbm>>
      %dma_wait3A_365 = arith.constant 0 : i32
      %dma_wait3A_366 = arith.constant 0 : i32
      %dma_wait3A_367 = tpu.memref_slice %arg3[%mul3A_4, %dma_wait3A_365, %dma_wait3A_366] : memref<4096x2x80xi32, #tpu.memory_space<hbm>> -> memref<1x2x80xi32, #tpu.memory_space<hbm>>
      %dma_wait3A_368 = tpu.memref_squeeze %dma_wait3A_367 : memref<1x2x80xi32, #tpu.memory_space<hbm>> -> memref<2x80xi32, #tpu.memory_space<hbm>>
      tpu.wait_dma2 semaphore(%arg18 : memref<!tpu.dma_semaphore, #tpu.memory_space<semaphore_mem>>) src(%dma_wait3A_368 : memref<2x80xi32, #tpu.memory_space<hbm>>) dst(%arg7 : memref<2x80xi32, #tpu.memory_space<vmem>>)
      %dma_start3A_369 = arith.constant 0 : i32
      %dma_start3A_370 = arith.constant 0 : i32
      %dma_start3A_371 = tpu.memref_slice %arg7[%dma_start3A_369, %dma_start3A_370] : memref<2x80xi32, #tpu.memory_space<vmem>> -> memref<1x80xi32, #tpu.memory_space<vmem>>
      %dma_start3A_372 = tpu.memref_squeeze %dma_start3A_371 : memref<1x80xi32, #tpu.memory_space<vmem>> -> memref<80xi32, #tpu.memory_space<vmem>>
      %dma_start3A_373 = arith.constant 0 : i32
      %dma_start3A_374 = arith.constant 0 : i32
      %dma_start3A_375 = tpu.memref_slice %arg2[%dma_start3A_373, %dma_start3A_374] : memref<10000x128xf32, #tpu.memory_space<hbm>> -> memref<10000x128xf32, #tpu.memory_space<hbm>>
      tpu.enqueue_indirect_dma source(%dma_start3A_375 : memref<10000x128xf32, #tpu.memory_space<hbm>>) target(%arg11 : memref<80x128xf32, #tpu.memory_space<vmem>>) offsets(%dma_start3A_372 : memref<80xi32, #tpu.memory_space<vmem>>) semaphore(%arg14 : memref<!tpu.dma_semaphore, #tpu.memory_space<semaphore_mem>>)
    }
    %scan3A_77 = arith.constant 31 : i32
    %dma_wait3A_78 = arith.constant 0 : i32
    %dma_wait3A_79 = arith.constant 0 : i32
    %dma_wait3A_80 = tpu.memref_slice %arg2[%dma_wait3A_78, %dma_wait3A_79] : memref<10000x128xf32, #tpu.memory_space<hbm>> -> memref<80x128xf32, #tpu.memory_space<hbm>>
    %dma_wait3A_81 = arith.constant 0 : i32
    %dma_wait3A_82 = arith.constant 0 : i32
    %dma_wait3A_83 = tpu.memref_slice %arg2[%dma_wait3A_81, %dma_wait3A_82] : memref<10000x128xf32, #tpu.memory_space<hbm>> -> memref<80x128xf32, #tpu.memory_space<hbm>>
    tpu.wait_dma2 semaphore(%arg13 : memref<!tpu.dma_semaphore, #tpu.memory_space<semaphore_mem>>) src(%dma_wait3A_83 : memref<80x128xf32, #tpu.memory_space<hbm>>) dst(%arg10 : memref<80x128xf32, #tpu.memory_space<vmem>>)
    %dma_start3A_84 = arith.constant 1 : i32
    %dma_start3A_85 = arith.constant 0 : i32
    %dma_start3A_86 = tpu.memref_slice %arg6[%dma_start3A_84, %dma_start3A_85] : memref<2x80xi32, #tpu.memory_space<vmem>> -> memref<1x80xi32, #tpu.memory_space<vmem>>
    %dma_start3A_87 = tpu.memref_squeeze %dma_start3A_86 : memref<1x80xi32, #tpu.memory_space<vmem>> -> memref<80xi32, #tpu.memory_space<vmem>>
    %dma_start3A_88 = arith.constant 0 : i32
    %dma_start3A_89 = arith.constant 0 : i32
    %dma_start3A_90 = tpu.memref_slice %arg12[%dma_start3A_88, %dma_start3A_89] : memref<10112x128xf32, #tpu.memory_space<vmem_shared>> -> memref<10112x128xf32, #tpu.memory_space<vmem_shared>>
    tpu.enqueue_indirect_dma source(%arg10 : memref<80x128xf32, #tpu.memory_space<vmem>>) target(%dma_start3A_90 : memref<10112x128xf32, #tpu.memory_space<vmem_shared>>) offsets(%dma_start3A_87 : memref<80xi32, #tpu.memory_space<vmem>>) semaphore(%arg15 : memref<!tpu.dma_semaphore, #tpu.memory_space<semaphore_mem>>) {add = true}
    %dma_wait3A_91 = arith.constant 0 : i32
    %dma_wait3A_92 = arith.constant 0 : i32
    %dma_wait3A_93 = tpu.memref_slice %arg2[%dma_wait3A_91, %dma_wait3A_92] : memref<10000x128xf32, #tpu.memory_space<hbm>> -> memref<80x128xf32, #tpu.memory_space<hbm>>
    %dma_wait3A_94 = arith.constant 0 : i32
    %dma_wait3A_95 = arith.constant 0 : i32
    %dma_wait3A_96 = tpu.memref_slice %arg2[%dma_wait3A_94, %dma_wait3A_95] : memref<10000x128xf32, #tpu.memory_space<hbm>> -> memref<80x128xf32, #tpu.memory_space<hbm>>
    tpu.wait_dma2 semaphore(%arg15 : memref<!tpu.dma_semaphore, #tpu.memory_space<semaphore_mem>>) src(%dma_wait3A_96 : memref<80x128xf32, #tpu.memory_space<hbm>>) dst(%arg10 : memref<80x128xf32, #tpu.memory_space<vmem>>)
    %dma_wait3A_97 = arith.constant 0 : i32
    %dma_wait3A_98 = arith.constant 0 : i32
    %dma_wait3A_99 = tpu.memref_slice %arg3[%mul3A_4, %dma_wait3A_97, %dma_wait3A_98] : memref<4096x2x80xi32, #tpu.memory_space<hbm>> -> memref<1x2x80xi32, #tpu.memory_space<hbm>>
    %dma_wait3A_100 = tpu.memref_squeeze %dma_wait3A_99 : memref<1x2x80xi32, #tpu.memory_space<hbm>> -> memref<2x80xi32, #tpu.memory_space<hbm>>
    %dma_wait3A_101 = arith.constant 0 : i32
    %dma_wait3A_102 = arith.constant 0 : i32
    %dma_wait3A_103 = tpu.memref_slice %arg3[%mul3A_4, %dma_wait3A_101, %dma_wait3A_102] : memref<4096x2x80xi32, #tpu.memory_space<hbm>> -> memref<1x2x80xi32, #tpu.memory_space<hbm>>
    %dma_wait3A_104 = tpu.memref_squeeze %dma_wait3A_103 : memref<1x2x80xi32, #tpu.memory_space<hbm>> -> memref<2x80xi32, #tpu.memory_space<hbm>>
    tpu.wait_dma2 semaphore(%arg19 : memref<!tpu.dma_semaphore, #tpu.memory_space<semaphore_mem>>) src(%dma_wait3A_104 : memref<2x80xi32, #tpu.memory_space<hbm>>) dst(%arg8 : memref<2x80xi32, #tpu.memory_space<vmem>>)
    %dma_start3A_105 = arith.constant 0 : i32
    %dma_start3A_106 = arith.constant 0 : i32
    %dma_start3A_107 = tpu.memref_slice %arg8[%dma_start3A_105, %dma_start3A_106] : memref<2x80xi32, #tpu.memory_space<vmem>> -> memref<1x80xi32, #tpu.memory_space<vmem>>
    %dma_start3A_108 = tpu.memref_squeeze %dma_start3A_107 : memref<1x80xi32, #tpu.memory_space<vmem>> -> memref<80xi32, #tpu.memory_space<vmem>>
    %dma_start3A_109 = arith.constant 0 : i32
    %dma_start3A_110 = arith.constant 0 : i32
    %dma_start3A_111 = tpu.memref_slice %arg2[%dma_start3A_109, %dma_start3A_110] : memref<10000x128xf32, #tpu.memory_space<hbm>> -> memref<10000x128xf32, #tpu.memory_space<hbm>>
    tpu.enqueue_indirect_dma source(%dma_start3A_111 : memref<10000x128xf32, #tpu.memory_space<hbm>>) target(%arg10 : memref<80x128xf32, #tpu.memory_space<vmem>>) offsets(%dma_start3A_108 : memref<80xi32, #tpu.memory_space<vmem>>) semaphore(%arg13 : memref<!tpu.dma_semaphore, #tpu.memory_space<semaphore_mem>>)
    %dma_wait3A_112 = arith.constant 0 : i32
    %dma_wait3A_113 = arith.constant 0 : i32
    %dma_wait3A_114 = tpu.memref_slice %arg2[%dma_wait3A_112, %dma_wait3A_113] : memref<10000x128xf32, #tpu.memory_space<hbm>> -> memref<80x128xf32, #tpu.memory_space<hbm>>
    %dma_wait3A_115 = arith.constant 0 : i32
    %dma_wait3A_116 = arith.constant 0 : i32
    %dma_wait3A_117 = tpu.memref_slice %arg2[%dma_wait3A_115, %dma_wait3A_116] : memref<10000x128xf32, #tpu.memory_space<hbm>> -> memref<80x128xf32, #tpu.memory_space<hbm>>
    tpu.wait_dma2 semaphore(%arg14 : memref<!tpu.dma_semaphore, #tpu.memory_space<semaphore_mem>>) src(%dma_wait3A_117 : memref<80x128xf32, #tpu.memory_space<hbm>>) dst(%arg11 : memref<80x128xf32, #tpu.memory_space<vmem>>)
    %dma_start3A_118 = arith.constant 1 : i32
    %dma_start3A_119 = arith.constant 0 : i32
    %dma_start3A_120 = tpu.memref_slice %arg7[%dma_start3A_118, %dma_start3A_119] : memref<2x80xi32, #tpu.memory_space<vmem>> -> memref<1x80xi32, #tpu.memory_space<vmem>>
    %dma_start3A_121 = tpu.memref_squeeze %dma_start3A_120 : memref<1x80xi32, #tpu.memory_space<vmem>> -> memref<80xi32, #tpu.memory_space<vmem>>
    %dma_start3A_122 = arith.constant 0 : i32
    %dma_start3A_123 = arith.constant 0 : i32
    %dma_start3A_124 = tpu.memref_slice %arg12[%dma_start3A_122, %dma_start3A_123] : memref<10112x128xf32, #tpu.memory_space<vmem_shared>> -> memref<10112x128xf32, #tpu.memory_space<vmem_shared>>
    tpu.enqueue_indirect_dma source(%arg11 : memref<80x128xf32, #tpu.memory_space<vmem>>) target(%dma_start3A_124 : memref<10112x128xf32, #tpu.memory_space<vmem_shared>>) offsets(%dma_start3A_121 : memref<80xi32, #tpu.memory_space<vmem>>) semaphore(%arg16 : memref<!tpu.dma_semaphore, #tpu.memory_space<semaphore_mem>>) {add = true}
    %dma_wait3A_125 = arith.constant 0 : i32
    %dma_wait3A_126 = arith.constant 0 : i32
    %dma_wait3A_127 = tpu.memref_slice %arg2[%dma_wait3A_125, %dma_wait3A_126] : memref<10000x128xf32, #tpu.memory_space<hbm>> -> memref<80x128xf32, #tpu.memory_space<hbm>>
    %dma_wait3A_128 = arith.constant 0 : i32
    %dma_wait3A_129 = arith.constant 0 : i32
    %dma_wait3A_130 = tpu.memref_slice %arg2[%dma_wait3A_128, %dma_wait3A_129] : memref<10000x128xf32, #tpu.memory_space<hbm>> -> memref<80x128xf32, #tpu.memory_space<hbm>>
    tpu.wait_dma2 semaphore(%arg16 : memref<!tpu.dma_semaphore, #tpu.memory_space<semaphore_mem>>) src(%dma_wait3A_130 : memref<80x128xf32, #tpu.memory_space<hbm>>) dst(%arg11 : memref<80x128xf32, #tpu.memory_space<vmem>>)
    %dma_wait3A_131 = arith.constant 0 : i32
    %dma_wait3A_132 = arith.constant 0 : i32
    %dma_wait3A_133 = tpu.memref_slice %arg3[%mul3A_4, %dma_wait3A_131, %dma_wait3A_132] : memref<4096x2x80xi32, #tpu.memory_space<hbm>> -> memref<1x2x80xi32, #tpu.memory_space<hbm>>
    %dma_wait3A_134 = tpu.memref_squeeze %dma_wait3A_133 : memref<1x2x80xi32, #tpu.memory_space<hbm>> -> memref<2x80xi32, #tpu.memory_space<hbm>>
    %dma_wait3A_135 = arith.constant 0 : i32
    %dma_wait3A_136 = arith.constant 0 : i32
    %dma_wait3A_137 = tpu.memref_slice %arg3[%mul3A_4, %dma_wait3A_135, %dma_wait3A_136] : memref<4096x2x80xi32, #tpu.memory_space<hbm>> -> memref<1x2x80xi32, #tpu.memory_space<hbm>>
    %dma_wait3A_138 = tpu.memref_squeeze %dma_wait3A_137 : memref<1x2x80xi32, #tpu.memory_space<hbm>> -> memref<2x80xi32, #tpu.memory_space<hbm>>
    tpu.wait_dma2 semaphore(%arg20 : memref<!tpu.dma_semaphore, #tpu.memory_space<semaphore_mem>>) src(%dma_wait3A_138 : memref<2x80xi32, #tpu.memory_space<hbm>>) dst(%arg9 : memref<2x80xi32, #tpu.memory_space<vmem>>)
    %dma_start3A_139 = arith.constant 0 : i32
    %dma_start3A_140 = arith.constant 0 : i32
    %dma_start3A_141 = tpu.memref_slice %arg9[%dma_start3A_139, %dma_start3A_140] : memref<2x80xi32, #tpu.memory_space<vmem>> -> memref<1x80xi32, #tpu.memory_space<vmem>>
    %dma_start3A_142 = tpu.memref_squeeze %dma_start3A_141 : memref<1x80xi32, #tpu.memory_space<vmem>> -> memref<80xi32, #tpu.memory_space<vmem>>
    %dma_start3A_143 = arith.constant 0 : i32
    %dma_start3A_144 = arith.constant 0 : i32
    %dma_start3A_145 = tpu.memref_slice %arg2[%dma_start3A_143, %dma_start3A_144] : memref<10000x128xf32, #tpu.memory_space<hbm>> -> memref<10000x128xf32, #tpu.memory_space<hbm>>
    tpu.enqueue_indirect_dma source(%dma_start3A_145 : memref<10000x128xf32, #tpu.memory_space<hbm>>) target(%arg11 : memref<80x128xf32, #tpu.memory_space<vmem>>) offsets(%dma_start3A_142 : memref<80xi32, #tpu.memory_space<vmem>>) semaphore(%arg14 : memref<!tpu.dma_semaphore, #tpu.memory_space<semaphore_mem>>)
    %dma_wait3A_146 = arith.constant 0 : i32
    %dma_wait3A_147 = arith.constant 0 : i32
    %dma_wait3A_148 = tpu.memref_slice %arg2[%dma_wait3A_146, %dma_wait3A_147] : memref<10000x128xf32, #tpu.memory_space<hbm>> -> memref<80x128xf32, #tpu.memory_space<hbm>>
    %dma_wait3A_149 = arith.constant 0 : i32
    %dma_wait3A_150 = arith.constant 0 : i32
    %dma_wait3A_151 = tpu.memref_slice %arg2[%dma_wait3A_149, %dma_wait3A_150] : memref<10000x128xf32, #tpu.memory_space<hbm>> -> memref<80x128xf32, #tpu.memory_space<hbm>>
    tpu.wait_dma2 semaphore(%arg13 : memref<!tpu.dma_semaphore, #tpu.memory_space<semaphore_mem>>) src(%dma_wait3A_151 : memref<80x128xf32, #tpu.memory_space<hbm>>) dst(%arg10 : memref<80x128xf32, #tpu.memory_space<vmem>>)
    %dma_start3A_152 = arith.constant 1 : i32
    %dma_start3A_153 = arith.constant 0 : i32
    %dma_start3A_154 = tpu.memref_slice %arg8[%dma_start3A_152, %dma_start3A_153] : memref<2x80xi32, #tpu.memory_space<vmem>> -> memref<1x80xi32, #tpu.memory_space<vmem>>
    %dma_start3A_155 = tpu.memref_squeeze %dma_start3A_154 : memref<1x80xi32, #tpu.memory_space<vmem>> -> memref<80xi32, #tpu.memory_space<vmem>>
    %dma_start3A_156 = arith.constant 0 : i32
    %dma_start3A_157 = arith.constant 0 : i32
    %dma_start3A_158 = tpu.memref_slice %arg12[%dma_start3A_156, %dma_start3A_157] : memref<10112x128xf32, #tpu.memory_space<vmem_shared>> -> memref<10112x128xf32, #tpu.memory_space<vmem_shared>>
    tpu.enqueue_indirect_dma source(%arg10 : memref<80x128xf32, #tpu.memory_space<vmem>>) target(%dma_start3A_158 : memref<10112x128xf32, #tpu.memory_space<vmem_shared>>) offsets(%dma_start3A_155 : memref<80xi32, #tpu.memory_space<vmem>>) semaphore(%arg15 : memref<!tpu.dma_semaphore, #tpu.memory_space<semaphore_mem>>) {add = true}
    %dma_wait3A_159 = arith.constant 0 : i32
    %dma_wait3A_160 = arith.constant 0 : i32
    %dma_wait3A_161 = tpu.memref_slice %arg2[%dma_wait3A_159, %dma_wait3A_160] : memref<10000x128xf32, #tpu.memory_space<hbm>> -> memref<80x128xf32, #tpu.memory_space<hbm>>
    %dma_wait3A_162 = arith.constant 0 : i32
    %dma_wait3A_163 = arith.constant 0 : i32
    %dma_wait3A_164 = tpu.memref_slice %arg2[%dma_wait3A_162, %dma_wait3A_163] : memref<10000x128xf32, #tpu.memory_space<hbm>> -> memref<80x128xf32, #tpu.memory_space<hbm>>
    tpu.wait_dma2 semaphore(%arg15 : memref<!tpu.dma_semaphore, #tpu.memory_space<semaphore_mem>>) src(%dma_wait3A_164 : memref<80x128xf32, #tpu.memory_space<hbm>>) dst(%arg10 : memref<80x128xf32, #tpu.memory_space<vmem>>)
    %dma_wait3A_165 = arith.constant 0 : i32
    %dma_wait3A_166 = arith.constant 0 : i32
    %dma_wait3A_167 = tpu.memref_slice %arg2[%dma_wait3A_165, %dma_wait3A_166] : memref<10000x128xf32, #tpu.memory_space<hbm>> -> memref<80x128xf32, #tpu.memory_space<hbm>>
    %dma_wait3A_168 = arith.constant 0 : i32
    %dma_wait3A_169 = arith.constant 0 : i32
    %dma_wait3A_170 = tpu.memref_slice %arg2[%dma_wait3A_168, %dma_wait3A_169] : memref<10000x128xf32, #tpu.memory_space<hbm>> -> memref<80x128xf32, #tpu.memory_space<hbm>>
    tpu.wait_dma2 semaphore(%arg14 : memref<!tpu.dma_semaphore, #tpu.memory_space<semaphore_mem>>) src(%dma_wait3A_170 : memref<80x128xf32, #tpu.memory_space<hbm>>) dst(%arg11 : memref<80x128xf32, #tpu.memory_space<vmem>>)
    %dma_start3A_171 = arith.constant 1 : i32
    %dma_start3A_172 = arith.constant 0 : i32
    %dma_start3A_173 = tpu.memref_slice %arg9[%dma_start3A_171, %dma_start3A_172] : memref<2x80xi32, #tpu.memory_space<vmem>> -> memref<1x80xi32, #tpu.memory_space<vmem>>
    %dma_start3A_174 = tpu.memref_squeeze %dma_start3A_173 : memref<1x80xi32, #tpu.memory_space<vmem>> -> memref<80xi32, #tpu.memory_space<vmem>>
    %dma_start3A_175 = arith.constant 0 : i32
    %dma_start3A_176 = arith.constant 0 : i32
    %dma_start3A_177 = tpu.memref_slice %arg12[%dma_start3A_175, %dma_start3A_176] : memref<10112x128xf32, #tpu.memory_space<vmem_shared>> -> memref<10112x128xf32, #tpu.memory_space<vmem_shared>>
    tpu.enqueue_indirect_dma source(%arg11 : memref<80x128xf32, #tpu.memory_space<vmem>>) target(%dma_start3A_177 : memref<10112x128xf32, #tpu.memory_space<vmem_shared>>) offsets(%dma_start3A_174 : memref<80xi32, #tpu.memory_space<vmem>>) semaphore(%arg16 : memref<!tpu.dma_semaphore, #tpu.memory_space<semaphore_mem>>) {add = true}
    %dma_wait3A_178 = arith.constant 0 : i32
    %dma_wait3A_179 = arith.constant 0 : i32
    %dma_wait3A_180 = tpu.memref_slice %arg2[%dma_wait3A_178, %dma_wait3A_179] : memref<10000x128xf32, #tpu.memory_space<hbm>> -> memref<80x128xf32, #tpu.memory_space<hbm>>
    %dma_wait3A_181 = arith.constant 0 : i32
    %dma_wait3A_182 = arith.constant 0 : i32
    %dma_wait3A_183 = tpu.memref_slice %arg2[%dma_wait3A_181, %dma_wait3A_182] : memref<10000x128xf32, #tpu.memory_space<hbm>> -> memref<80x128xf32, #tpu.memory_space<hbm>>
    tpu.wait_dma2 semaphore(%arg16 : memref<!tpu.dma_semaphore, #tpu.memory_space<semaphore_mem>>) src(%dma_wait3A_183 : memref<80x128xf32, #tpu.memory_space<hbm>>) dst(%arg11 : memref<80x128xf32, #tpu.memory_space<vmem>>)
    %barrier3A_184 = arith.constant 0 : index
    tpu.barrier barrier_id(%barrier3A_184)
    "tpu.region"() ({
      %run_scoped3A = tpu.sem_alloc : memref<!tpu.dma_semaphore, #tpu.memory_space<semaphore_mem>>
      %dma_start3A_185 = arith.constant 0 : i32
      %dma_start3A_186 = tpu.memref_slice %arg5[%arg0, %mul3A_2, %dma_start3A_185] : memref<2x10112x128xf32, #tpu.memory_space<hbm>> -> memref<1x632x128xf32, #tpu.memory_space<hbm>>
      %dma_start3A_187 = tpu.memref_squeeze %dma_start3A_186 : memref<1x632x128xf32, #tpu.memory_space<hbm>> -> memref<632x128xf32, #tpu.memory_space<hbm>>
      %dma_start3A_188 = arith.constant 0 : i32
      %dma_start3A_189 = tpu.memref_slice %arg12[%mul3A_2, %dma_start3A_188] : memref<10112x128xf32, #tpu.memory_space<vmem_shared>> -> memref<632x128xf32, #tpu.memory_space<vmem_shared>>
      tpu.enqueue_dma source(%dma_start3A_189 : memref<632x128xf32, #tpu.memory_space<vmem_shared>>) target(%dma_start3A_187 : memref<632x128xf32, #tpu.memory_space<hbm>>) target_semaphore(%run_scoped3A : memref<!tpu.dma_semaphore, #tpu.memory_space<semaphore_mem>>)
      %dma_wait3A_190 = arith.constant 0 : i32
      %dma_wait3A_191 = tpu.memref_slice %arg5[%arg0, %mul3A_2, %dma_wait3A_190] : memref<2x10112x128xf32, #tpu.memory_space<hbm>> -> memref<1x632x128xf32, #tpu.memory_space<hbm>>
      %dma_wait3A_192 = tpu.memref_squeeze %dma_wait3A_191 : memref<1x632x128xf32, #tpu.memory_space<hbm>> -> memref<632x128xf32, #tpu.memory_space<hbm>>
      %dma_wait3A_193 = arith.constant 0 : i32
      %dma_wait3A_194 = tpu.memref_slice %arg12[%mul3A_2, %dma_wait3A_193] : memref<10112x128xf32, #tpu.memory_space<vmem_shared>> -> memref<632x128xf32, #tpu.memory_space<vmem_shared>>
      tpu.wait_dma2 semaphore(%run_scoped3A : memref<!tpu.dma_semaphore, #tpu.memory_space<semaphore_mem>>) src(%dma_wait3A_194 : memref<632x128xf32, #tpu.memory_space<vmem_shared>>) dst(%dma_wait3A_192 : memref<632x128xf32, #tpu.memory_space<hbm>>)
      tpu.yield
    }) : () -> ()
    return
  }
}

#map = affine_map<(d0, d1) -> (0, 0)>
#map1 = affine_map<(d0, d1) -> (0, 0, 0)>
module attributes {stable_mosaic.version = 14 : i64} {
  func.func @body(%arg0: i32, %arg1: i32, %arg2: memref<10000x128xf32, #tpu.memory_space<hbm>>, %arg3: memref<4096x2x80xi32, #tpu.memory_space<hbm>>, %arg4: memref<632x128xf32, #tpu.memory_space<hbm>>, %arg5: memref<2x10112x128xf32, #tpu.memory_space<hbm>>, %arg6: memref<2x80xi32, #tpu.memory_space<vmem>>, %arg7: memref<2x80xi32, #tpu.memory_space<vmem>>, %arg8: memref<2x80xi32, #tpu.memory_space<vmem>>, %arg9: memref<2x80xi32, #tpu.memory_space<vmem>>, %arg10: memref<80x128xf32, #tpu.memory_space<vmem>>, %arg11: memref<80x128xf32, #tpu.memory_space<vmem>>, %arg12: memref<10112x128xf32, #tpu.memory_space<vmem_shared>>, %arg13: memref<!tpu.dma_semaphore, #tpu.memory_space<semaphore_mem>>, %arg14: memref<!tpu.dma_semaphore, #tpu.memory_space<semaphore_mem>>, %arg15: memref<!tpu.dma_semaphore, #tpu.memory_space<semaphore_mem>>, %arg16: memref<!tpu.dma_semaphore, #tpu.memory_space<semaphore_mem>>, %arg17: memref<!tpu.dma_semaphore, #tpu.memory_space<semaphore_mem>>, %arg18: memref<!tpu.dma_semaphore, #tpu.memory_space<semaphore_mem>>, %arg19: memref<!tpu.dma_semaphore, #tpu.memory_space<semaphore_mem>>, %arg20: memref<!tpu.dma_semaphore, #tpu.memory_space<semaphore_mem>>) attributes {dimension_semantics = [#tpu.dimension_semantics<core_parallel>, #tpu.dimension_semantics<subcore_parallel>], iteration_bounds = array<i64: 2, 16>, scalar_prefetch = 0 : i64, scratch_operands = 15 : i64, tpu.core_type = #tpu.core_type<sc_vector_subcore>, window_params = [{transform_indices = #map}, {transform_indices = #map1}, {transform_indices = #map}, {transform_indices = #map1}]} {
    %mul3A = arith.constant 16 : i32
    %mul3A_0 = arith.muli %arg0, %mul3A : i32
    %add3A = arith.addi %mul3A_0, %arg1 : i32
    %mul3A_1 = arith.constant 632 : i32
    %mul3A_2 = arith.muli %arg1, %mul3A_1 : i32
    %mul3A_3 = arith.constant 128 : i32
    %mul3A_4 = arith.muli %add3A, %mul3A_3 : i32
    "tpu.region"() ({
      %run_scoped3A = tpu.sem_alloc : memref<!tpu.dma_semaphore, #tpu.memory_space<semaphore_mem>>
      %dma_start3A_185 = arith.constant 0 : i32
      %dma_start3A_186 = tpu.memref_slice %arg12[%mul3A_2, %dma_start3A_185] : memref<10112x128xf32, #tpu.memory_space<vmem_shared>> -> memref<632x128xf32, #tpu.memory_space<vmem_shared>>
      tpu.enqueue_dma source(%arg4 : memref<632x128xf32, #tpu.memory_space<hbm>>) target(%dma_start3A_186 : memref<632x128xf32, #tpu.memory_space<vmem_shared>>) target_semaphore(%run_scoped3A : memref<!tpu.dma_semaphore, #tpu.memory_space<semaphore_mem>>)
      %dma_wait3A_187 = arith.constant 0 : i32
      %dma_wait3A_188 = tpu.memref_slice %arg12[%mul3A_2, %dma_wait3A_187] : memref<10112x128xf32, #tpu.memory_space<vmem_shared>> -> memref<632x128xf32, #tpu.memory_space<vmem_shared>>
      tpu.wait_dma2 semaphore(%run_scoped3A : memref<!tpu.dma_semaphore, #tpu.memory_space<semaphore_mem>>) src(%arg4 : memref<632x128xf32, #tpu.memory_space<hbm>>) dst(%dma_wait3A_188 : memref<632x128xf32, #tpu.memory_space<vmem_shared>>)
      tpu.yield
    }) : () -> ()
    %barrier3A = arith.constant 0 : index
    tpu.barrier barrier_id(%barrier3A)
    %add3A_5 = arith.constant 0 : i32
    %add3A_6 = arith.addi %mul3A_4, %add3A_5 : i32
    %dma_start3A = arith.constant 0 : i32
    %dma_start3A_7 = arith.constant 0 : i32
    %dma_start3A_8 = tpu.memref_slice %arg3[%add3A_6, %dma_start3A, %dma_start3A_7] : memref<4096x2x80xi32, #tpu.memory_space<hbm>> -> memref<1x2x80xi32, #tpu.memory_space<hbm>>
    %dma_start3A_9 = tpu.memref_squeeze %dma_start3A_8 : memref<1x2x80xi32, #tpu.memory_space<hbm>> -> memref<2x80xi32, #tpu.memory_space<hbm>>
    %dma_start3A_10 = arith.constant 0 : i32
    %dma_start3A_11 = arith.constant 0 : i32
    %dma_start3A_12 = tpu.memref_slice %arg3[%add3A_6, %dma_start3A_10, %dma_start3A_11] : memref<4096x2x80xi32, #tpu.memory_space<hbm>> -> memref<1x2x80xi32, #tpu.memory_space<hbm>>
    %dma_start3A_13 = tpu.memref_squeeze %dma_start3A_12 : memref<1x2x80xi32, #tpu.memory_space<hbm>> -> memref<2x80xi32, #tpu.memory_space<hbm>>
    tpu.enqueue_dma source(%dma_start3A_13 : memref<2x80xi32, #tpu.memory_space<hbm>>) target(%arg6 : memref<2x80xi32, #tpu.memory_space<vmem>>) target_semaphore(%arg17 : memref<!tpu.dma_semaphore, #tpu.memory_space<semaphore_mem>>)
    %add3A_14 = arith.constant 1 : i32
    %add3A_15 = arith.addi %mul3A_4, %add3A_14 : i32
    %dma_start3A_16 = arith.constant 0 : i32
    %dma_start3A_17 = arith.constant 0 : i32
    %dma_start3A_18 = tpu.memref_slice %arg3[%add3A_15, %dma_start3A_16, %dma_start3A_17] : memref<4096x2x80xi32, #tpu.memory_space<hbm>> -> memref<1x2x80xi32, #tpu.memory_space<hbm>>
    %dma_start3A_19 = tpu.memref_squeeze %dma_start3A_18 : memref<1x2x80xi32, #tpu.memory_space<hbm>> -> memref<2x80xi32, #tpu.memory_space<hbm>>
    %dma_start3A_20 = arith.constant 0 : i32
    %dma_start3A_21 = arith.constant 0 : i32
    %dma_start3A_22 = tpu.memref_slice %arg3[%add3A_15, %dma_start3A_20, %dma_start3A_21] : memref<4096x2x80xi32, #tpu.memory_space<hbm>> -> memref<1x2x80xi32, #tpu.memory_space<hbm>>
    %dma_start3A_23 = tpu.memref_squeeze %dma_start3A_22 : memref<1x2x80xi32, #tpu.memory_space<hbm>> -> memref<2x80xi32, #tpu.memory_space<hbm>>
    tpu.enqueue_dma source(%dma_start3A_23 : memref<2x80xi32, #tpu.memory_space<hbm>>) target(%arg7 : memref<2x80xi32, #tpu.memory_space<vmem>>) target_semaphore(%arg18 : memref<!tpu.dma_semaphore, #tpu.memory_space<semaphore_mem>>)
    %add3A_24 = arith.constant 2 : i32
    %add3A_25 = arith.addi %mul3A_4, %add3A_24 : i32
    %dma_start3A_26 = arith.constant 0 : i32
    %dma_start3A_27 = arith.constant 0 : i32
    %dma_start3A_28 = tpu.memref_slice %arg3[%add3A_25, %dma_start3A_26, %dma_start3A_27] : memref<4096x2x80xi32, #tpu.memory_space<hbm>> -> memref<1x2x80xi32, #tpu.memory_space<hbm>>
    %dma_start3A_29 = tpu.memref_squeeze %dma_start3A_28 : memref<1x2x80xi32, #tpu.memory_space<hbm>> -> memref<2x80xi32, #tpu.memory_space<hbm>>
    %dma_start3A_30 = arith.constant 0 : i32
    %dma_start3A_31 = arith.constant 0 : i32
    %dma_start3A_32 = tpu.memref_slice %arg3[%add3A_25, %dma_start3A_30, %dma_start3A_31] : memref<4096x2x80xi32, #tpu.memory_space<hbm>> -> memref<1x2x80xi32, #tpu.memory_space<hbm>>
    %dma_start3A_33 = tpu.memref_squeeze %dma_start3A_32 : memref<1x2x80xi32, #tpu.memory_space<hbm>> -> memref<2x80xi32, #tpu.memory_space<hbm>>
    tpu.enqueue_dma source(%dma_start3A_33 : memref<2x80xi32, #tpu.memory_space<hbm>>) target(%arg8 : memref<2x80xi32, #tpu.memory_space<vmem>>) target_semaphore(%arg19 : memref<!tpu.dma_semaphore, #tpu.memory_space<semaphore_mem>>)
    %add3A_34 = arith.constant 3 : i32
    %add3A_35 = arith.addi %mul3A_4, %add3A_34 : i32
    %dma_start3A_36 = arith.constant 0 : i32
    %dma_start3A_37 = arith.constant 0 : i32
    %dma_start3A_38 = tpu.memref_slice %arg3[%add3A_35, %dma_start3A_36, %dma_start3A_37] : memref<4096x2x80xi32, #tpu.memory_space<hbm>> -> memref<1x2x80xi32, #tpu.memory_space<hbm>>
    %dma_start3A_39 = tpu.memref_squeeze %dma_start3A_38 : memref<1x2x80xi32, #tpu.memory_space<hbm>> -> memref<2x80xi32, #tpu.memory_space<hbm>>
    %dma_start3A_40 = arith.constant 0 : i32
    %dma_start3A_41 = arith.constant 0 : i32
    %dma_start3A_42 = tpu.memref_slice %arg3[%add3A_35, %dma_start3A_40, %dma_start3A_41] : memref<4096x2x80xi32, #tpu.memory_space<hbm>> -> memref<1x2x80xi32, #tpu.memory_space<hbm>>
    %dma_start3A_43 = tpu.memref_squeeze %dma_start3A_42 : memref<1x2x80xi32, #tpu.memory_space<hbm>> -> memref<2x80xi32, #tpu.memory_space<hbm>>
    tpu.enqueue_dma source(%dma_start3A_43 : memref<2x80xi32, #tpu.memory_space<hbm>>) target(%arg9 : memref<2x80xi32, #tpu.memory_space<vmem>>) target_semaphore(%arg20 : memref<!tpu.dma_semaphore, #tpu.memory_space<semaphore_mem>>)
    %dma_wait3A = arith.constant 0 : i32
    %dma_wait3A_44 = arith.constant 0 : i32
    %dma_wait3A_45 = tpu.memref_slice %arg3[%mul3A_4, %dma_wait3A, %dma_wait3A_44] : memref<4096x2x80xi32, #tpu.memory_space<hbm>> -> memref<1x2x80xi32, #tpu.memory_space<hbm>>
    %dma_wait3A_46 = tpu.memref_squeeze %dma_wait3A_45 : memref<1x2x80xi32, #tpu.memory_space<hbm>> -> memref<2x80xi32, #tpu.memory_space<hbm>>
    %dma_wait3A_47 = arith.constant 0 : i32
    %dma_wait3A_48 = arith.constant 0 : i32
    %dma_wait3A_49 = tpu.memref_slice %arg3[%mul3A_4, %dma_wait3A_47, %dma_wait3A_48] : memref<4096x2x80xi32, #tpu.memory_space<hbm>> -> memref<1x2x80xi32, #tpu.memory_space<hbm>>
    %dma_wait3A_50 = tpu.memref_squeeze %dma_wait3A_49 : memref<1x2x80xi32, #tpu.memory_space<hbm>> -> memref<2x80xi32, #tpu.memory_space<hbm>>
    tpu.wait_dma2 semaphore(%arg17 : memref<!tpu.dma_semaphore, #tpu.memory_space<semaphore_mem>>) src(%dma_wait3A_50 : memref<2x80xi32, #tpu.memory_space<hbm>>) dst(%arg6 : memref<2x80xi32, #tpu.memory_space<vmem>>)
    %dma_start3A_51 = arith.constant 0 : i32
    %dma_start3A_52 = arith.constant 0 : i32
    %dma_start3A_53 = tpu.memref_slice %arg6[%dma_start3A_51, %dma_start3A_52] : memref<2x80xi32, #tpu.memory_space<vmem>> -> memref<1x80xi32, #tpu.memory_space<vmem>>
    %dma_start3A_54 = tpu.memref_squeeze %dma_start3A_53 : memref<1x80xi32, #tpu.memory_space<vmem>> -> memref<80xi32, #tpu.memory_space<vmem>>
    %dma_start3A_55 = arith.constant 0 : i32
    %dma_start3A_56 = arith.constant 0 : i32
    %dma_start3A_57 = tpu.memref_slice %arg2[%dma_start3A_55, %dma_start3A_56] : memref<10000x128xf32, #tpu.memory_space<hbm>> -> memref<10000x128xf32, #tpu.memory_space<hbm>>
    tpu.enqueue_indirect_dma source(%dma_start3A_57 : memref<10000x128xf32, #tpu.memory_space<hbm>>) target(%arg10 : memref<80x128xf32, #tpu.memory_space<vmem>>) offsets(%dma_start3A_54 : memref<80xi32, #tpu.memory_space<vmem>>) semaphore(%arg13 : memref<!tpu.dma_semaphore, #tpu.memory_space<semaphore_mem>>)
    %dma_wait3A_58 = arith.constant 0 : i32
    %dma_wait3A_59 = arith.constant 0 : i32
    %dma_wait3A_60 = tpu.memref_slice %arg3[%mul3A_4, %dma_wait3A_58, %dma_wait3A_59] : memref<4096x2x80xi32, #tpu.memory_space<hbm>> -> memref<1x2x80xi32, #tpu.memory_space<hbm>>
    %dma_wait3A_61 = tpu.memref_squeeze %dma_wait3A_60 : memref<1x2x80xi32, #tpu.memory_space<hbm>> -> memref<2x80xi32, #tpu.memory_space<hbm>>
    %dma_wait3A_62 = arith.constant 0 : i32
    %dma_wait3A_63 = arith.constant 0 : i32
    %dma_wait3A_64 = tpu.memref_slice %arg3[%mul3A_4, %dma_wait3A_62, %dma_wait3A_63] : memref<4096x2x80xi32, #tpu.memory_space<hbm>> -> memref<1x2x80xi32, #tpu.memory_space<hbm>>
    %dma_wait3A_65 = tpu.memref_squeeze %dma_wait3A_64 : memref<1x2x80xi32, #tpu.memory_space<hbm>> -> memref<2x80xi32, #tpu.memory_space<hbm>>
    tpu.wait_dma2 semaphore(%arg18 : memref<!tpu.dma_semaphore, #tpu.memory_space<semaphore_mem>>) src(%dma_wait3A_65 : memref<2x80xi32, #tpu.memory_space<hbm>>) dst(%arg7 : memref<2x80xi32, #tpu.memory_space<vmem>>)
    %dma_start3A_66 = arith.constant 0 : i32
    %dma_start3A_67 = arith.constant 0 : i32
    %dma_start3A_68 = tpu.memref_slice %arg7[%dma_start3A_66, %dma_start3A_67] : memref<2x80xi32, #tpu.memory_space<vmem>> -> memref<1x80xi32, #tpu.memory_space<vmem>>
    %dma_start3A_69 = tpu.memref_squeeze %dma_start3A_68 : memref<1x80xi32, #tpu.memory_space<vmem>> -> memref<80xi32, #tpu.memory_space<vmem>>
    %dma_start3A_70 = arith.constant 0 : i32
    %dma_start3A_71 = arith.constant 0 : i32
    %dma_start3A_72 = tpu.memref_slice %arg2[%dma_start3A_70, %dma_start3A_71] : memref<10000x128xf32, #tpu.memory_space<hbm>> -> memref<10000x128xf32, #tpu.memory_space<hbm>>
    tpu.enqueue_indirect_dma source(%dma_start3A_72 : memref<10000x128xf32, #tpu.memory_space<hbm>>) target(%arg11 : memref<80x128xf32, #tpu.memory_space<vmem>>) offsets(%dma_start3A_69 : memref<80xi32, #tpu.memory_space<vmem>>) semaphore(%arg14 : memref<!tpu.dma_semaphore, #tpu.memory_space<semaphore_mem>>)
    %scan3A = arith.constant 0 : i32
    %scan3A_73 = arith.constant 0 : i32
    %scan3A_74 = arith.constant 31 : i32
    %scan3A_75 = arith.addi %scan3A_73, %scan3A_74 : i32
    %scan3A_76 = arith.constant 1 : i32
    scf.for %scan3A_185 = %scan3A_73 to %scan3A_75 step %scan3A_76  : i32 {
      %mul3A_186 = arith.constant 4 : i32
      %mul3A_187 = arith.muli %mul3A_186, %scan3A_185 : i32
      %add3A_188 = arith.constant 0 : i32
      %add3A_189 = arith.addi %mul3A_187, %add3A_188 : i32
      %dma_wait3A_190 = arith.constant 0 : i32
      %dma_wait3A_191 = arith.constant 0 : i32
      %dma_wait3A_192 = tpu.memref_slice %arg2[%dma_wait3A_190, %dma_wait3A_191] : memref<10000x128xf32, #tpu.memory_space<hbm>> -> memref<80x128xf32, #tpu.memory_space<hbm>>
      %dma_wait3A_193 = arith.constant 0 : i32
      %dma_wait3A_194 = arith.constant 0 : i32
      %dma_wait3A_195 = tpu.memref_slice %arg2[%dma_wait3A_193, %dma_wait3A_194] : memref<10000x128xf32, #tpu.memory_space<hbm>> -> memref<80x128xf32, #tpu.memory_space<hbm>>
      tpu.wait_dma2 semaphore(%arg13 : memref<!tpu.dma_semaphore, #tpu.memory_space<semaphore_mem>>) src(%dma_wait3A_195 : memref<80x128xf32, #tpu.memory_space<hbm>>) dst(%arg10 : memref<80x128xf32, #tpu.memory_space<vmem>>)
      %dma_start3A_196 = arith.constant 1 : i32
      %dma_start3A_197 = arith.constant 0 : i32
      %dma_start3A_198 = tpu.memref_slice %arg6[%dma_start3A_196, %dma_start3A_197] : memref<2x80xi32, #tpu.memory_space<vmem>> -> memref<1x80xi32, #tpu.memory_space<vmem>>
      %dma_start3A_199 = tpu.memref_squeeze %dma_start3A_198 : memref<1x80xi32, #tpu.memory_space<vmem>> -> memref<80xi32, #tpu.memory_space<vmem>>
      %dma_start3A_200 = arith.constant 0 : i32
      %dma_start3A_201 = arith.constant 0 : i32
      %dma_start3A_202 = tpu.memref_slice %arg12[%dma_start3A_200, %dma_start3A_201] : memref<10112x128xf32, #tpu.memory_space<vmem_shared>> -> memref<10112x128xf32, #tpu.memory_space<vmem_shared>>
      tpu.enqueue_indirect_dma source(%arg10 : memref<80x128xf32, #tpu.memory_space<vmem>>) target(%dma_start3A_202 : memref<10112x128xf32, #tpu.memory_space<vmem_shared>>) offsets(%dma_start3A_199 : memref<80xi32, #tpu.memory_space<vmem>>) semaphore(%arg15 : memref<!tpu.dma_semaphore, #tpu.memory_space<semaphore_mem>>) {add = true}
      %dma_wait3A_203 = arith.constant 0 : i32
      %dma_wait3A_204 = arith.constant 0 : i32
      %dma_wait3A_205 = tpu.memref_slice %arg2[%dma_wait3A_203, %dma_wait3A_204] : memref<10000x128xf32, #tpu.memory_space<hbm>> -> memref<80x128xf32, #tpu.memory_space<hbm>>
      %dma_wait3A_206 = arith.constant 0 : i32
      %dma_wait3A_207 = arith.constant 0 : i32
      %dma_wait3A_208 = tpu.memref_slice %arg2[%dma_wait3A_206, %dma_wait3A_207] : memref<10000x128xf32, #tpu.memory_space<hbm>> -> memref<80x128xf32, #tpu.memory_space<hbm>>
      tpu.wait_dma2 semaphore(%arg15 : memref<!tpu.dma_semaphore, #tpu.memory_space<semaphore_mem>>) src(%dma_wait3A_208 : memref<80x128xf32, #tpu.memory_space<hbm>>) dst(%arg10 : memref<80x128xf32, #tpu.memory_space<vmem>>)
      %add3A_209 = arith.addi %mul3A_4, %add3A_189 : i32
      %add3A_210 = arith.constant 4 : i32
      %add3A_211 = arith.addi %add3A_209, %add3A_210 : i32
      %dma_start3A_212 = arith.constant 0 : i32
      %dma_start3A_213 = arith.constant 0 : i32
      %dma_start3A_214 = tpu.memref_slice %arg3[%add3A_211, %dma_start3A_212, %dma_start3A_213] : memref<4096x2x80xi32, #tpu.memory_space<hbm>> -> memref<1x2x80xi32, #tpu.memory_space<hbm>>
      %dma_start3A_215 = tpu.memref_squeeze %dma_start3A_214 : memref<1x2x80xi32, #tpu.memory_space<hbm>> -> memref<2x80xi32, #tpu.memory_space<hbm>>
      %dma_start3A_216 = arith.constant 0 : i32
      %dma_start3A_217 = arith.constant 0 : i32
      %dma_start3A_218 = tpu.memref_slice %arg3[%add3A_211, %dma_start3A_216, %dma_start3A_217] : memref<4096x2x80xi32, #tpu.memory_space<hbm>> -> memref<1x2x80xi32, #tpu.memory_space<hbm>>
      %dma_start3A_219 = tpu.memref_squeeze %dma_start3A_218 : memref<1x2x80xi32, #tpu.memory_space<hbm>> -> memref<2x80xi32, #tpu.memory_space<hbm>>
      tpu.enqueue_dma source(%dma_start3A_219 : memref<2x80xi32, #tpu.memory_space<hbm>>) target(%arg6 : memref<2x80xi32, #tpu.memory_space<vmem>>) target_semaphore(%arg17 : memref<!tpu.dma_semaphore, #tpu.memory_space<semaphore_mem>>)
      %dma_wait3A_220 = arith.constant 0 : i32
      %dma_wait3A_221 = arith.constant 0 : i32
      %dma_wait3A_222 = tpu.memref_slice %arg3[%mul3A_4, %dma_wait3A_220, %dma_wait3A_221] : memref<4096x2x80xi32, #tpu.memory_space<hbm>> -> memref<1x2x80xi32, #tpu.memory_space<hbm>>
      %dma_wait3A_223 = tpu.memref_squeeze %dma_wait3A_222 : memref<1x2x80xi32, #tpu.memory_space<hbm>> -> memref<2x80xi32, #tpu.memory_space<hbm>>
      %dma_wait3A_224 = arith.constant 0 : i32
      %dma_wait3A_225 = arith.constant 0 : i32
      %dma_wait3A_226 = tpu.memref_slice %arg3[%mul3A_4, %dma_wait3A_224, %dma_wait3A_225] : memref<4096x2x80xi32, #tpu.memory_space<hbm>> -> memref<1x2x80xi32, #tpu.memory_space<hbm>>
      %dma_wait3A_227 = tpu.memref_squeeze %dma_wait3A_226 : memref<1x2x80xi32, #tpu.memory_space<hbm>> -> memref<2x80xi32, #tpu.memory_space<hbm>>
      tpu.wait_dma2 semaphore(%arg19 : memref<!tpu.dma_semaphore, #tpu.memory_space<semaphore_mem>>) src(%dma_wait3A_227 : memref<2x80xi32, #tpu.memory_space<hbm>>) dst(%arg8 : memref<2x80xi32, #tpu.memory_space<vmem>>)
      %dma_start3A_228 = arith.constant 0 : i32
      %dma_start3A_229 = arith.constant 0 : i32
      %dma_start3A_230 = tpu.memref_slice %arg8[%dma_start3A_228, %dma_start3A_229] : memref<2x80xi32, #tpu.memory_space<vmem>> -> memref<1x80xi32, #tpu.memory_space<vmem>>
      %dma_start3A_231 = tpu.memref_squeeze %dma_start3A_230 : memref<1x80xi32, #tpu.memory_space<vmem>> -> memref<80xi32, #tpu.memory_space<vmem>>
      %dma_start3A_232 = arith.constant 0 : i32
      %dma_start3A_233 = arith.constant 0 : i32
      %dma_start3A_234 = tpu.memref_slice %arg2[%dma_start3A_232, %dma_start3A_233] : memref<10000x128xf32, #tpu.memory_space<hbm>> -> memref<10000x128xf32, #tpu.memory_space<hbm>>
      tpu.enqueue_indirect_dma source(%dma_start3A_234 : memref<10000x128xf32, #tpu.memory_space<hbm>>) target(%arg10 : memref<80x128xf32, #tpu.memory_space<vmem>>) offsets(%dma_start3A_231 : memref<80xi32, #tpu.memory_space<vmem>>) semaphore(%arg13 : memref<!tpu.dma_semaphore, #tpu.memory_space<semaphore_mem>>)
      %add3A_235 = arith.constant 1 : i32
      %add3A_236 = arith.addi %mul3A_187, %add3A_235 : i32
      %dma_wait3A_237 = arith.constant 0 : i32
      %dma_wait3A_238 = arith.constant 0 : i32
      %dma_wait3A_239 = tpu.memref_slice %arg2[%dma_wait3A_237, %dma_wait3A_238] : memref<10000x128xf32, #tpu.memory_space<hbm>> -> memref<80x128xf32, #tpu.memory_space<hbm>>
      %dma_wait3A_240 = arith.constant 0 : i32
      %dma_wait3A_241 = arith.constant 0 : i32
      %dma_wait3A_242 = tpu.memref_slice %arg2[%dma_wait3A_240, %dma_wait3A_241] : memref<10000x128xf32, #tpu.memory_space<hbm>> -> memref<80x128xf32, #tpu.memory_space<hbm>>
      tpu.wait_dma2 semaphore(%arg14 : memref<!tpu.dma_semaphore, #tpu.memory_space<semaphore_mem>>) src(%dma_wait3A_242 : memref<80x128xf32, #tpu.memory_space<hbm>>) dst(%arg11 : memref<80x128xf32, #tpu.memory_space<vmem>>)
      %dma_start3A_243 = arith.constant 1 : i32
      %dma_start3A_244 = arith.constant 0 : i32
      %dma_start3A_245 = tpu.memref_slice %arg7[%dma_start3A_243, %dma_start3A_244] : memref<2x80xi32, #tpu.memory_space<vmem>> -> memref<1x80xi32, #tpu.memory_space<vmem>>
      %dma_start3A_246 = tpu.memref_squeeze %dma_start3A_245 : memref<1x80xi32, #tpu.memory_space<vmem>> -> memref<80xi32, #tpu.memory_space<vmem>>
      %dma_start3A_247 = arith.constant 0 : i32
      %dma_start3A_248 = arith.constant 0 : i32
      %dma_start3A_249 = tpu.memref_slice %arg12[%dma_start3A_247, %dma_start3A_248] : memref<10112x128xf32, #tpu.memory_space<vmem_shared>> -> memref<10112x128xf32, #tpu.memory_space<vmem_shared>>
      tpu.enqueue_indirect_dma source(%arg11 : memref<80x128xf32, #tpu.memory_space<vmem>>) target(%dma_start3A_249 : memref<10112x128xf32, #tpu.memory_space<vmem_shared>>) offsets(%dma_start3A_246 : memref<80xi32, #tpu.memory_space<vmem>>) semaphore(%arg16 : memref<!tpu.dma_semaphore, #tpu.memory_space<semaphore_mem>>) {add = true}
      %dma_wait3A_250 = arith.constant 0 : i32
      %dma_wait3A_251 = arith.constant 0 : i32
      %dma_wait3A_252 = tpu.memref_slice %arg2[%dma_wait3A_250, %dma_wait3A_251] : memref<10000x128xf32, #tpu.memory_space<hbm>> -> memref<80x128xf32, #tpu.memory_space<hbm>>
      %dma_wait3A_253 = arith.constant 0 : i32
      %dma_wait3A_254 = arith.constant 0 : i32
      %dma_wait3A_255 = tpu.memref_slice %arg2[%dma_wait3A_253, %dma_wait3A_254] : memref<10000x128xf32, #tpu.memory_space<hbm>> -> memref<80x128xf32, #tpu.memory_space<hbm>>
      tpu.wait_dma2 semaphore(%arg16 : memref<!tpu.dma_semaphore, #tpu.memory_space<semaphore_mem>>) src(%dma_wait3A_255 : memref<80x128xf32, #tpu.memory_space<hbm>>) dst(%arg11 : memref<80x128xf32, #tpu.memory_space<vmem>>)
      %add3A_256 = arith.addi %mul3A_4, %add3A_236 : i32
      %add3A_257 = arith.constant 4 : i32
      %add3A_258 = arith.addi %add3A_256, %add3A_257 : i32
      %dma_start3A_259 = arith.constant 0 : i32
      %dma_start3A_260 = arith.constant 0 : i32
      %dma_start3A_261 = tpu.memref_slice %arg3[%add3A_258, %dma_start3A_259, %dma_start3A_260] : memref<4096x2x80xi32, #tpu.memory_space<hbm>> -> memref<1x2x80xi32, #tpu.memory_space<hbm>>
      %dma_start3A_262 = tpu.memref_squeeze %dma_start3A_261 : memref<1x2x80xi32, #tpu.memory_space<hbm>> -> memref<2x80xi32, #tpu.memory_space<hbm>>
      %dma_start3A_263 = arith.constant 0 : i32
      %dma_start3A_264 = arith.constant 0 : i32
      %dma_start3A_265 = tpu.memref_slice %arg3[%add3A_258, %dma_start3A_263, %dma_start3A_264] : memref<4096x2x80xi32, #tpu.memory_space<hbm>> -> memref<1x2x80xi32, #tpu.memory_space<hbm>>
      %dma_start3A_266 = tpu.memref_squeeze %dma_start3A_265 : memref<1x2x80xi32, #tpu.memory_space<hbm>> -> memref<2x80xi32, #tpu.memory_space<hbm>>
      tpu.enqueue_dma source(%dma_start3A_266 : memref<2x80xi32, #tpu.memory_space<hbm>>) target(%arg7 : memref<2x80xi32, #tpu.memory_space<vmem>>) target_semaphore(%arg18 : memref<!tpu.dma_semaphore, #tpu.memory_space<semaphore_mem>>)
      %dma_wait3A_267 = arith.constant 0 : i32
      %dma_wait3A_268 = arith.constant 0 : i32
      %dma_wait3A_269 = tpu.memref_slice %arg3[%mul3A_4, %dma_wait3A_267, %dma_wait3A_268] : memref<4096x2x80xi32, #tpu.memory_space<hbm>> -> memref<1x2x80xi32, #tpu.memory_space<hbm>>
      %dma_wait3A_270 = tpu.memref_squeeze %dma_wait3A_269 : memref<1x2x80xi32, #tpu.memory_space<hbm>> -> memref<2x80xi32, #tpu.memory_space<hbm>>
      %dma_wait3A_271 = arith.constant 0 : i32
      %dma_wait3A_272 = arith.constant 0 : i32
      %dma_wait3A_273 = tpu.memref_slice %arg3[%mul3A_4, %dma_wait3A_271, %dma_wait3A_272] : memref<4096x2x80xi32, #tpu.memory_space<hbm>> -> memref<1x2x80xi32, #tpu.memory_space<hbm>>
      %dma_wait3A_274 = tpu.memref_squeeze %dma_wait3A_273 : memref<1x2x80xi32, #tpu.memory_space<hbm>> -> memref<2x80xi32, #tpu.memory_space<hbm>>
      tpu.wait_dma2 semaphore(%arg20 : memref<!tpu.dma_semaphore, #tpu.memory_space<semaphore_mem>>) src(%dma_wait3A_274 : memref<2x80xi32, #tpu.memory_space<hbm>>) dst(%arg9 : memref<2x80xi32, #tpu.memory_space<vmem>>)
      %dma_start3A_275 = arith.constant 0 : i32
      %dma_start3A_276 = arith.constant 0 : i32
      %dma_start3A_277 = tpu.memref_slice %arg9[%dma_start3A_275, %dma_start3A_276] : memref<2x80xi32, #tpu.memory_space<vmem>> -> memref<1x80xi32, #tpu.memory_space<vmem>>
      %dma_start3A_278 = tpu.memref_squeeze %dma_start3A_277 : memref<1x80xi32, #tpu.memory_space<vmem>> -> memref<80xi32, #tpu.memory_space<vmem>>
      %dma_start3A_279 = arith.constant 0 : i32
      %dma_start3A_280 = arith.constant 0 : i32
      %dma_start3A_281 = tpu.memref_slice %arg2[%dma_start3A_279, %dma_start3A_280] : memref<10000x128xf32, #tpu.memory_space<hbm>> -> memref<10000x128xf32, #tpu.memory_space<hbm>>
      tpu.enqueue_indirect_dma source(%dma_start3A_281 : memref<10000x128xf32, #tpu.memory_space<hbm>>) target(%arg11 : memref<80x128xf32, #tpu.memory_space<vmem>>) offsets(%dma_start3A_278 : memref<80xi32, #tpu.memory_space<vmem>>) semaphore(%arg14 : memref<!tpu.dma_semaphore, #tpu.memory_space<semaphore_mem>>)
      %add3A_282 = arith.constant 2 : i32
      %add3A_283 = arith.addi %mul3A_187, %add3A_282 : i32
      %dma_wait3A_284 = arith.constant 0 : i32
      %dma_wait3A_285 = arith.constant 0 : i32
      %dma_wait3A_286 = tpu.memref_slice %arg2[%dma_wait3A_284, %dma_wait3A_285] : memref<10000x128xf32, #tpu.memory_space<hbm>> -> memref<80x128xf32, #tpu.memory_space<hbm>>
      %dma_wait3A_287 = arith.constant 0 : i32
      %dma_wait3A_288 = arith.constant 0 : i32
      %dma_wait3A_289 = tpu.memref_slice %arg2[%dma_wait3A_287, %dma_wait3A_288] : memref<10000x128xf32, #tpu.memory_space<hbm>> -> memref<80x128xf32, #tpu.memory_space<hbm>>
      tpu.wait_dma2 semaphore(%arg13 : memref<!tpu.dma_semaphore, #tpu.memory_space<semaphore_mem>>) src(%dma_wait3A_289 : memref<80x128xf32, #tpu.memory_space<hbm>>) dst(%arg10 : memref<80x128xf32, #tpu.memory_space<vmem>>)
      %dma_start3A_290 = arith.constant 1 : i32
      %dma_start3A_291 = arith.constant 0 : i32
      %dma_start3A_292 = tpu.memref_slice %arg8[%dma_start3A_290, %dma_start3A_291] : memref<2x80xi32, #tpu.memory_space<vmem>> -> memref<1x80xi32, #tpu.memory_space<vmem>>
      %dma_start3A_293 = tpu.memref_squeeze %dma_start3A_292 : memref<1x80xi32, #tpu.memory_space<vmem>> -> memref<80xi32, #tpu.memory_space<vmem>>
      %dma_start3A_294 = arith.constant 0 : i32
      %dma_start3A_295 = arith.constant 0 : i32
      %dma_start3A_296 = tpu.memref_slice %arg12[%dma_start3A_294, %dma_start3A_295] : memref<10112x128xf32, #tpu.memory_space<vmem_shared>> -> memref<10112x128xf32, #tpu.memory_space<vmem_shared>>
      tpu.enqueue_indirect_dma source(%arg10 : memref<80x128xf32, #tpu.memory_space<vmem>>) target(%dma_start3A_296 : memref<10112x128xf32, #tpu.memory_space<vmem_shared>>) offsets(%dma_start3A_293 : memref<80xi32, #tpu.memory_space<vmem>>) semaphore(%arg15 : memref<!tpu.dma_semaphore, #tpu.memory_space<semaphore_mem>>) {add = true}
      %dma_wait3A_297 = arith.constant 0 : i32
      %dma_wait3A_298 = arith.constant 0 : i32
      %dma_wait3A_299 = tpu.memref_slice %arg2[%dma_wait3A_297, %dma_wait3A_298] : memref<10000x128xf32, #tpu.memory_space<hbm>> -> memref<80x128xf32, #tpu.memory_space<hbm>>
      %dma_wait3A_300 = arith.constant 0 : i32
      %dma_wait3A_301 = arith.constant 0 : i32
      %dma_wait3A_302 = tpu.memref_slice %arg2[%dma_wait3A_300, %dma_wait3A_301] : memref<10000x128xf32, #tpu.memory_space<hbm>> -> memref<80x128xf32, #tpu.memory_space<hbm>>
      tpu.wait_dma2 semaphore(%arg15 : memref<!tpu.dma_semaphore, #tpu.memory_space<semaphore_mem>>) src(%dma_wait3A_302 : memref<80x128xf32, #tpu.memory_space<hbm>>) dst(%arg10 : memref<80x128xf32, #tpu.memory_space<vmem>>)
      %add3A_303 = arith.addi %mul3A_4, %add3A_283 : i32
      %add3A_304 = arith.constant 4 : i32
      %add3A_305 = arith.addi %add3A_303, %add3A_304 : i32
      %dma_start3A_306 = arith.constant 0 : i32
      %dma_start3A_307 = arith.constant 0 : i32
      %dma_start3A_308 = tpu.memref_slice %arg3[%add3A_305, %dma_start3A_306, %dma_start3A_307] : memref<4096x2x80xi32, #tpu.memory_space<hbm>> -> memref<1x2x80xi32, #tpu.memory_space<hbm>>
      %dma_start3A_309 = tpu.memref_squeeze %dma_start3A_308 : memref<1x2x80xi32, #tpu.memory_space<hbm>> -> memref<2x80xi32, #tpu.memory_space<hbm>>
      %dma_start3A_310 = arith.constant 0 : i32
      %dma_start3A_311 = arith.constant 0 : i32
      %dma_start3A_312 = tpu.memref_slice %arg3[%add3A_305, %dma_start3A_310, %dma_start3A_311] : memref<4096x2x80xi32, #tpu.memory_space<hbm>> -> memref<1x2x80xi32, #tpu.memory_space<hbm>>
      %dma_start3A_313 = tpu.memref_squeeze %dma_start3A_312 : memref<1x2x80xi32, #tpu.memory_space<hbm>> -> memref<2x80xi32, #tpu.memory_space<hbm>>
      tpu.enqueue_dma source(%dma_start3A_313 : memref<2x80xi32, #tpu.memory_space<hbm>>) target(%arg8 : memref<2x80xi32, #tpu.memory_space<vmem>>) target_semaphore(%arg19 : memref<!tpu.dma_semaphore, #tpu.memory_space<semaphore_mem>>)
      %dma_wait3A_314 = arith.constant 0 : i32
      %dma_wait3A_315 = arith.constant 0 : i32
      %dma_wait3A_316 = tpu.memref_slice %arg3[%mul3A_4, %dma_wait3A_314, %dma_wait3A_315] : memref<4096x2x80xi32, #tpu.memory_space<hbm>> -> memref<1x2x80xi32, #tpu.memory_space<hbm>>
      %dma_wait3A_317 = tpu.memref_squeeze %dma_wait3A_316 : memref<1x2x80xi32, #tpu.memory_space<hbm>> -> memref<2x80xi32, #tpu.memory_space<hbm>>
      %dma_wait3A_318 = arith.constant 0 : i32
      %dma_wait3A_319 = arith.constant 0 : i32
      %dma_wait3A_320 = tpu.memref_slice %arg3[%mul3A_4, %dma_wait3A_318, %dma_wait3A_319] : memref<4096x2x80xi32, #tpu.memory_space<hbm>> -> memref<1x2x80xi32, #tpu.memory_space<hbm>>
      %dma_wait3A_321 = tpu.memref_squeeze %dma_wait3A_320 : memref<1x2x80xi32, #tpu.memory_space<hbm>> -> memref<2x80xi32, #tpu.memory_space<hbm>>
      tpu.wait_dma2 semaphore(%arg17 : memref<!tpu.dma_semaphore, #tpu.memory_space<semaphore_mem>>) src(%dma_wait3A_321 : memref<2x80xi32, #tpu.memory_space<hbm>>) dst(%arg6 : memref<2x80xi32, #tpu.memory_space<vmem>>)
      %dma_start3A_322 = arith.constant 0 : i32
      %dma_start3A_323 = arith.constant 0 : i32
      %dma_start3A_324 = tpu.memref_slice %arg6[%dma_start3A_322, %dma_start3A_323] : memref<2x80xi32, #tpu.memory_space<vmem>> -> memref<1x80xi32, #tpu.memory_space<vmem>>
      %dma_start3A_325 = tpu.memref_squeeze %dma_start3A_324 : memref<1x80xi32, #tpu.memory_space<vmem>> -> memref<80xi32, #tpu.memory_space<vmem>>
      %dma_start3A_326 = arith.constant 0 : i32
      %dma_start3A_327 = arith.constant 0 : i32
      %dma_start3A_328 = tpu.memref_slice %arg2[%dma_start3A_326, %dma_start3A_327] : memref<10000x128xf32, #tpu.memory_space<hbm>> -> memref<10000x128xf32, #tpu.memory_space<hbm>>
      tpu.enqueue_indirect_dma source(%dma_start3A_328 : memref<10000x128xf32, #tpu.memory_space<hbm>>) target(%arg10 : memref<80x128xf32, #tpu.memory_space<vmem>>) offsets(%dma_start3A_325 : memref<80xi32, #tpu.memory_space<vmem>>) semaphore(%arg13 : memref<!tpu.dma_semaphore, #tpu.memory_space<semaphore_mem>>)
      %add3A_329 = arith.constant 3 : i32
      %add3A_330 = arith.addi %mul3A_187, %add3A_329 : i32
      %dma_wait3A_331 = arith.constant 0 : i32
      %dma_wait3A_332 = arith.constant 0 : i32
      %dma_wait3A_333 = tpu.memref_slice %arg2[%dma_wait3A_331, %dma_wait3A_332] : memref<10000x128xf32, #tpu.memory_space<hbm>> -> memref<80x128xf32, #tpu.memory_space<hbm>>
      %dma_wait3A_334 = arith.constant 0 : i32
      %dma_wait3A_335 = arith.constant 0 : i32
      %dma_wait3A_336 = tpu.memref_slice %arg2[%dma_wait3A_334, %dma_wait3A_335] : memref<10000x128xf32, #tpu.memory_space<hbm>> -> memref<80x128xf32, #tpu.memory_space<hbm>>
      tpu.wait_dma2 semaphore(%arg14 : memref<!tpu.dma_semaphore, #tpu.memory_space<semaphore_mem>>) src(%dma_wait3A_336 : memref<80x128xf32, #tpu.memory_space<hbm>>) dst(%arg11 : memref<80x128xf32, #tpu.memory_space<vmem>>)
      %dma_start3A_337 = arith.constant 1 : i32
      %dma_start3A_338 = arith.constant 0 : i32
      %dma_start3A_339 = tpu.memref_slice %arg9[%dma_start3A_337, %dma_start3A_338] : memref<2x80xi32, #tpu.memory_space<vmem>> -> memref<1x80xi32, #tpu.memory_space<vmem>>
      %dma_start3A_340 = tpu.memref_squeeze %dma_start3A_339 : memref<1x80xi32, #tpu.memory_space<vmem>> -> memref<80xi32, #tpu.memory_space<vmem>>
      %dma_start3A_341 = arith.constant 0 : i32
      %dma_start3A_342 = arith.constant 0 : i32
      %dma_start3A_343 = tpu.memref_slice %arg12[%dma_start3A_341, %dma_start3A_342] : memref<10112x128xf32, #tpu.memory_space<vmem_shared>> -> memref<10112x128xf32, #tpu.memory_space<vmem_shared>>
      tpu.enqueue_indirect_dma source(%arg11 : memref<80x128xf32, #tpu.memory_space<vmem>>) target(%dma_start3A_343 : memref<10112x128xf32, #tpu.memory_space<vmem_shared>>) offsets(%dma_start3A_340 : memref<80xi32, #tpu.memory_space<vmem>>) semaphore(%arg16 : memref<!tpu.dma_semaphore, #tpu.memory_space<semaphore_mem>>) {add = true}
      %dma_wait3A_344 = arith.constant 0 : i32
      %dma_wait3A_345 = arith.constant 0 : i32
      %dma_wait3A_346 = tpu.memref_slice %arg2[%dma_wait3A_344, %dma_wait3A_345] : memref<10000x128xf32, #tpu.memory_space<hbm>> -> memref<80x128xf32, #tpu.memory_space<hbm>>
      %dma_wait3A_347 = arith.constant 0 : i32
      %dma_wait3A_348 = arith.constant 0 : i32
      %dma_wait3A_349 = tpu.memref_slice %arg2[%dma_wait3A_347, %dma_wait3A_348] : memref<10000x128xf32, #tpu.memory_space<hbm>> -> memref<80x128xf32, #tpu.memory_space<hbm>>
      tpu.wait_dma2 semaphore(%arg16 : memref<!tpu.dma_semaphore, #tpu.memory_space<semaphore_mem>>) src(%dma_wait3A_349 : memref<80x128xf32, #tpu.memory_space<hbm>>) dst(%arg11 : memref<80x128xf32, #tpu.memory_space<vmem>>)
      %add3A_350 = arith.addi %mul3A_4, %add3A_330 : i32
      %add3A_351 = arith.constant 4 : i32
      %add3A_352 = arith.addi %add3A_350, %add3A_351 : i32
      %dma_start3A_353 = arith.constant 0 : i32
      %dma_start3A_354 = arith.constant 0 : i32
      %dma_start3A_355 = tpu.memref_slice %arg3[%add3A_352, %dma_start3A_353, %dma_start3A_354] : memref<4096x2x80xi32, #tpu.memory_space<hbm>> -> memref<1x2x80xi32, #tpu.memory_space<hbm>>
      %dma_start3A_356 = tpu.memref_squeeze %dma_start3A_355 : memref<1x2x80xi32, #tpu.memory_space<hbm>> -> memref<2x80xi32, #tpu.memory_space<hbm>>
      %dma_start3A_357 = arith.constant 0 : i32
      %dma_start3A_358 = arith.constant 0 : i32
      %dma_start3A_359 = tpu.memref_slice %arg3[%add3A_352, %dma_start3A_357, %dma_start3A_358] : memref<4096x2x80xi32, #tpu.memory_space<hbm>> -> memref<1x2x80xi32, #tpu.memory_space<hbm>>
      %dma_start3A_360 = tpu.memref_squeeze %dma_start3A_359 : memref<1x2x80xi32, #tpu.memory_space<hbm>> -> memref<2x80xi32, #tpu.memory_space<hbm>>
      tpu.enqueue_dma source(%dma_start3A_360 : memref<2x80xi32, #tpu.memory_space<hbm>>) target(%arg9 : memref<2x80xi32, #tpu.memory_space<vmem>>) target_semaphore(%arg20 : memref<!tpu.dma_semaphore, #tpu.memory_space<semaphore_mem>>)
      %dma_wait3A_361 = arith.constant 0 : i32
      %dma_wait3A_362 = arith.constant 0 : i32
      %dma_wait3A_363 = tpu.memref_slice %arg3[%mul3A_4, %dma_wait3A_361, %dma_wait3A_362] : memref<4096x2x80xi32, #tpu.memory_space<hbm>> -> memref<1x2x80xi32, #tpu.memory_space<hbm>>
      %dma_wait3A_364 = tpu.memref_squeeze %dma_wait3A_363 : memref<1x2x80xi32, #tpu.memory_space<hbm>> -> memref<2x80xi32, #tpu.memory_space<hbm>>
      %dma_wait3A_365 = arith.constant 0 : i32
      %dma_wait3A_366 = arith.constant 0 : i32
      %dma_wait3A_367 = tpu.memref_slice %arg3[%mul3A_4, %dma_wait3A_365, %dma_wait3A_366] : memref<4096x2x80xi32, #tpu.memory_space<hbm>> -> memref<1x2x80xi32, #tpu.memory_space<hbm>>
      %dma_wait3A_368 = tpu.memref_squeeze %dma_wait3A_367 : memref<1x2x80xi32, #tpu.memory_space<hbm>> -> memref<2x80xi32, #tpu.memory_space<hbm>>
      tpu.wait_dma2 semaphore(%arg18 : memref<!tpu.dma_semaphore, #tpu.memory_space<semaphore_mem>>) src(%dma_wait3A_368 : memref<2x80xi32, #tpu.memory_space<hbm>>) dst(%arg7 : memref<2x80xi32, #tpu.memory_space<vmem>>)
      %dma_start3A_369 = arith.constant 0 : i32
      %dma_start3A_370 = arith.constant 0 : i32
      %dma_start3A_371 = tpu.memref_slice %arg7[%dma_start3A_369, %dma_start3A_370] : memref<2x80xi32, #tpu.memory_space<vmem>> -> memref<1x80xi32, #tpu.memory_space<vmem>>
      %dma_start3A_372 = tpu.memref_squeeze %dma_start3A_371 : memref<1x80xi32, #tpu.memory_space<vmem>> -> memref<80xi32, #tpu.memory_space<vmem>>
      %dma_start3A_373 = arith.constant 0 : i32
      %dma_start3A_374 = arith.constant 0 : i32
      %dma_start3A_375 = tpu.memref_slice %arg2[%dma_start3A_373, %dma_start3A_374] : memref<10000x128xf32, #tpu.memory_space<hbm>> -> memref<10000x128xf32, #tpu.memory_space<hbm>>
      tpu.enqueue_indirect_dma source(%dma_start3A_375 : memref<10000x128xf32, #tpu.memory_space<hbm>>) target(%arg11 : memref<80x128xf32, #tpu.memory_space<vmem>>) offsets(%dma_start3A_372 : memref<80xi32, #tpu.memory_space<vmem>>) semaphore(%arg14 : memref<!tpu.dma_semaphore, #tpu.memory_space<semaphore_mem>>)
    }
    %scan3A_77 = arith.constant 31 : i32
    %dma_wait3A_78 = arith.constant 0 : i32
    %dma_wait3A_79 = arith.constant 0 : i32
    %dma_wait3A_80 = tpu.memref_slice %arg2[%dma_wait3A_78, %dma_wait3A_79] : memref<10000x128xf32, #tpu.memory_space<hbm>> -> memref<80x128xf32, #tpu.memory_space<hbm>>
    %dma_wait3A_81 = arith.constant 0 : i32
    %dma_wait3A_82 = arith.constant 0 : i32
    %dma_wait3A_83 = tpu.memref_slice %arg2[%dma_wait3A_81, %dma_wait3A_82] : memref<10000x128xf32, #tpu.memory_space<hbm>> -> memref<80x128xf32, #tpu.memory_space<hbm>>
    tpu.wait_dma2 semaphore(%arg13 : memref<!tpu.dma_semaphore, #tpu.memory_space<semaphore_mem>>) src(%dma_wait3A_83 : memref<80x128xf32, #tpu.memory_space<hbm>>) dst(%arg10 : memref<80x128xf32, #tpu.memory_space<vmem>>)
    %dma_start3A_84 = arith.constant 1 : i32
    %dma_start3A_85 = arith.constant 0 : i32
    %dma_start3A_86 = tpu.memref_slice %arg6[%dma_start3A_84, %dma_start3A_85] : memref<2x80xi32, #tpu.memory_space<vmem>> -> memref<1x80xi32, #tpu.memory_space<vmem>>
    %dma_start3A_87 = tpu.memref_squeeze %dma_start3A_86 : memref<1x80xi32, #tpu.memory_space<vmem>> -> memref<80xi32, #tpu.memory_space<vmem>>
    %dma_start3A_88 = arith.constant 0 : i32
    %dma_start3A_89 = arith.constant 0 : i32
    %dma_start3A_90 = tpu.memref_slice %arg12[%dma_start3A_88, %dma_start3A_89] : memref<10112x128xf32, #tpu.memory_space<vmem_shared>> -> memref<10112x128xf32, #tpu.memory_space<vmem_shared>>
    tpu.enqueue_indirect_dma source(%arg10 : memref<80x128xf32, #tpu.memory_space<vmem>>) target(%dma_start3A_90 : memref<10112x128xf32, #tpu.memory_space<vmem_shared>>) offsets(%dma_start3A_87 : memref<80xi32, #tpu.memory_space<vmem>>) semaphore(%arg15 : memref<!tpu.dma_semaphore, #tpu.memory_space<semaphore_mem>>) {add = true}
    %dma_wait3A_91 = arith.constant 0 : i32
    %dma_wait3A_92 = arith.constant 0 : i32
    %dma_wait3A_93 = tpu.memref_slice %arg2[%dma_wait3A_91, %dma_wait3A_92] : memref<10000x128xf32, #tpu.memory_space<hbm>> -> memref<80x128xf32, #tpu.memory_space<hbm>>
    %dma_wait3A_94 = arith.constant 0 : i32
    %dma_wait3A_95 = arith.constant 0 : i32
    %dma_wait3A_96 = tpu.memref_slice %arg2[%dma_wait3A_94, %dma_wait3A_95] : memref<10000x128xf32, #tpu.memory_space<hbm>> -> memref<80x128xf32, #tpu.memory_space<hbm>>
    tpu.wait_dma2 semaphore(%arg15 : memref<!tpu.dma_semaphore, #tpu.memory_space<semaphore_mem>>) src(%dma_wait3A_96 : memref<80x128xf32, #tpu.memory_space<hbm>>) dst(%arg10 : memref<80x128xf32, #tpu.memory_space<vmem>>)
    %dma_wait3A_97 = arith.constant 0 : i32
    %dma_wait3A_98 = arith.constant 0 : i32
    %dma_wait3A_99 = tpu.memref_slice %arg3[%mul3A_4, %dma_wait3A_97, %dma_wait3A_98] : memref<4096x2x80xi32, #tpu.memory_space<hbm>> -> memref<1x2x80xi32, #tpu.memory_space<hbm>>
    %dma_wait3A_100 = tpu.memref_squeeze %dma_wait3A_99 : memref<1x2x80xi32, #tpu.memory_space<hbm>> -> memref<2x80xi32, #tpu.memory_space<hbm>>
    %dma_wait3A_101 = arith.constant 0 : i32
    %dma_wait3A_102 = arith.constant 0 : i32
    %dma_wait3A_103 = tpu.memref_slice %arg3[%mul3A_4, %dma_wait3A_101, %dma_wait3A_102] : memref<4096x2x80xi32, #tpu.memory_space<hbm>> -> memref<1x2x80xi32, #tpu.memory_space<hbm>>
    %dma_wait3A_104 = tpu.memref_squeeze %dma_wait3A_103 : memref<1x2x80xi32, #tpu.memory_space<hbm>> -> memref<2x80xi32, #tpu.memory_space<hbm>>
    tpu.wait_dma2 semaphore(%arg19 : memref<!tpu.dma_semaphore, #tpu.memory_space<semaphore_mem>>) src(%dma_wait3A_104 : memref<2x80xi32, #tpu.memory_space<hbm>>) dst(%arg8 : memref<2x80xi32, #tpu.memory_space<vmem>>)
    %dma_start3A_105 = arith.constant 0 : i32
    %dma_start3A_106 = arith.constant 0 : i32
    %dma_start3A_107 = tpu.memref_slice %arg8[%dma_start3A_105, %dma_start3A_106] : memref<2x80xi32, #tpu.memory_space<vmem>> -> memref<1x80xi32, #tpu.memory_space<vmem>>
    %dma_start3A_108 = tpu.memref_squeeze %dma_start3A_107 : memref<1x80xi32, #tpu.memory_space<vmem>> -> memref<80xi32, #tpu.memory_space<vmem>>
    %dma_start3A_109 = arith.constant 0 : i32
    %dma_start3A_110 = arith.constant 0 : i32
    %dma_start3A_111 = tpu.memref_slice %arg2[%dma_start3A_109, %dma_start3A_110] : memref<10000x128xf32, #tpu.memory_space<hbm>> -> memref<10000x128xf32, #tpu.memory_space<hbm>>
    tpu.enqueue_indirect_dma source(%dma_start3A_111 : memref<10000x128xf32, #tpu.memory_space<hbm>>) target(%arg10 : memref<80x128xf32, #tpu.memory_space<vmem>>) offsets(%dma_start3A_108 : memref<80xi32, #tpu.memory_space<vmem>>) semaphore(%arg13 : memref<!tpu.dma_semaphore, #tpu.memory_space<semaphore_mem>>)
    %dma_wait3A_112 = arith.constant 0 : i32
    %dma_wait3A_113 = arith.constant 0 : i32
    %dma_wait3A_114 = tpu.memref_slice %arg2[%dma_wait3A_112, %dma_wait3A_113] : memref<10000x128xf32, #tpu.memory_space<hbm>> -> memref<80x128xf32, #tpu.memory_space<hbm>>
    %dma_wait3A_115 = arith.constant 0 : i32
    %dma_wait3A_116 = arith.constant 0 : i32
    %dma_wait3A_117 = tpu.memref_slice %arg2[%dma_wait3A_115, %dma_wait3A_116] : memref<10000x128xf32, #tpu.memory_space<hbm>> -> memref<80x128xf32, #tpu.memory_space<hbm>>
    tpu.wait_dma2 semaphore(%arg14 : memref<!tpu.dma_semaphore, #tpu.memory_space<semaphore_mem>>) src(%dma_wait3A_117 : memref<80x128xf32, #tpu.memory_space<hbm>>) dst(%arg11 : memref<80x128xf32, #tpu.memory_space<vmem>>)
    %dma_start3A_118 = arith.constant 1 : i32
    %dma_start3A_119 = arith.constant 0 : i32
    %dma_start3A_120 = tpu.memref_slice %arg7[%dma_start3A_118, %dma_start3A_119] : memref<2x80xi32, #tpu.memory_space<vmem>> -> memref<1x80xi32, #tpu.memory_space<vmem>>
    %dma_start3A_121 = tpu.memref_squeeze %dma_start3A_120 : memref<1x80xi32, #tpu.memory_space<vmem>> -> memref<80xi32, #tpu.memory_space<vmem>>
    %dma_start3A_122 = arith.constant 0 : i32
    %dma_start3A_123 = arith.constant 0 : i32
    %dma_start3A_124 = tpu.memref_slice %arg12[%dma_start3A_122, %dma_start3A_123] : memref<10112x128xf32, #tpu.memory_space<vmem_shared>> -> memref<10112x128xf32, #tpu.memory_space<vmem_shared>>
    tpu.enqueue_indirect_dma source(%arg11 : memref<80x128xf32, #tpu.memory_space<vmem>>) target(%dma_start3A_124 : memref<10112x128xf32, #tpu.memory_space<vmem_shared>>) offsets(%dma_start3A_121 : memref<80xi32, #tpu.memory_space<vmem>>) semaphore(%arg16 : memref<!tpu.dma_semaphore, #tpu.memory_space<semaphore_mem>>) {add = true}
    %dma_wait3A_125 = arith.constant 0 : i32
    %dma_wait3A_126 = arith.constant 0 : i32
    %dma_wait3A_127 = tpu.memref_slice %arg2[%dma_wait3A_125, %dma_wait3A_126] : memref<10000x128xf32, #tpu.memory_space<hbm>> -> memref<80x128xf32, #tpu.memory_space<hbm>>
    %dma_wait3A_128 = arith.constant 0 : i32
    %dma_wait3A_129 = arith.constant 0 : i32
    %dma_wait3A_130 = tpu.memref_slice %arg2[%dma_wait3A_128, %dma_wait3A_129] : memref<10000x128xf32, #tpu.memory_space<hbm>> -> memref<80x128xf32, #tpu.memory_space<hbm>>
    tpu.wait_dma2 semaphore(%arg16 : memref<!tpu.dma_semaphore, #tpu.memory_space<semaphore_mem>>) src(%dma_wait3A_130 : memref<80x128xf32, #tpu.memory_space<hbm>>) dst(%arg11 : memref<80x128xf32, #tpu.memory_space<vmem>>)
    %dma_wait3A_131 = arith.constant 0 : i32
    %dma_wait3A_132 = arith.constant 0 : i32
    %dma_wait3A_133 = tpu.memref_slice %arg3[%mul3A_4, %dma_wait3A_131, %dma_wait3A_132] : memref<4096x2x80xi32, #tpu.memory_space<hbm>> -> memref<1x2x80xi32, #tpu.memory_space<hbm>>
    %dma_wait3A_134 = tpu.memref_squeeze %dma_wait3A_133 : memref<1x2x80xi32, #tpu.memory_space<hbm>> -> memref<2x80xi32, #tpu.memory_space<hbm>>
    %dma_wait3A_135 = arith.constant 0 : i32
    %dma_wait3A_136 = arith.constant 0 : i32
    %dma_wait3A_137 = tpu.memref_slice %arg3[%mul3A_4, %dma_wait3A_135, %dma_wait3A_136] : memref<4096x2x80xi32, #tpu.memory_space<hbm>> -> memref<1x2x80xi32, #tpu.memory_space<hbm>>
    %dma_wait3A_138 = tpu.memref_squeeze %dma_wait3A_137 : memref<1x2x80xi32, #tpu.memory_space<hbm>> -> memref<2x80xi32, #tpu.memory_space<hbm>>
    tpu.wait_dma2 semaphore(%arg20 : memref<!tpu.dma_semaphore, #tpu.memory_space<semaphore_mem>>) src(%dma_wait3A_138 : memref<2x80xi32, #tpu.memory_space<hbm>>) dst(%arg9 : memref<2x80xi32, #tpu.memory_space<vmem>>)
    %dma_start3A_139 = arith.constant 0 : i32
    %dma_start3A_140 = arith.constant 0 : i32
    %dma_start3A_141 = tpu.memref_slice %arg9[%dma_start3A_139, %dma_start3A_140] : memref<2x80xi32, #tpu.memory_space<vmem>> -> memref<1x80xi32, #tpu.memory_space<vmem>>
    %dma_start3A_142 = tpu.memref_squeeze %dma_start3A_141 : memref<1x80xi32, #tpu.memory_space<vmem>> -> memref<80xi32, #tpu.memory_space<vmem>>
    %dma_start3A_143 = arith.constant 0 : i32
    %dma_start3A_144 = arith.constant 0 : i32
    %dma_start3A_145 = tpu.memref_slice %arg2[%dma_start3A_143, %dma_start3A_144] : memref<10000x128xf32, #tpu.memory_space<hbm>> -> memref<10000x128xf32, #tpu.memory_space<hbm>>
    tpu.enqueue_indirect_dma source(%dma_start3A_145 : memref<10000x128xf32, #tpu.memory_space<hbm>>) target(%arg11 : memref<80x128xf32, #tpu.memory_space<vmem>>) offsets(%dma_start3A_142 : memref<80xi32, #tpu.memory_space<vmem>>) semaphore(%arg14 : memref<!tpu.dma_semaphore, #tpu.memory_space<semaphore_mem>>)
    %dma_wait3A_146 = arith.constant 0 : i32
    %dma_wait3A_147 = arith.constant 0 : i32
    %dma_wait3A_148 = tpu.memref_slice %arg2[%dma_wait3A_146, %dma_wait3A_147] : memref<10000x128xf32, #tpu.memory_space<hbm>> -> memref<80x128xf32, #tpu.memory_space<hbm>>
    %dma_wait3A_149 = arith.constant 0 : i32
    %dma_wait3A_150 = arith.constant 0 : i32
    %dma_wait3A_151 = tpu.memref_slice %arg2[%dma_wait3A_149, %dma_wait3A_150] : memref<10000x128xf32, #tpu.memory_space<hbm>> -> memref<80x128xf32, #tpu.memory_space<hbm>>
    tpu.wait_dma2 semaphore(%arg13 : memref<!tpu.dma_semaphore, #tpu.memory_space<semaphore_mem>>) src(%dma_wait3A_151 : memref<80x128xf32, #tpu.memory_space<hbm>>) dst(%arg10 : memref<80x128xf32, #tpu.memory_space<vmem>>)
    %dma_start3A_152 = arith.constant 1 : i32
    %dma_start3A_153 = arith.constant 0 : i32
    %dma_start3A_154 = tpu.memref_slice %arg8[%dma_start3A_152, %dma_start3A_153] : memref<2x80xi32, #tpu.memory_space<vmem>> -> memref<1x80xi32, #tpu.memory_space<vmem>>
    %dma_start3A_155 = tpu.memref_squeeze %dma_start3A_154 : memref<1x80xi32, #tpu.memory_space<vmem>> -> memref<80xi32, #tpu.memory_space<vmem>>
    %dma_start3A_156 = arith.constant 0 : i32
    %dma_start3A_157 = arith.constant 0 : i32
    %dma_start3A_158 = tpu.memref_slice %arg12[%dma_start3A_156, %dma_start3A_157] : memref<10112x128xf32, #tpu.memory_space<vmem_shared>> -> memref<10112x128xf32, #tpu.memory_space<vmem_shared>>
    tpu.enqueue_indirect_dma source(%arg10 : memref<80x128xf32, #tpu.memory_space<vmem>>) target(%dma_start3A_158 : memref<10112x128xf32, #tpu.memory_space<vmem_shared>>) offsets(%dma_start3A_155 : memref<80xi32, #tpu.memory_space<vmem>>) semaphore(%arg15 : memref<!tpu.dma_semaphore, #tpu.memory_space<semaphore_mem>>) {add = true}
    %dma_wait3A_159 = arith.constant 0 : i32
    %dma_wait3A_160 = arith.constant 0 : i32
    %dma_wait3A_161 = tpu.memref_slice %arg2[%dma_wait3A_159, %dma_wait3A_160] : memref<10000x128xf32, #tpu.memory_space<hbm>> -> memref<80x128xf32, #tpu.memory_space<hbm>>
    %dma_wait3A_162 = arith.constant 0 : i32
    %dma_wait3A_163 = arith.constant 0 : i32
    %dma_wait3A_164 = tpu.memref_slice %arg2[%dma_wait3A_162, %dma_wait3A_163] : memref<10000x128xf32, #tpu.memory_space<hbm>> -> memref<80x128xf32, #tpu.memory_space<hbm>>
    tpu.wait_dma2 semaphore(%arg15 : memref<!tpu.dma_semaphore, #tpu.memory_space<semaphore_mem>>) src(%dma_wait3A_164 : memref<80x128xf32, #tpu.memory_space<hbm>>) dst(%arg10 : memref<80x128xf32, #tpu.memory_space<vmem>>)
    %dma_wait3A_165 = arith.constant 0 : i32
    %dma_wait3A_166 = arith.constant 0 : i32
    %dma_wait3A_167 = tpu.memref_slice %arg2[%dma_wait3A_165, %dma_wait3A_166] : memref<10000x128xf32, #tpu.memory_space<hbm>> -> memref<80x128xf32, #tpu.memory_space<hbm>>
    %dma_wait3A_168 = arith.constant 0 : i32
    %dma_wait3A_169 = arith.constant 0 : i32
    %dma_wait3A_170 = tpu.memref_slice %arg2[%dma_wait3A_168, %dma_wait3A_169] : memref<10000x128xf32, #tpu.memory_space<hbm>> -> memref<80x128xf32, #tpu.memory_space<hbm>>
    tpu.wait_dma2 semaphore(%arg14 : memref<!tpu.dma_semaphore, #tpu.memory_space<semaphore_mem>>) src(%dma_wait3A_170 : memref<80x128xf32, #tpu.memory_space<hbm>>) dst(%arg11 : memref<80x128xf32, #tpu.memory_space<vmem>>)
    %dma_start3A_171 = arith.constant 1 : i32
    %dma_start3A_172 = arith.constant 0 : i32
    %dma_start3A_173 = tpu.memref_slice %arg9[%dma_start3A_171, %dma_start3A_172] : memref<2x80xi32, #tpu.memory_space<vmem>> -> memref<1x80xi32, #tpu.memory_space<vmem>>
    %dma_start3A_174 = tpu.memref_squeeze %dma_start3A_173 : memref<1x80xi32, #tpu.memory_space<vmem>> -> memref<80xi32, #tpu.memory_space<vmem>>
    %dma_start3A_175 = arith.constant 0 : i32
    %dma_start3A_176 = arith.constant 0 : i32
    %dma_start3A_177 = tpu.memref_slice %arg12[%dma_start3A_175, %dma_start3A_176] : memref<10112x128xf32, #tpu.memory_space<vmem_shared>> -> memref<10112x128xf32, #tpu.memory_space<vmem_shared>>
    tpu.enqueue_indirect_dma source(%arg11 : memref<80x128xf32, #tpu.memory_space<vmem>>) target(%dma_start3A_177 : memref<10112x128xf32, #tpu.memory_space<vmem_shared>>) offsets(%dma_start3A_174 : memref<80xi32, #tpu.memory_space<vmem>>) semaphore(%arg16 : memref<!tpu.dma_semaphore, #tpu.memory_space<semaphore_mem>>) {add = true}
    %dma_wait3A_178 = arith.constant 0 : i32
    %dma_wait3A_179 = arith.constant 0 : i32
    %dma_wait3A_180 = tpu.memref_slice %arg2[%dma_wait3A_178, %dma_wait3A_179] : memref<10000x128xf32, #tpu.memory_space<hbm>> -> memref<80x128xf32, #tpu.memory_space<hbm>>
    %dma_wait3A_181 = arith.constant 0 : i32
    %dma_wait3A_182 = arith.constant 0 : i32
    %dma_wait3A_183 = tpu.memref_slice %arg2[%dma_wait3A_181, %dma_wait3A_182] : memref<10000x128xf32, #tpu.memory_space<hbm>> -> memref<80x128xf32, #tpu.memory_space<hbm>>
    tpu.wait_dma2 semaphore(%arg16 : memref<!tpu.dma_semaphore, #tpu.memory_space<semaphore_mem>>) src(%dma_wait3A_183 : memref<80x128xf32, #tpu.memory_space<hbm>>) dst(%arg11 : memref<80x128xf32, #tpu.memory_space<vmem>>)
    %barrier3A_184 = arith.constant 0 : index
    tpu.barrier barrier_id(%barrier3A_184)
    "tpu.region"() ({
      %run_scoped3A = tpu.sem_alloc : memref<!tpu.dma_semaphore, #tpu.memory_space<semaphore_mem>>
      %dma_start3A_185 = arith.constant 0 : i32
      %dma_start3A_186 = tpu.memref_slice %arg5[%arg0, %mul3A_2, %dma_start3A_185] : memref<2x10112x128xf32, #tpu.memory_space<hbm>> -> memref<1x632x128xf32, #tpu.memory_space<hbm>>
      %dma_start3A_187 = tpu.memref_squeeze %dma_start3A_186 : memref<1x632x128xf32, #tpu.memory_space<hbm>> -> memref<632x128xf32, #tpu.memory_space<hbm>>
      %dma_start3A_188 = arith.constant 0 : i32
      %dma_start3A_189 = tpu.memref_slice %arg12[%mul3A_2, %dma_start3A_188] : memref<10112x128xf32, #tpu.memory_space<vmem_shared>> -> memref<632x128xf32, #tpu.memory_space<vmem_shared>>
      tpu.enqueue_dma source(%dma_start3A_189 : memref<632x128xf32, #tpu.memory_space<vmem_shared>>) target(%dma_start3A_187 : memref<632x128xf32, #tpu.memory_space<hbm>>) target_semaphore(%run_scoped3A : memref<!tpu.dma_semaphore, #tpu.memory_space<semaphore_mem>>)
      %dma_wait3A_190 = arith.constant 0 : i32
      %dma_wait3A_191 = tpu.memref_slice %arg5[%arg0, %mul3A_2, %dma_wait3A_190] : memref<2x10112x128xf32, #tpu.memory_space<hbm>> -> memref<1x632x128xf32, #tpu.memory_space<hbm>>
      %dma_wait3A_192 = tpu.memref_squeeze %dma_wait3A_191 : memref<1x632x128xf32, #tpu.memory_space<hbm>> -> memref<632x128xf32, #tpu.memory_space<hbm>>
      %dma_wait3A_193 = arith.constant 0 : i32
      %dma_wait3A_194 = tpu.memref_slice %arg12[%mul3A_2, %dma_wait3A_193] : memref<10112x128xf32, #tpu.memory_space<vmem_shared>> -> memref<632x128xf32, #tpu.memory_space<vmem_shared>>
      tpu.wait_dma2 semaphore(%run_scoped3A : memref<!tpu.dma_semaphore, #tpu.memory_space<semaphore_mem>>) src(%dma_wait3A_194 : memref<632x128xf32, #tpu.memory_space<vmem_shared>>) dst(%dma_wait3A_192 : memref<632x128xf32, #tpu.memory_space<hbm>>)
      tpu.yield
    }) : () -> ()
    return
  }
}

#map = affine_map<(d0, d1) -> (0)>
#map1 = affine_map<(d0, d1) -> (0, 0)>
#map2 = affine_map<(d0, d1) -> (0, 0, 0)>
module attributes {stable_mosaic.version = 14 : i64} {
  func.func @body(%arg0: i32, %arg1: i32, %arg2: memref<327680xi32, #tpu.memory_space<hbm>>, %arg3: memref<632x128xf32, #tpu.memory_space<hbm>>, %arg4: memref<80x128xf32, #tpu.memory_space<hbm>>, %arg5: memref<2x10112x128xf32, #tpu.memory_space<hbm>>, %arg6: memref<80xi32, #tpu.memory_space<vmem>>, %arg7: memref<80xi32, #tpu.memory_space<vmem>>, %arg8: memref<80x128xf32, #tpu.memory_space<vmem>>, %arg9: memref<10112x128xf32, #tpu.memory_space<vmem_shared>>, %arg10: memref<!tpu.dma_semaphore, #tpu.memory_space<semaphore_mem>>, %arg11: memref<!tpu.dma_semaphore, #tpu.memory_space<semaphore_mem>>) attributes {dimension_semantics = [#tpu.dimension_semantics<core_parallel>, #tpu.dimension_semantics<subcore_parallel>], iteration_bounds = array<i64: 2, 16>, scalar_prefetch = 0 : i64, scratch_operands = 6 : i64, tpu.core_type = #tpu.core_type<sc_vector_subcore>, window_params = [{transform_indices = #map}, {transform_indices = #map1}, {transform_indices = #map1}, {transform_indices = #map2}]} {
    %mul3A = arith.constant 16 : i32
    %mul3A_0 = arith.muli %arg0, %mul3A : i32
    %add3A = arith.addi %mul3A_0, %arg1 : i32
    %mul3A_1 = arith.constant 632 : i32
    %mul3A_2 = arith.muli %arg1, %mul3A_1 : i32
    %mul3A_3 = arith.constant 10240 : i32
    %mul3A_4 = arith.muli %add3A, %mul3A_3 : i32
    "tpu.region"() ({
      %run_scoped3A = tpu.sem_alloc : memref<!tpu.dma_semaphore, #tpu.memory_space<semaphore_mem>>
      %dma_start3A_29 = arith.constant 0 : i32
      %dma_start3A_30 = tpu.memref_slice %arg9[%mul3A_2, %dma_start3A_29] : memref<10112x128xf32, #tpu.memory_space<vmem_shared>> -> memref<632x128xf32, #tpu.memory_space<vmem_shared>>
      tpu.enqueue_dma source(%arg3 : memref<632x128xf32, #tpu.memory_space<hbm>>) target(%dma_start3A_30 : memref<632x128xf32, #tpu.memory_space<vmem_shared>>) target_semaphore(%run_scoped3A : memref<!tpu.dma_semaphore, #tpu.memory_space<semaphore_mem>>)
      %dma_wait3A_31 = arith.constant 0 : i32
      %dma_wait3A_32 = tpu.memref_slice %arg9[%mul3A_2, %dma_wait3A_31] : memref<10112x128xf32, #tpu.memory_space<vmem_shared>> -> memref<632x128xf32, #tpu.memory_space<vmem_shared>>
      tpu.wait_dma2 semaphore(%run_scoped3A : memref<!tpu.dma_semaphore, #tpu.memory_space<semaphore_mem>>) src(%arg3 : memref<632x128xf32, #tpu.memory_space<hbm>>) dst(%dma_wait3A_32 : memref<632x128xf32, #tpu.memory_space<vmem_shared>>)
      tpu.yield
    }) : () -> ()
    "tpu.region"() ({
      %run_scoped3A = tpu.sem_alloc : memref<!tpu.dma_semaphore, #tpu.memory_space<semaphore_mem>>
      tpu.enqueue_dma source(%arg4 : memref<80x128xf32, #tpu.memory_space<hbm>>) target(%arg8 : memref<80x128xf32, #tpu.memory_space<vmem>>) target_semaphore(%run_scoped3A : memref<!tpu.dma_semaphore, #tpu.memory_space<semaphore_mem>>)
      tpu.wait_dma2 semaphore(%run_scoped3A : memref<!tpu.dma_semaphore, #tpu.memory_space<semaphore_mem>>) src(%arg4 : memref<80x128xf32, #tpu.memory_space<hbm>>) dst(%arg8 : memref<80x128xf32, #tpu.memory_space<vmem>>)
      tpu.yield
    }) : () -> ()
    %barrier3A = arith.constant 0 : index
    tpu.barrier barrier_id(%barrier3A)
    "tpu.region"() ({
      %run_scoped3A = tpu.sem_alloc : memref<!tpu.dma_semaphore, #tpu.memory_space<semaphore_mem>>
      %dma_start3A_29 = tpu.memref_slice %arg2[%mul3A_4] : memref<327680xi32, #tpu.memory_space<hbm>> -> memref<80xi32, #tpu.memory_space<hbm>>
      %dma_start3A_30 = tpu.memref_slice %arg2[%mul3A_4] : memref<327680xi32, #tpu.memory_space<hbm>> -> memref<80xi32, #tpu.memory_space<hbm>>
      tpu.enqueue_dma source(%dma_start3A_30 : memref<80xi32, #tpu.memory_space<hbm>>) target(%arg6 : memref<80xi32, #tpu.memory_space<vmem>>) target_semaphore(%run_scoped3A : memref<!tpu.dma_semaphore, #tpu.memory_space<semaphore_mem>>)
      %dma_wait3A_31 = tpu.memref_slice %arg2[%mul3A_4] : memref<327680xi32, #tpu.memory_space<hbm>> -> memref<80xi32, #tpu.memory_space<hbm>>
      %dma_wait3A_32 = tpu.memref_slice %arg2[%mul3A_4] : memref<327680xi32, #tpu.memory_space<hbm>> -> memref<80xi32, #tpu.memory_space<hbm>>
      tpu.wait_dma2 semaphore(%run_scoped3A : memref<!tpu.dma_semaphore, #tpu.memory_space<semaphore_mem>>) src(%dma_wait3A_32 : memref<80xi32, #tpu.memory_space<hbm>>) dst(%arg6 : memref<80xi32, #tpu.memory_space<vmem>>)
      tpu.yield
    }) : () -> ()
    %dma_start3A = arith.constant 0 : i32
    %dma_start3A_5 = arith.constant 0 : i32
    %dma_start3A_6 = tpu.memref_slice %arg9[%dma_start3A, %dma_start3A_5] : memref<10112x128xf32, #tpu.memory_space<vmem_shared>> -> memref<10112x128xf32, #tpu.memory_space<vmem_shared>>
    tpu.enqueue_indirect_dma source(%arg8 : memref<80x128xf32, #tpu.memory_space<vmem>>) target(%dma_start3A_6 : memref<10112x128xf32, #tpu.memory_space<vmem_shared>>) offsets(%arg6 : memref<80xi32, #tpu.memory_space<vmem>>) semaphore(%arg10 : memref<!tpu.dma_semaphore, #tpu.memory_space<semaphore_mem>>) {add = true}
    %add3A_7 = arith.constant 80 : i32
    %add3A_8 = arith.addi %mul3A_4, %add3A_7 : i32
    "tpu.region"() ({
      %run_scoped3A = tpu.sem_alloc : memref<!tpu.dma_semaphore, #tpu.memory_space<semaphore_mem>>
      %dma_start3A_29 = tpu.memref_slice %arg2[%add3A_8] : memref<327680xi32, #tpu.memory_space<hbm>> -> memref<80xi32, #tpu.memory_space<hbm>>
      %dma_start3A_30 = tpu.memref_slice %arg2[%add3A_8] : memref<327680xi32, #tpu.memory_space<hbm>> -> memref<80xi32, #tpu.memory_space<hbm>>
      tpu.enqueue_dma source(%dma_start3A_30 : memref<80xi32, #tpu.memory_space<hbm>>) target(%arg7 : memref<80xi32, #tpu.memory_space<vmem>>) target_semaphore(%run_scoped3A : memref<!tpu.dma_semaphore, #tpu.memory_space<semaphore_mem>>)
      %dma_wait3A_31 = tpu.memref_slice %arg2[%add3A_8] : memref<327680xi32, #tpu.memory_space<hbm>> -> memref<80xi32, #tpu.memory_space<hbm>>
      %dma_wait3A_32 = tpu.memref_slice %arg2[%add3A_8] : memref<327680xi32, #tpu.memory_space<hbm>> -> memref<80xi32, #tpu.memory_space<hbm>>
      tpu.wait_dma2 semaphore(%run_scoped3A : memref<!tpu.dma_semaphore, #tpu.memory_space<semaphore_mem>>) src(%dma_wait3A_32 : memref<80xi32, #tpu.memory_space<hbm>>) dst(%arg7 : memref<80xi32, #tpu.memory_space<vmem>>)
      tpu.yield
    }) : () -> ()
    %dma_start3A_9 = arith.constant 0 : i32
    %dma_start3A_10 = arith.constant 0 : i32
    %dma_start3A_11 = tpu.memref_slice %arg9[%dma_start3A_9, %dma_start3A_10] : memref<10112x128xf32, #tpu.memory_space<vmem_shared>> -> memref<10112x128xf32, #tpu.memory_space<vmem_shared>>
    tpu.enqueue_indirect_dma source(%arg8 : memref<80x128xf32, #tpu.memory_space<vmem>>) target(%dma_start3A_11 : memref<10112x128xf32, #tpu.memory_space<vmem_shared>>) offsets(%arg7 : memref<80xi32, #tpu.memory_space<vmem>>) semaphore(%arg11 : memref<!tpu.dma_semaphore, #tpu.memory_space<semaphore_mem>>) {add = true}
    %scan3A = arith.constant 0 : i32
    %scan3A_12 = arith.constant 0 : i32
    %scan3A_13 = arith.constant 63 : i32
    %scan3A_14 = arith.addi %scan3A_12, %scan3A_13 : i32
    %scan3A_15 = arith.constant 1 : i32
    scf.for %scan3A_29 = %scan3A_12 to %scan3A_14 step %scan3A_15  : i32 {
      %mul3A_30 = arith.constant 2 : i32
      %mul3A_31 = arith.muli %mul3A_30, %scan3A_29 : i32
      %add3A_32 = arith.constant 2 : i32
      %add3A_33 = arith.addi %mul3A_31, %add3A_32 : i32
      %dma_wait3A_34 = arith.constant 0 : i32
      %dma_wait3A_35 = arith.constant 0 : i32
      %dma_wait3A_36 = tpu.memref_slice %arg3[%dma_wait3A_34, %dma_wait3A_35] : memref<632x128xf32, #tpu.memory_space<hbm>> -> memref<80x128xf32, #tpu.memory_space<hbm>>
      %dma_wait3A_37 = arith.constant 0 : i32
      %dma_wait3A_38 = arith.constant 0 : i32
      %dma_wait3A_39 = tpu.memref_slice %arg3[%dma_wait3A_37, %dma_wait3A_38] : memref<632x128xf32, #tpu.memory_space<hbm>> -> memref<80x128xf32, #tpu.memory_space<hbm>>
      tpu.wait_dma2 semaphore(%arg10 : memref<!tpu.dma_semaphore, #tpu.memory_space<semaphore_mem>>) src(%dma_wait3A_39 : memref<80x128xf32, #tpu.memory_space<hbm>>) dst(%arg8 : memref<80x128xf32, #tpu.memory_space<vmem>>)
      %mul3A_40 = arith.constant 80 : i32
      %mul3A_41 = arith.muli %add3A_33, %mul3A_40 : i32
      %add3A_42 = arith.addi %mul3A_4, %mul3A_41 : i32
      "tpu.region"() ({
        %run_scoped3A = tpu.sem_alloc : memref<!tpu.dma_semaphore, #tpu.memory_space<semaphore_mem>>
        %dma_start3A_60 = tpu.memref_slice %arg2[%add3A_42] : memref<327680xi32, #tpu.memory_space<hbm>> -> memref<80xi32, #tpu.memory_space<hbm>>
        %dma_start3A_61 = tpu.memref_slice %arg2[%add3A_42] : memref<327680xi32, #tpu.memory_space<hbm>> -> memref<80xi32, #tpu.memory_space<hbm>>
        tpu.enqueue_dma source(%dma_start3A_61 : memref<80xi32, #tpu.memory_space<hbm>>) target(%arg6 : memref<80xi32, #tpu.memory_space<vmem>>) target_semaphore(%run_scoped3A : memref<!tpu.dma_semaphore, #tpu.memory_space<semaphore_mem>>)
        %dma_wait3A_62 = tpu.memref_slice %arg2[%add3A_42] : memref<327680xi32, #tpu.memory_space<hbm>> -> memref<80xi32, #tpu.memory_space<hbm>>
        %dma_wait3A_63 = tpu.memref_slice %arg2[%add3A_42] : memref<327680xi32, #tpu.memory_space<hbm>> -> memref<80xi32, #tpu.memory_space<hbm>>
        tpu.wait_dma2 semaphore(%run_scoped3A : memref<!tpu.dma_semaphore, #tpu.memory_space<semaphore_mem>>) src(%dma_wait3A_63 : memref<80xi32, #tpu.memory_space<hbm>>) dst(%arg6 : memref<80xi32, #tpu.memory_space<vmem>>)
        tpu.yield
      }) : () -> ()
      %dma_start3A_43 = arith.constant 0 : i32
      %dma_start3A_44 = arith.constant 0 : i32
      %dma_start3A_45 = tpu.memref_slice %arg9[%dma_start3A_43, %dma_start3A_44] : memref<10112x128xf32, #tpu.memory_space<vmem_shared>> -> memref<10112x128xf32, #tpu.memory_space<vmem_shared>>
      tpu.enqueue_indirect_dma source(%arg8 : memref<80x128xf32, #tpu.memory_space<vmem>>) target(%dma_start3A_45 : memref<10112x128xf32, #tpu.memory_space<vmem_shared>>) offsets(%arg6 : memref<80xi32, #tpu.memory_space<vmem>>) semaphore(%arg10 : memref<!tpu.dma_semaphore, #tpu.memory_space<semaphore_mem>>) {add = true}
      %dma_wait3A_46 = arith.constant 0 : i32
      %dma_wait3A_47 = arith.constant 0 : i32
      %dma_wait3A_48 = tpu.memref_slice %arg3[%dma_wait3A_46, %dma_wait3A_47] : memref<632x128xf32, #tpu.memory_space<hbm>> -> memref<80x128xf32, #tpu.memory_space<hbm>>
      %dma_wait3A_49 = arith.constant 0 : i32
      %dma_wait3A_50 = arith.constant 0 : i32
      %dma_wait3A_51 = tpu.memref_slice %arg3[%dma_wait3A_49, %dma_wait3A_50] : memref<632x128xf32, #tpu.memory_space<hbm>> -> memref<80x128xf32, #tpu.memory_space<hbm>>
      tpu.wait_dma2 semaphore(%arg11 : memref<!tpu.dma_semaphore, #tpu.memory_space<semaphore_mem>>) src(%dma_wait3A_51 : memref<80x128xf32, #tpu.memory_space<hbm>>) dst(%arg8 : memref<80x128xf32, #tpu.memory_space<vmem>>)
      %add3A_52 = arith.constant 1 : i32
      %add3A_53 = arith.addi %add3A_33, %add3A_52 : i32
      %mul3A_54 = arith.constant 80 : i32
      %mul3A_55 = arith.muli %add3A_53, %mul3A_54 : i32
      %add3A_56 = arith.addi %mul3A_4, %mul3A_55 : i32
      "tpu.region"() ({
        %run_scoped3A = tpu.sem_alloc : memref<!tpu.dma_semaphore, #tpu.memory_space<semaphore_mem>>
        %dma_start3A_60 = tpu.memref_slice %arg2[%add3A_56] : memref<327680xi32, #tpu.memory_space<hbm>> -> memref<80xi32, #tpu.memory_space<hbm>>
        %dma_start3A_61 = tpu.memref_slice %arg2[%add3A_56] : memref<327680xi32, #tpu.memory_space<hbm>> -> memref<80xi32, #tpu.memory_space<hbm>>
        tpu.enqueue_dma source(%dma_start3A_61 : memref<80xi32, #tpu.memory_space<hbm>>) target(%arg7 : memref<80xi32, #tpu.memory_space<vmem>>) target_semaphore(%run_scoped3A : memref<!tpu.dma_semaphore, #tpu.memory_space<semaphore_mem>>)
        %dma_wait3A_62 = tpu.memref_slice %arg2[%add3A_56] : memref<327680xi32, #tpu.memory_space<hbm>> -> memref<80xi32, #tpu.memory_space<hbm>>
        %dma_wait3A_63 = tpu.memref_slice %arg2[%add3A_56] : memref<327680xi32, #tpu.memory_space<hbm>> -> memref<80xi32, #tpu.memory_space<hbm>>
        tpu.wait_dma2 semaphore(%run_scoped3A : memref<!tpu.dma_semaphore, #tpu.memory_space<semaphore_mem>>) src(%dma_wait3A_63 : memref<80xi32, #tpu.memory_space<hbm>>) dst(%arg7 : memref<80xi32, #tpu.memory_space<vmem>>)
        tpu.yield
      }) : () -> ()
      %dma_start3A_57 = arith.constant 0 : i32
      %dma_start3A_58 = arith.constant 0 : i32
      %dma_start3A_59 = tpu.memref_slice %arg9[%dma_start3A_57, %dma_start3A_58] : memref<10112x128xf32, #tpu.memory_space<vmem_shared>> -> memref<10112x128xf32, #tpu.memory_space<vmem_shared>>
      tpu.enqueue_indirect_dma source(%arg8 : memref<80x128xf32, #tpu.memory_space<vmem>>) target(%dma_start3A_59 : memref<10112x128xf32, #tpu.memory_space<vmem_shared>>) offsets(%arg7 : memref<80xi32, #tpu.memory_space<vmem>>) semaphore(%arg11 : memref<!tpu.dma_semaphore, #tpu.memory_space<semaphore_mem>>) {add = true}
    }
    %scan3A_16 = arith.constant 63 : i32
    %dma_wait3A = arith.constant 0 : i32
    %dma_wait3A_17 = arith.constant 0 : i32
    %dma_wait3A_18 = tpu.memref_slice %arg3[%dma_wait3A, %dma_wait3A_17] : memref<632x128xf32, #tpu.memory_space<hbm>> -> memref<80x128xf32, #tpu.memory_space<hbm>>
    %dma_wait3A_19 = arith.constant 0 : i32
    %dma_wait3A_20 = arith.constant 0 : i32
    %dma_wait3A_21 = tpu.memref_slice %arg3[%dma_wait3A_19, %dma_wait3A_20] : memref<632x128xf32, #tpu.memory_space<hbm>> -> memref<80x128xf32, #tpu.memory_space<hbm>>
    tpu.wait_dma2 semaphore(%arg10 : memref<!tpu.dma_semaphore, #tpu.memory_space<semaphore_mem>>) src(%dma_wait3A_21 : memref<80x128xf32, #tpu.memory_space<hbm>>) dst(%arg8 : memref<80x128xf32, #tpu.memory_space<vmem>>)
    %dma_wait3A_22 = arith.constant 0 : i32
    %dma_wait3A_23 = arith.constant 0 : i32
    %dma_wait3A_24 = tpu.memref_slice %arg3[%dma_wait3A_22, %dma_wait3A_23] : memref<632x128xf32, #tpu.memory_space<hbm>> -> memref<80x128xf32, #tpu.memory_space<hbm>>
    %dma_wait3A_25 = arith.constant 0 : i32
    %dma_wait3A_26 = arith.constant 0 : i32
    %dma_wait3A_27 = tpu.memref_slice %arg3[%dma_wait3A_25, %dma_wait3A_26] : memref<632x128xf32, #tpu.memory_space<hbm>> -> memref<80x128xf32, #tpu.memory_space<hbm>>
    tpu.wait_dma2 semaphore(%arg11 : memref<!tpu.dma_semaphore, #tpu.memory_space<semaphore_mem>>) src(%dma_wait3A_27 : memref<80x128xf32, #tpu.memory_space<hbm>>) dst(%arg8 : memref<80x128xf32, #tpu.memory_space<vmem>>)
    %barrier3A_28 = arith.constant 0 : index
    tpu.barrier barrier_id(%barrier3A_28)
    "tpu.region"() ({
      %run_scoped3A = tpu.sem_alloc : memref<!tpu.dma_semaphore, #tpu.memory_space<semaphore_mem>>
      %dma_start3A_29 = arith.constant 0 : i32
      %dma_start3A_30 = tpu.memref_slice %arg5[%arg0, %mul3A_2, %dma_start3A_29] : memref<2x10112x128xf32, #tpu.memory_space<hbm>> -> memref<1x632x128xf32, #tpu.memory_space<hbm>>
      %dma_start3A_31 = tpu.memref_squeeze %dma_start3A_30 : memref<1x632x128xf32, #tpu.memory_space<hbm>> -> memref<632x128xf32, #tpu.memory_space<hbm>>
      %dma_start3A_32 = arith.constant 0 : i32
      %dma_start3A_33 = tpu.memref_slice %arg9[%mul3A_2, %dma_start3A_32] : memref<10112x128xf32, #tpu.memory_space<vmem_shared>> -> memref<632x128xf32, #tpu.memory_space<vmem_shared>>
      tpu.enqueue_dma source(%dma_start3A_33 : memref<632x128xf32, #tpu.memory_space<vmem_shared>>) target(%dma_start3A_31 : memref<632x128xf32, #tpu.memory_space<hbm>>) target_semaphore(%run_scoped3A : memref<!tpu.dma_semaphore, #tpu.memory_space<semaphore_mem>>)
      %dma_wait3A_34 = arith.constant 0 : i32
      %dma_wait3A_35 = tpu.memref_slice %arg5[%arg0, %mul3A_2, %dma_wait3A_34] : memref<2x10112x128xf32, #tpu.memory_space<hbm>> -> memref<1x632x128xf32, #tpu.memory_space<hbm>>
      %dma_wait3A_36 = tpu.memref_squeeze %dma_wait3A_35 : memref<1x632x128xf32, #tpu.memory_space<hbm>> -> memref<632x128xf32, #tpu.memory_space<hbm>>
      %dma_wait3A_37 = arith.constant 0 : i32
      %dma_wait3A_38 = tpu.memref_slice %arg9[%mul3A_2, %dma_wait3A_37] : memref<10112x128xf32, #tpu.memory_space<vmem_shared>> -> memref<632x128xf32, #tpu.memory_space<vmem_shared>>
      tpu.wait_dma2 semaphore(%run_scoped3A : memref<!tpu.dma_semaphore, #tpu.memory_space<semaphore_mem>>) src(%dma_wait3A_38 : memref<632x128xf32, #tpu.memory_space<vmem_shared>>) dst(%dma_wait3A_36 : memref<632x128xf32, #tpu.memory_space<hbm>>)
      tpu.yield
    }) : () -> ()
    return
  }
}

module attributes {stable_mosaic.version = 14 : i64} {
  func.func @_tc_layer_body(%arg0: i32, %arg1: memref<2x400x128xf32, #tpu.memory_space<vmem>>, %arg2: memref<2x400x128xf32, #tpu.memory_space<vmem>>, %arg3: memref<400x128xf32, #tpu.memory_space<vmem>>, %arg4: memref<128x128xf32, #tpu.memory_space<vmem>>, %arg5: memref<128xf32, #tpu.memory_space<vmem>>, %arg6: memref<128x128xf32, #tpu.memory_space<vmem>>, %arg7: memref<128xf32, #tpu.memory_space<vmem>>, %arg8: memref<128xf32, #tpu.memory_space<vmem>>, %arg9: memref<400x128xf32, #tpu.memory_space<vmem>>) attributes {dimension_semantics = [#tpu.dimension_semantics<arbitrary>], iteration_bounds = array<i64: 25>, scalar_prefetch = 0 : i64, scratch_operands = 0 : i64, tpu.core_type = #tpu.core_type<tc>, window_params = [{transform_indices = @transform_0, window_bounds = array<i64: 2, 400, 128>}, {transform_indices = @transform_1, window_bounds = array<i64: 2, 400, 128>}, {transform_indices = @transform_2, window_bounds = array<i64: 400, 128>}, {pipeline_mode = #tpu.pipeline_mode<synchronous>, transform_indices = @transform_3, window_bounds = array<i64: 128, 128>}, {pipeline_mode = #tpu.pipeline_mode<synchronous>, transform_indices = @transform_4, window_bounds = array<i64: 128>}, {pipeline_mode = #tpu.pipeline_mode<synchronous>, transform_indices = @transform_5, window_bounds = array<i64: 128, 128>}, {pipeline_mode = #tpu.pipeline_mode<synchronous>, transform_indices = @transform_6, window_bounds = array<i64: 128>}, {pipeline_mode = #tpu.pipeline_mode<synchronous>, transform_indices = @transform_7, window_bounds = array<i64: 128>}, {transform_indices = @transform_8, window_bounds = array<i64: 400, 128>}]} {
    %get3A = arith.constant 0 : index
    %get3A_0 = arith.constant 0 : index
    %get3A_1 = arith.constant 0 : index
    %get3A_2 = vector.load %arg1[%get3A, %get3A_0, %get3A_1] : memref<2x400x128xf32, #tpu.memory_space<vmem>>, vector<2x400x128xf32>
    %get3A_3 = arith.constant 0 : index
    %get3A_4 = arith.constant 0 : index
    %get3A_5 = arith.constant 0 : index
    %get3A_6 = vector.load %arg2[%get3A_3, %get3A_4, %get3A_5] : memref<2x400x128xf32, #tpu.memory_space<vmem>>, vector<2x400x128xf32>
    %get3A_7 = arith.constant 0 : index
    %get3A_8 = arith.constant 0 : index
    %get3A_9 = vector.load %arg3[%get3A_7, %get3A_8] : memref<400x128xf32, #tpu.memory_space<vmem>>, vector<400x128xf32>
    %get3A_10 = arith.constant 0 : index
    %get3A_11 = arith.constant 0 : index
    %get3A_12 = vector.load %arg4[%get3A_10, %get3A_11] : memref<128x128xf32, #tpu.memory_space<vmem>>, vector<128x128xf32>
    %get3A_13 = arith.constant 0 : index
    %get3A_14 = vector.load %arg5[%get3A_13] : memref<128xf32, #tpu.memory_space<vmem>>, vector<128xf32>
    %get3A_15 = arith.constant 0 : index
    %get3A_16 = arith.constant 0 : index
    %get3A_17 = vector.load %arg6[%get3A_15, %get3A_16] : memref<128x128xf32, #tpu.memory_space<vmem>>, vector<128x128xf32>
    %get3A_18 = arith.constant 0 : index
    %get3A_19 = vector.load %arg7[%get3A_18] : memref<128xf32, #tpu.memory_space<vmem>>, vector<128xf32>
    %get3A_20 = arith.constant 0 : index
    %get3A_21 = vector.load %arg8[%get3A_20] : memref<128xf32, #tpu.memory_space<vmem>>, vector<128xf32>
    %slice3A = vector.extract_strided_slice %get3A_2 {offsets = [0, 0, 0], sizes = [1, 400, 128], strides = [1, 1, 1]} : vector<2x400x128xf32> to vector<1x400x128xf32>
    %squeeze3A = vector.shape_cast %slice3A : vector<1x400x128xf32> to vector<400x128xf32>
    %slice3A_22 = vector.extract_strided_slice %get3A_2 {offsets = [1, 0, 0], sizes = [1, 400, 128], strides = [1, 1, 1]} : vector<2x400x128xf32> to vector<1x400x128xf32>
    %squeeze3A_23 = vector.shape_cast %slice3A_22 : vector<1x400x128xf32> to vector<400x128xf32>
    %add3A = arith.addf %squeeze3A, %squeeze3A_23 : vector<400x128xf32>
    %slice3A_24 = vector.extract_strided_slice %get3A_6 {offsets = [0, 0, 0], sizes = [1, 400, 1], strides = [1, 1, 1]} : vector<2x400x128xf32> to vector<1x400x1xf32>
    %squeeze3A_25 = vector.shape_cast %slice3A_24 : vector<1x400x1xf32> to vector<400xf32>
    %slice3A_26 = vector.extract_strided_slice %get3A_6 {offsets = [1, 0, 0], sizes = [1, 400, 1], strides = [1, 1, 1]} : vector<2x400x128xf32> to vector<1x400x1xf32>
    %squeeze3A_27 = vector.shape_cast %slice3A_26 : vector<1x400x1xf32> to vector<400xf32>
    %add3A_28 = arith.addf %squeeze3A_25, %squeeze3A_27 : vector<400xf32>
    %max3A = arith.constant 1.000000e+00 : f32
    %max3A_29 = vector.broadcast %max3A : f32 to vector<400xf32>
    %max3A_30 = arith.maximumf %add3A_28, %max3A_29 : vector<400xf32>
    %broadcast_in_dim3A = vector.shape_cast %max3A_30 : vector<400xf32> to vector<400x1xf32>
    %div3A = vector.broadcast %broadcast_in_dim3A : vector<400x1xf32> to vector<400x128xf32>
    %div3A_31 = arith.divf %add3A, %div3A : vector<400x128xf32>
    %dot_general3A = arith.constant dense<0.000000e+00> : vector<400x128xf32>
    %dot_general3A_32 = tpu.matmul %div3A_31, %get3A_12, %dot_general3A {dimension_numbers = #tpu.dot_dimension_numbers<[1], [1], [0], [0], [0, 0, 1, 0], [], []>, transpose_lhs_hint = false} : vector<400x128xf32>, vector<128x128xf32>, vector<400x128xf32> -> vector<400x128xf32>
    %broadcast_in_dim3A_33 = vector.shape_cast %get3A_14 : vector<128xf32> to vector<1x128xf32>
    %add3A_34 = vector.broadcast %broadcast_in_dim3A_33 : vector<1x128xf32> to vector<400x128xf32>
    %add3A_35 = arith.addf %dot_general3A_32, %add3A_34 : vector<400x128xf32>
    %dot_general3A_36 = arith.constant dense<0.000000e+00> : vector<400x128xf32>
    %dot_general3A_37 = tpu.matmul %get3A_9, %get3A_17, %dot_general3A_36 {dimension_numbers = #tpu.dot_dimension_numbers<[1], [1], [0], [0], [0, 0, 1, 0], [], []>, transpose_lhs_hint = false} : vector<400x128xf32>, vector<128x128xf32>, vector<400x128xf32> -> vector<400x128xf32>
    %add3A_38 = arith.addf %add3A_35, %dot_general3A_37 : vector<400x128xf32>
    %reduce_sum3A = arith.constant dense<0.000000e+00> : vector<400xf32>
    %reduce_sum3A_39 = vector.multi_reduction <add>, %add3A_38, %reduce_sum3A [1] : vector<400x128xf32> to vector<400xf32>
    %broadcast_in_dim3A_40 = vector.shape_cast %reduce_sum3A_39 : vector<400xf32> to vector<400x1xf32>
    %div3A_41 = arith.constant 1.280000e+02 : f32
    %div3A_42 = vector.broadcast %div3A_41 : f32 to vector<400x1xf32>
    %div3A_43 = arith.divf %broadcast_in_dim3A_40, %div3A_42 : vector<400x1xf32>
    %sub3A = vector.broadcast %div3A_43 : vector<400x1xf32> to vector<400x128xf32>
    %sub3A_44 = arith.subf %add3A_38, %sub3A : vector<400x128xf32>
    %integer_pow3A = arith.mulf %sub3A_44, %sub3A_44 : vector<400x128xf32>
    %reduce_sum3A_45 = arith.constant dense<0.000000e+00> : vector<400xf32>
    %reduce_sum3A_46 = vector.multi_reduction <add>, %integer_pow3A, %reduce_sum3A_45 [1] : vector<400x128xf32> to vector<400xf32>
    %broadcast_in_dim3A_47 = vector.shape_cast %reduce_sum3A_46 : vector<400xf32> to vector<400x1xf32>
    %div3A_48 = arith.constant 1.280000e+02 : f32
    %div3A_49 = vector.broadcast %div3A_48 : f32 to vector<400x1xf32>
    %div3A_50 = arith.divf %broadcast_in_dim3A_47, %div3A_49 : vector<400x1xf32>
    %sub3A_51 = vector.broadcast %div3A_43 : vector<400x1xf32> to vector<400x128xf32>
    %sub3A_52 = arith.subf %add3A_38, %sub3A_51 : vector<400x128xf32>
    %add3A_53 = arith.constant 9.99999974E-6 : f32
    %add3A_54 = vector.broadcast %add3A_53 : f32 to vector<400x1xf32>
    %add3A_55 = arith.addf %div3A_50, %add3A_54 : vector<400x1xf32>
    %rsqrt3A = math.rsqrt %add3A_55 : vector<400x1xf32>
    %mul3A = vector.broadcast %rsqrt3A : vector<400x1xf32> to vector<400x128xf32>
    %mul3A_56 = arith.mulf %sub3A_52, %mul3A : vector<400x128xf32>
    %broadcast_in_dim3A_57 = vector.shape_cast %get3A_19 : vector<128xf32> to vector<1x128xf32>
    %mul3A_58 = vector.broadcast %broadcast_in_dim3A_57 : vector<1x128xf32> to vector<400x128xf32>
    %mul3A_59 = arith.mulf %mul3A_56, %mul3A_58 : vector<400x128xf32>
    %broadcast_in_dim3A_60 = vector.shape_cast %get3A_21 : vector<128xf32> to vector<1x128xf32>
    %add3A_61 = vector.broadcast %broadcast_in_dim3A_60 : vector<1x128xf32> to vector<400x128xf32>
    %add3A_62 = arith.addf %mul3A_59, %add3A_61 : vector<400x128xf32>
    %max3A_63 = arith.constant 0.000000e+00 : f32
    %max3A_64 = vector.broadcast %max3A_63 : f32 to vector<400x128xf32>
    %max3A_65 = arith.maximumf %add3A_62, %max3A_64 : vector<400x128xf32>
    %swap3A = arith.constant 0 : index
    %swap3A_66 = arith.constant 0 : index
    %swap3A_67 = vector.load %arg9[%swap3A, %swap3A_66] : memref<400x128xf32, #tpu.memory_space<vmem>>, vector<400x128xf32>
    tpu.vector_store %arg9[%swap3A, %swap3A_66], %max3A_65 {strides = array<i32>} : memref<400x128xf32, #tpu.memory_space<vmem>>, vector<400x128xf32>,
    return
  }
  func.func @transform_0(%arg0: i32) -> (i32, i32, i32) {
    %c0_i32 = arith.constant 0 : i32
    %c0_i32_0 = arith.constant 0 : i32
    %c0_i32_1 = arith.constant 0 : i32
    return %c0_i32, %arg0, %c0_i32_0 : i32, i32, i32
  }
  func.func @transform_1(%arg0: i32) -> (i32, i32, i32) {
    %c0_i32 = arith.constant 0 : i32
    %c0_i32_0 = arith.constant 0 : i32
    %c0_i32_1 = arith.constant 0 : i32
    return %c0_i32, %arg0, %c0_i32_0 : i32, i32, i32
  }
  func.func @transform_2(%arg0: i32) -> (i32, i32) {
    %c0_i32 = arith.constant 0 : i32
    %c0_i32_0 = arith.constant 0 : i32
    return %arg0, %c0_i32 : i32, i32
  }
  func.func @transform_3(%arg0: i32) -> (i32, i32) {
    %c0_i32 = arith.constant 0 : i32
    %c0_i32_0 = arith.constant 0 : i32
    %c0_i32_1 = arith.constant 0 : i32
    return %c0_i32, %c0_i32_0 : i32, i32
  }
  func.func @transform_4(%arg0: i32) -> i32 {
    %c0_i32 = arith.constant 0 : i32
    %c0_i32_0 = arith.constant 0 : i32
    return %c0_i32 : i32
  }
  func.func @transform_5(%arg0: i32) -> (i32, i32) {
    %c0_i32 = arith.constant 0 : i32
    %c0_i32_0 = arith.constant 0 : i32
    %c0_i32_1 = arith.constant 0 : i32
    return %c0_i32, %c0_i32_0 : i32, i32
  }
  func.func @transform_6(%arg0: i32) -> i32 {
    %c0_i32 = arith.constant 0 : i32
    %c0_i32_0 = arith.constant 0 : i32
    return %c0_i32 : i32
  }
  func.func @transform_7(%arg0: i32) -> i32 {
    %c0_i32 = arith.constant 0 : i32
    %c0_i32_0 = arith.constant 0 : i32
    return %c0_i32 : i32
  }
  func.func @transform_8(%arg0: i32) -> (i32, i32) {
    %c0_i32 = arith.constant 0 : i32
    %c0_i32_0 = arith.constant 0 : i32
    return %arg0, %c0_i32 : i32, i32
  }
}

module attributes {stable_mosaic.version = 14 : i64} {
  func.func @_tc_final_body(%arg0: i32, %arg1: memref<2x400x128xf32, #tpu.memory_space<vmem>>, %arg2: memref<2x400x128xf32, #tpu.memory_space<vmem>>, %arg3: memref<400x128xf32, #tpu.memory_space<vmem>>, %arg4: memref<128x128xf32, #tpu.memory_space<vmem>>, %arg5: memref<128xf32, #tpu.memory_space<vmem>>, %arg6: memref<128x128xf32, #tpu.memory_space<vmem>>, %arg7: memref<128xf32, #tpu.memory_space<vmem>>, %arg8: memref<128xf32, #tpu.memory_space<vmem>>, %arg9: memref<47x128xf32, #tpu.memory_space<vmem>>, %arg10: memref<47xf32, #tpu.memory_space<vmem>>, %arg11: memref<400x47xf32, #tpu.memory_space<vmem>>) attributes {dimension_semantics = [#tpu.dimension_semantics<arbitrary>], iteration_bounds = array<i64: 25>, scalar_prefetch = 0 : i64, scratch_operands = 0 : i64, tpu.core_type = #tpu.core_type<tc>, window_params = [{transform_indices = @transform_0, window_bounds = array<i64: 2, 400, 128>}, {transform_indices = @transform_1, window_bounds = array<i64: 2, 400, 128>}, {transform_indices = @transform_2, window_bounds = array<i64: 400, 128>}, {pipeline_mode = #tpu.pipeline_mode<synchronous>, transform_indices = @transform_3, window_bounds = array<i64: 128, 128>}, {pipeline_mode = #tpu.pipeline_mode<synchronous>, transform_indices = @transform_4, window_bounds = array<i64: 128>}, {pipeline_mode = #tpu.pipeline_mode<synchronous>, transform_indices = @transform_5, window_bounds = array<i64: 128, 128>}, {pipeline_mode = #tpu.pipeline_mode<synchronous>, transform_indices = @transform_6, window_bounds = array<i64: 128>}, {pipeline_mode = #tpu.pipeline_mode<synchronous>, transform_indices = @transform_7, window_bounds = array<i64: 128>}, {pipeline_mode = #tpu.pipeline_mode<synchronous>, transform_indices = @transform_8, window_bounds = array<i64: 47, 128>}, {pipeline_mode = #tpu.pipeline_mode<synchronous>, transform_indices = @transform_9, window_bounds = array<i64: 47>}, {transform_indices = @transform_10, window_bounds = array<i64: 400, 47>}]} {
    %get3A = arith.constant 0 : index
    %get3A_0 = arith.constant 0 : index
    %get3A_1 = arith.constant 0 : index
    %get3A_2 = vector.load %arg1[%get3A, %get3A_0, %get3A_1] : memref<2x400x128xf32, #tpu.memory_space<vmem>>, vector<2x400x128xf32>
    %get3A_3 = arith.constant 0 : index
    %get3A_4 = arith.constant 0 : index
    %get3A_5 = arith.constant 0 : index
    %get3A_6 = vector.load %arg2[%get3A_3, %get3A_4, %get3A_5] : memref<2x400x128xf32, #tpu.memory_space<vmem>>, vector<2x400x128xf32>
    %get3A_7 = arith.constant 0 : index
    %get3A_8 = arith.constant 0 : index
    %get3A_9 = vector.load %arg3[%get3A_7, %get3A_8] : memref<400x128xf32, #tpu.memory_space<vmem>>, vector<400x128xf32>
    %get3A_10 = arith.constant 0 : index
    %get3A_11 = arith.constant 0 : index
    %get3A_12 = vector.load %arg4[%get3A_10, %get3A_11] : memref<128x128xf32, #tpu.memory_space<vmem>>, vector<128x128xf32>
    %get3A_13 = arith.constant 0 : index
    %get3A_14 = vector.load %arg5[%get3A_13] : memref<128xf32, #tpu.memory_space<vmem>>, vector<128xf32>
    %get3A_15 = arith.constant 0 : index
    %get3A_16 = arith.constant 0 : index
    %get3A_17 = vector.load %arg6[%get3A_15, %get3A_16] : memref<128x128xf32, #tpu.memory_space<vmem>>, vector<128x128xf32>
    %get3A_18 = arith.constant 0 : index
    %get3A_19 = vector.load %arg7[%get3A_18] : memref<128xf32, #tpu.memory_space<vmem>>, vector<128xf32>
    %get3A_20 = arith.constant 0 : index
    %get3A_21 = vector.load %arg8[%get3A_20] : memref<128xf32, #tpu.memory_space<vmem>>, vector<128xf32>
    %slice3A = vector.extract_strided_slice %get3A_2 {offsets = [0, 0, 0], sizes = [1, 400, 128], strides = [1, 1, 1]} : vector<2x400x128xf32> to vector<1x400x128xf32>
    %squeeze3A = vector.shape_cast %slice3A : vector<1x400x128xf32> to vector<400x128xf32>
    %slice3A_22 = vector.extract_strided_slice %get3A_2 {offsets = [1, 0, 0], sizes = [1, 400, 128], strides = [1, 1, 1]} : vector<2x400x128xf32> to vector<1x400x128xf32>
    %squeeze3A_23 = vector.shape_cast %slice3A_22 : vector<1x400x128xf32> to vector<400x128xf32>
    %add3A = arith.addf %squeeze3A, %squeeze3A_23 : vector<400x128xf32>
    %slice3A_24 = vector.extract_strided_slice %get3A_6 {offsets = [0, 0, 0], sizes = [1, 400, 1], strides = [1, 1, 1]} : vector<2x400x128xf32> to vector<1x400x1xf32>
    %squeeze3A_25 = vector.shape_cast %slice3A_24 : vector<1x400x1xf32> to vector<400xf32>
    %slice3A_26 = vector.extract_strided_slice %get3A_6 {offsets = [1, 0, 0], sizes = [1, 400, 1], strides = [1, 1, 1]} : vector<2x400x128xf32> to vector<1x400x1xf32>
    %squeeze3A_27 = vector.shape_cast %slice3A_26 : vector<1x400x1xf32> to vector<400xf32>
    %add3A_28 = arith.addf %squeeze3A_25, %squeeze3A_27 : vector<400xf32>
    %max3A = arith.constant 1.000000e+00 : f32
    %max3A_29 = vector.broadcast %max3A : f32 to vector<400xf32>
    %max3A_30 = arith.maximumf %add3A_28, %max3A_29 : vector<400xf32>
    %broadcast_in_dim3A = vector.shape_cast %max3A_30 : vector<400xf32> to vector<400x1xf32>
    %div3A = vector.broadcast %broadcast_in_dim3A : vector<400x1xf32> to vector<400x128xf32>
    %div3A_31 = arith.divf %add3A, %div3A : vector<400x128xf32>
    %dot_general3A = arith.constant dense<0.000000e+00> : vector<400x128xf32>
    %dot_general3A_32 = tpu.matmul %div3A_31, %get3A_12, %dot_general3A {dimension_numbers = #tpu.dot_dimension_numbers<[1], [1], [0], [0], [0, 0, 1, 0], [], []>, transpose_lhs_hint = false} : vector<400x128xf32>, vector<128x128xf32>, vector<400x128xf32> -> vector<400x128xf32>
    %broadcast_in_dim3A_33 = vector.shape_cast %get3A_14 : vector<128xf32> to vector<1x128xf32>
    %add3A_34 = vector.broadcast %broadcast_in_dim3A_33 : vector<1x128xf32> to vector<400x128xf32>
    %add3A_35 = arith.addf %dot_general3A_32, %add3A_34 : vector<400x128xf32>
    %dot_general3A_36 = arith.constant dense<0.000000e+00> : vector<400x128xf32>
    %dot_general3A_37 = tpu.matmul %get3A_9, %get3A_17, %dot_general3A_36 {dimension_numbers = #tpu.dot_dimension_numbers<[1], [1], [0], [0], [0, 0, 1, 0], [], []>, transpose_lhs_hint = false} : vector<400x128xf32>, vector<128x128xf32>, vector<400x128xf32> -> vector<400x128xf32>
    %add3A_38 = arith.addf %add3A_35, %dot_general3A_37 : vector<400x128xf32>
    %reduce_sum3A = arith.constant dense<0.000000e+00> : vector<400xf32>
    %reduce_sum3A_39 = vector.multi_reduction <add>, %add3A_38, %reduce_sum3A [1] : vector<400x128xf32> to vector<400xf32>
    %broadcast_in_dim3A_40 = vector.shape_cast %reduce_sum3A_39 : vector<400xf32> to vector<400x1xf32>
    %div3A_41 = arith.constant 1.280000e+02 : f32
    %div3A_42 = vector.broadcast %div3A_41 : f32 to vector<400x1xf32>
    %div3A_43 = arith.divf %broadcast_in_dim3A_40, %div3A_42 : vector<400x1xf32>
    %sub3A = vector.broadcast %div3A_43 : vector<400x1xf32> to vector<400x128xf32>
    %sub3A_44 = arith.subf %add3A_38, %sub3A : vector<400x128xf32>
    %integer_pow3A = arith.mulf %sub3A_44, %sub3A_44 : vector<400x128xf32>
    %reduce_sum3A_45 = arith.constant dense<0.000000e+00> : vector<400xf32>
    %reduce_sum3A_46 = vector.multi_reduction <add>, %integer_pow3A, %reduce_sum3A_45 [1] : vector<400x128xf32> to vector<400xf32>
    %broadcast_in_dim3A_47 = vector.shape_cast %reduce_sum3A_46 : vector<400xf32> to vector<400x1xf32>
    %div3A_48 = arith.constant 1.280000e+02 : f32
    %div3A_49 = vector.broadcast %div3A_48 : f32 to vector<400x1xf32>
    %div3A_50 = arith.divf %broadcast_in_dim3A_47, %div3A_49 : vector<400x1xf32>
    %sub3A_51 = vector.broadcast %div3A_43 : vector<400x1xf32> to vector<400x128xf32>
    %sub3A_52 = arith.subf %add3A_38, %sub3A_51 : vector<400x128xf32>
    %add3A_53 = arith.constant 9.99999974E-6 : f32
    %add3A_54 = vector.broadcast %add3A_53 : f32 to vector<400x1xf32>
    %add3A_55 = arith.addf %div3A_50, %add3A_54 : vector<400x1xf32>
    %rsqrt3A = math.rsqrt %add3A_55 : vector<400x1xf32>
    %mul3A = vector.broadcast %rsqrt3A : vector<400x1xf32> to vector<400x128xf32>
    %mul3A_56 = arith.mulf %sub3A_52, %mul3A : vector<400x128xf32>
    %broadcast_in_dim3A_57 = vector.shape_cast %get3A_19 : vector<128xf32> to vector<1x128xf32>
    %mul3A_58 = vector.broadcast %broadcast_in_dim3A_57 : vector<1x128xf32> to vector<400x128xf32>
    %mul3A_59 = arith.mulf %mul3A_56, %mul3A_58 : vector<400x128xf32>
    %broadcast_in_dim3A_60 = vector.shape_cast %get3A_21 : vector<128xf32> to vector<1x128xf32>
    %add3A_61 = vector.broadcast %broadcast_in_dim3A_60 : vector<1x128xf32> to vector<400x128xf32>
    %add3A_62 = arith.addf %mul3A_59, %add3A_61 : vector<400x128xf32>
    %max3A_63 = arith.constant 0.000000e+00 : f32
    %max3A_64 = vector.broadcast %max3A_63 : f32 to vector<400x128xf32>
    %max3A_65 = arith.maximumf %add3A_62, %max3A_64 : vector<400x128xf32>
    %get3A_66 = arith.constant 0 : index
    %get3A_67 = arith.constant 0 : index
    %get3A_68 = vector.load %arg9[%get3A_66, %get3A_67] : memref<47x128xf32, #tpu.memory_space<vmem>>, vector<47x128xf32>
    %dot_general3A_69 = arith.constant dense<0.000000e+00> : vector<400x47xf32>
    %dot_general3A_70 = tpu.matmul %max3A_65, %get3A_68, %dot_general3A_69 {dimension_numbers = #tpu.dot_dimension_numbers<[1], [1], [0], [0], [0, 0, 1, 0], [], []>, transpose_lhs_hint = false} : vector<400x128xf32>, vector<47x128xf32>, vector<400x47xf32> -> vector<400x47xf32>
    %get3A_71 = arith.constant 0 : index
    %get3A_72 = vector.load %arg10[%get3A_71] : memref<47xf32, #tpu.memory_space<vmem>>, vector<47xf32>
    %broadcast_in_dim3A_73 = vector.shape_cast %get3A_72 : vector<47xf32> to vector<1x47xf32>
    %add3A_74 = vector.broadcast %broadcast_in_dim3A_73 : vector<1x47xf32> to vector<400x47xf32>
    %add3A_75 = arith.addf %dot_general3A_70, %add3A_74 : vector<400x47xf32>
    %reduce_max3A = arith.constant dense<0xFF800000> : vector<400xf32>
    %reduce_max3A_76 = vector.multi_reduction <maximumf>, %add3A_75, %reduce_max3A [1] : vector<400x47xf32> to vector<400xf32>
    %broadcast_in_dim3A_77 = vector.shape_cast %reduce_max3A_76 : vector<400xf32> to vector<400x1xf32>
    %sub3A_78 = vector.broadcast %broadcast_in_dim3A_77 : vector<400x1xf32> to vector<400x47xf32>
    %sub3A_79 = arith.subf %add3A_75, %sub3A_78 : vector<400x47xf32>
    %exp3A = math.exp %sub3A_79 : vector<400x47xf32>
    %reduce_sum3A_80 = arith.constant dense<0.000000e+00> : vector<400xf32>
    %reduce_sum3A_81 = vector.multi_reduction <add>, %exp3A, %reduce_sum3A_80 [1] : vector<400x47xf32> to vector<400xf32>
    %broadcast_in_dim3A_82 = vector.shape_cast %reduce_sum3A_81 : vector<400xf32> to vector<400x1xf32>
    %log3A = math.log %broadcast_in_dim3A_82 : vector<400x1xf32>
    %add3A_83 = arith.addf %log3A, %broadcast_in_dim3A_77 : vector<400x1xf32>
    %sub3A_84 = vector.broadcast %add3A_83 : vector<400x1xf32> to vector<400x47xf32>
    %sub3A_85 = arith.subf %add3A_75, %sub3A_84 : vector<400x47xf32>
    %swap3A = arith.constant 0 : index
    %swap3A_86 = arith.constant 0 : index
    %swap3A_87 = vector.load %arg11[%swap3A, %swap3A_86] : memref<400x47xf32, #tpu.memory_space<vmem>>, vector<400x47xf32>
    tpu.vector_store %arg11[%swap3A, %swap3A_86], %sub3A_85 {strides = array<i32>} : memref<400x47xf32, #tpu.memory_space<vmem>>, vector<400x47xf32>,
    return
  }
  func.func @transform_0(%arg0: i32) -> (i32, i32, i32) {
    %c0_i32 = arith.constant 0 : i32
    %c0_i32_0 = arith.constant 0 : i32
    %c0_i32_1 = arith.constant 0 : i32
    return %c0_i32, %arg0, %c0_i32_0 : i32, i32, i32
  }
  func.func @transform_1(%arg0: i32) -> (i32, i32, i32) {
    %c0_i32 = arith.constant 0 : i32
    %c0_i32_0 = arith.constant 0 : i32
    %c0_i32_1 = arith.constant 0 : i32
    return %c0_i32, %arg0, %c0_i32_0 : i32, i32, i32
  }
  func.func @transform_2(%arg0: i32) -> (i32, i32) {
    %c0_i32 = arith.constant 0 : i32
    %c0_i32_0 = arith.constant 0 : i32
    return %arg0, %c0_i32 : i32, i32
  }
  func.func @transform_3(%arg0: i32) -> (i32, i32) {
    %c0_i32 = arith.constant 0 : i32
    %c0_i32_0 = arith.constant 0 : i32
    %c0_i32_1 = arith.constant 0 : i32
    return %c0_i32, %c0_i32_0 : i32, i32
  }
  func.func @transform_4(%arg0: i32) -> i32 {
    %c0_i32 = arith.constant 0 : i32
    %c0_i32_0 = arith.constant 0 : i32
    return %c0_i32 : i32
  }
  func.func @transform_5(%arg0: i32) -> (i32, i32) {
    %c0_i32 = arith.constant 0 : i32
    %c0_i32_0 = arith.constant 0 : i32
    %c0_i32_1 = arith.constant 0 : i32
    return %c0_i32, %c0_i32_0 : i32, i32
  }
  func.func @transform_6(%arg0: i32) -> i32 {
    %c0_i32 = arith.constant 0 : i32
    %c0_i32_0 = arith.constant 0 : i32
    return %c0_i32 : i32
  }
  func.func @transform_7(%arg0: i32) -> i32 {
    %c0_i32 = arith.constant 0 : i32
    %c0_i32_0 = arith.constant 0 : i32
    return %c0_i32 : i32
  }
  func.func @transform_8(%arg0: i32) -> (i32, i32) {
    %c0_i32 = arith.constant 0 : i32
    %c0_i32_0 = arith.constant 0 : i32
    %c0_i32_1 = arith.constant 0 : i32
    return %c0_i32, %c0_i32_0 : i32, i32
  }
  func.func @transform_9(%arg0: i32) -> i32 {
    %c0_i32 = arith.constant 0 : i32
    %c0_i32_0 = arith.constant 0 : i32
    return %c0_i32 : i32
  }
  func.func @transform_10(%arg0: i32) -> (i32, i32) {
    %c0_i32 = arith.constant 0 : i32
    %c0_i32_0 = arith.constant 0 : i32
    return %arg0, %c0_i32 : i32, i32
  }
}

</mosaic_0001>

<sc_bundles>
// kernel: kernel.12.cloned.1.call-start
scs
__scs_entry_jumppad:
0x0: {  	(pc) =	sbr.rel $0x88, $3  }
0x1: {  	(tag) =	ssettag $0x0;
	lr =	simm.s32 $0x1  }
0x2: {  	[smem:$0x3F8E] =	sst lr;
	_ =	strace $0xD0000000  }
0x3: {  	_ = 	snop  }
0x4: {  	_ = 	snop  }
0x5: {  	_ = 	snop  }
0x6: {  	_ = 	snop  }
0x7: {  	_ = 	snop  }
__scs_overlays_trampoline_lowered:
0x8: {  	[smem:$0x3F9D] =	sst s0  }
0x9: {  	[smem:$0x3F9E] =	sst s1  }
0xa: {  	[smem:$0x3F9F] =	sst s2  }
0xb: {  	[smem:$0x3FA0] =	sst s3  }
0xc: {  	[smem:$0x3FA1] =	sst s4  }
0xd: {  	[smem:$0x3FA2] =	sst s5  }
0xe: {  	[smem:$0x3FA3] =	sst s6  }
0xf: {  	[smem:$0x3FA4] =	sst s7  }
0x10: {  	[smem:$0x3FA5] =	sst s8  }
0x11: {  	[smem:$0x3FA6] =	sst s9;
	s0 =	simm.s32 @!p0 $0x0  }
0x12: {  	s1 =	sld [smem:$0x3F8C];
	s0 =	simm.s32 @p0 $0x1  }
0x13: {  	[smem:$0x3FA7] =	sst s0;
	s0 =	simm.s32 @!p1 $0x0  }
0x14: {  	s2 =	sld [smem:$0x3F8B];
	s0 =	simm.s32 @p1 $0x1  }
0x15: {  	[smem:$0x3FA8] =	sst s0;
	s0 =	simm.s32 @!p2 $0x0  }
0x16: {  	s3 =	sld [smem:$0x3FDB];
	s0 =	simm.s32 @p2 $0x1  }
0x17: {  	s4 =	simm.s32 $0x1BF5;
	[smem:$0x3FAA] =	sst s0  }
0x18: {  	s0 =	sld [smem:$0x3F8D];
	_ =	swait.ge [sflag:s4], $0x0  }
0x19: {  	s7 =	sld [smem:$0x3F8E]  }
0x1a: {  	s8 =	sadd.s32 $0xFFFFE003, lr  }
0x1b: {  	s9 =	sadd.s32 $0xFFFFFEF7, lr;
	s5 =	simm.s32 $0xFFFFFFFF;
	p2 =	slt.u32 s8, $0xFFFFF086  }
0x1c: {  	p1 =	slt.u32 s9, $0xF7A;
	s5 =	simm.s32 @!p2 $0x0  }
0x1d: {  	s5 =	simm.s32 @p1 $0x1;
	p0 =	seq.s32 s7, s2  }
0x1e: {  	s7 =	smul.u32 @!p0 $0xF7A, s2;
	p2 =	seq.s32 @!p0 s5, $0x0  }
0x1f: {  	s9 =	smul.u32 $0xF7A, s1;
	s8 =	simm.s32 @!p0 $0x1BF5;
	p2 =	por !p2, p0  }
0x20: {  	[sflag:s8] =	ssyncset.s32 @!p0 $0xFFFFF086;
	s6 =	sadd.s32 @!p0 s3, s7;
	s7 =	simm.s32 @!p0 $0x108  }
0x21: {  	s3 =	sadd.s32 s3, s9;
	s6 =	sadd.s32 @!p0 $0x88, s6;
	s7 =	simm.s32 @p2 $0x1082  }
0x22: {  	[simem:s7], [sflag:s8] =	dma.local @!p0 [hbm:s6], $0xF7A  }
0x23: {  	s9 =	sor.u32 $0xD0000000, s2;
	s6 =	simm.s32 $0x108;
	_ =	swait.ge @!p0 [sflag:s8], $0x0  }
0x24: {  	s3 =	sadd.s32 $0x88, s3;
	s6 =	simm.s32 @!p1 $0x1082;
	[sflag:s4] =	ssyncset.s32 $0xFFFFF086  }
0x25: {  	[simem:s6], [sflag:s4] =	dma.local [hbm:s3], $0xF7A  }
0x26: {  	[smem:$0x3F8E] =	sst s1;
	(tag) =	ssettag s2;
	_ =	strace s9  }
0x27: {  	s1 =	sld [smem:$0x3F9E]  }
0x28: {  	s2 =	sld [smem:$0x3F9F]  }
0x29: {  	s4 =	sld [smem:$0x3FA1]  }
0x2a: {  	p0 =	seq.s32 s5, $0x0;
	s5 =	sld [smem:$0x3FA2]  }
0x2b: {  	s6 =	sld [smem:$0x3FA3]  }
0x2c: {  	s7 =	sld [smem:$0x3FA4]  }
0x2d: {  	s3 =	simm.s32 $0x108;
	s8 =	sld [smem:$0x3FA5]  }
0x2e: {  	s3 =	simm.s32 @!p0 $0x1082;
	s9 =	sld [smem:$0x3FA6]  }
0x2f: {  	lr =	sadd.s32 s0, s3;
	s0 =	sld [smem:$0x3F9D]  }
0x30: {  	s3 =	sld [smem:$0x3FA0]  }
0x31: {  	[smem:$0x3FA9] =	sst s10  }
0x32: {  	s10 =	sld [smem:$0x3FA7];
	_ =	sdelay $0x3  }
0x33: {  	p0 =	seq.s32 s10, $0x1;
	s10 =	sld [smem:$0x3FA9];
	_ =	sdelay $0x3  }
0x34: {  	[smem:$0x3FA9] =	sst s10  }
0x35: {  	s10 =	sld [smem:$0x3FA8];
	_ =	sdelay $0x3  }
0x36: {  	p1 =	seq.s32 s10, $0x1;
	s10 =	sld [smem:$0x3FA9];
	_ =	sdelay $0x3  }
0x37: {  	[smem:$0x3FA9] =	sst s10  }
0x38: {  	s10 =	sld [smem:$0x3FAA]  }
0x39: {  	_ = 	snop;
	(pc) =	sbr.ind lr, $3  }
0x3a: {  	_ = 	snop  }
0x3b: {  	_ = 	snop  }
0x3c: {  	p2 =	seq.s32 s10, $0x1;
	s10 =	sld [smem:$0x3FA9]  }
0x3d: {  	_ =	shalt  }
0x3e: {  	_ =	shalt  }
0x3f: {  	_ =	shalt  }
0x40: {  	_ =	shalt  }
0x41: {  	_ =	shalt  }
0x42: {  	_ =	shalt  }
0x43: {  	_ =	shalt  }
0x44: {  	_ =	shalt  }
0x45: {  	_ =	shalt  }
0x46: {  	_ =	shalt  }
0x47: {  	_ =	shalt  }
0x48: {  	_ =	shalt  }
0x49: {  	_ =	shalt  }
0x4a: {  	_ =	shalt  }
0x4b: {  	_ =	shalt  }
0x4c: {  	_ =	shalt  }
0x4d: {  	_ =	shalt  }
0x4e: {  	_ =	shalt  }
0x4f: {  	_ =	shalt  }
0x50: {  	_ =	shalt  }
0x51: {  	_ =	shalt  }
0x52: {  	_ =	shalt  }
0x53: {  	_ =	shalt  }
0x54: {  	_ =	shalt  }
0x55: {  	_ =	shalt  }
0x56: {  	_ =	shalt  }
0x57: {  	_ =	shalt  }
0x58: {  	_ =	shalt  }
0x59: {  	_ =	shalt  }
0x5a: {  	_ =	shalt  }
0x5b: {  	_ =	shalt  }
0x5c: {  	_ =	shalt  }
0x5d: {  	_ =	shalt  }
0x5e: {  	_ =	shalt  }
0x5f: {  	_ =	shalt  }
0x60: {  	_ =	shalt  }
0x61: {  	_ =	shalt  }
0x62: {  	_ =	shalt  }
0x63: {  	_ =	shalt  }
0x64: {  	_ =	shalt  }
0x65: {  	_ =	shalt  }
0x66: {  	_ =	shalt  }
0x67: {  	_ =	shalt  }
0x68: {  	_ =	shalt  }
0x69: {  	_ =	shalt  }
0x6a: {  	_ =	shalt  }
0x6b: {  	_ =	shalt  }
0x6c: {  	_ =	shalt  }
0x6d: {  	_ =	shalt  }
0x6e: {  	_ =	shalt  }
0x6f: {  	_ =	shalt  }
0x70: {  	_ =	shalt  }
0x71: {  	_ =	shalt  }
0x72: {  	_ =	shalt  }
0x73: {  	_ =	shalt  }
0x74: {  	_ =	shalt  }
0x75: {  	_ =	shalt  }
0x76: {  	_ =	shalt  }
0x77: {  	_ =	shalt  }
0x78: {  	_ =	shalt  }
0x79: {  	_ =	shalt  }
0x7a: {  	_ =	shalt  }
0x7b: {  	_ =	shalt  }
0x7c: {  	_ =	shalt  }
0x7d: {  	_ =	shalt  }
0x7e: {  	_ =	shalt  }
0x7f: {  	_ =	shalt  }
0x80: {  	_ =	shalt  }
0x81: {  	_ =	shalt  }
0x82: {  	_ =	shalt  }
0x83: {  	_ =	shalt  }
0x84: {  	_ =	shalt  }
0x85: {  	_ =	shalt  }
0x86: {  	_ =	shalt  }
0x87: {  	_ =	shalt  }
.Lfunc_end0:
.L_simem_size_0:
called_computation.1_lowered:
.L_overlay_start_0:
0x88: {  	s2 =	sld [smem:$0x3FD9]  }
0x89: {  	s3 =	sld [smem:$0x3FFE];
	_ =	sdelay $0x1  }
0x8a: {  	s1 =	srdreg.scid  }
0x8b: {  	s0 =	sand.u32 $0x1, s1  }
0x8c: {  	s17 =	sshll.u32 s0, $0xA;
	s2 =	sadd.s32 s3, s2  }
0x8d: {  	s2 =	sadd.s32 s2, s17  }
0x8e: {  	[smem:$0x3FB5] =	sst s2  }
0x8f: {  	_ = 	snop  }
0x90: {  	s2 =	sld [smem:$0x3FC9];
	(tm) =	ssettm $0x1  }
0x91: {  	s18 =	sld [smem:$0x3FFB];
	_ =	sdelay $0x3  }
0x92: {  	_ =	strace s18  }
0x93: {  	s3 =	sld [smem:$0x3FFC];
	_ =	sdelay $0x3  }
0x94: {  	_ =	strace s3  }
0x95: {  	s3 =	sld [smem:$0x3FFD];
	_ =	sdelay $0x3  }
0x96: {  	_ =	strace s3  }
0x97: {  	_ =	strace $0x8FFFFFFF  }
0x98: {  	s19 =	sld [smem:$0x3FDB];
	_ =	sdelay $0x1  }
0x99: {  	s4 =	simm.s32 $_scs_section_size  }
0x9a: {  	s5 =	simm.s32 $_size__tile_overlayer_lowered;
	s6 =	simm.s32 $_tile_overlayer_lowered  }
0x9b: {  	s22 =	simm.s32 $0x1BFF;
	s21 =	sshll.u32 s6, $0x1;
	s3 =	sadd.s32 s4, s19  }
0x9c: {  	s7 =	simm.s32 $0x0;
	s20 =	sshll.u32 s5, $0x1;
	s5 =	sadd.s32 s21, s3  }
0x9d: {  	[timem:s7], [sflag:s22] =	dma.local [hbm:s5], s20  }
0x9e: {  	_ =	swait.ge [sflag:s22], s20  }
0x9f: {  	s4 =	ssub.s32 $0x0, s20;
	[sflag:s22] =	ssyncset.done $0x0  }
0xa0: {  	[sflag:s22] =	ssyncadd.s32 s4;
	_ =	sdelay $0x1  }
0xa1: {  	s23 =	simm.s32 $0x1B8B  }
0xa2: {  	_ =	swait.ge [sflag:s23], $0x1  }
0xa3: {  	[sflag:s23] =	ssyncset.done $0x0  }
0xa4: {  	s25 =	simm.s32 $0x1B8E;
	s24 =	sld [smem:$0x3FFE];
	[sflag:s23] =	ssyncadd.s32 $0xFFFFFFFF  }
0xa5: {  	s26 =	simm.s32 $execute0_lowered;
	[smem:$0x3FD2] =	sst s25  }
0xa6: {  	s5 =	sshll.u32 s26, $0x1;
	_ =	strace $0x80000046;
	[dreg:$0x1] =	wrdreg $0xFFFFFFFF  }
0xa7: {  	s28 =	simm.s32 $_size_execute0_lowered;
	s3 =	sadd.s32 s3, s5;
	[dreg:$0x0] =	wrdreg $0x0  }
0xa8: {  	s5 =	sshll.u32 s28, $0x1;
	[dreg:$0x2] =	wrdreg s3  }
0xa9: {  	[dreg:$0x3] =	wrdreg s5  }
0xaa: {  	[dreg:$0x4] =	wrdreg $0xC0  }
0xab: {  	_ =	task [dreg:s7], $0x5FFFF  }
0xac: {  	[dreg:$0x1] =	wrdreg $0xFFFFFFFF  }
0xad: {  	[dreg:$0x0] =	wrdreg $0x60  }
0xae: {  	[dreg:$0x2] =	wrdreg s2  }
0xaf: {  	[dreg:$0x3] =	wrdreg s24  }
0xb0: {  	[dreg:$0x4] =	wrdreg $0x54000  }
0xb1: {  	[dreg:$0x5] =	wrdreg $0xA  }
0xb2: {  	_ =	task.clear_ibuf [dreg:s7], $0x6FFFF;
	_ =	strace $0x90000046  }
0xb3: {  	s29 =	simm.s32 $0xA;
	_ =	strace $0x80000048  }
0xb4: {  	_ =	swait.ge [sflag:s29], $0x1  }
0xb5: {  	[sflag:s29] =	ssyncadd.s32 $0xFFFFFFFF  }
0xb6: {  	_ =	strace $0x90000048  }
0xb7: {  	_ =	sfence  }
0xb8: {  	s30 =	sld [smem:$0x0];
	_ =	sdelay $0x2  }
0xb9: {  	s31 =	sshll.u32 s1, $0xD;
	s1 =	sshrl.u32 s1, $0x2  }
0xba: {  	s3 =	sand.u32 $0x4000, s31;
	s1 =	sadd.s32 s1, s30  }
0xbb: {  	s0 =	sor.u32 s3, s0;
	s1 =	sshll.u32 s1, $0x11  }
0xbc: {  	s0 =	sor.u32 s1, s0  }
0xbd: {  	s0 =	sadd.s32 $0x8F2B, s0  }
0xbe: {  	[sflag:s0] =	ssyncadd.remote.s32 $0x1  }
0xbf: {  	_ =	sfence.sel $0xFFFF  }
0xc0: {  	[dreg:$0x0] =	wrdreg $0xFFFFFFFF;
	(pc) =	sbr.abs _section_cstart, $3  }
0xc1: {  	[dreg:$0x1] =	wrdreg $0xFFFFFFFF  }
0xc2: {  	_ =	task.clear_ibuf [dreg:s7], $0x2FFFF;
	_ =	strace $0x9FFFFFFF  }
0xc3: {  	(tm) =	ssettm $0x7FFFFFFF  }
tec
execute0_lowered:
.L_overlay_start_1:
0x0: {  	(tag) =	ssettag $0x1  }
0x1: {  	s1 =	rddreg [dreg:$0x0]  }
0x2: {  	s0 =	rddreg [dreg:$0x1]  }
0x3: {  	s2 =	rddreg [dreg:$0x2];
	s3 =	srdreg.scid  }
0x4: {  	s4 =	simm.s32 $0x0;
	s11 =	stileid.u32;
	s15 =	simm.s32 $0x9  }
0x5: {  	s16 =	simm.s32 $0x100;
	s17 =	simm.s32 $0x200;
	s28 =	simm.s32 $0x7  }
0x6: {  	s29 =	simm.s32 $0x2;
	s30 =	simm.s32 $0x180;
	s31 =	simm.s32 $0x4  }
0x7: {  	s3 =	sand.u32 $0x1, s3;
	[smem:$0x7FF] =	sst s4;
	s6 =	smul.u32 $0x13C00, s11  }
0x8: {  	s8 =	sadd.s32 $0x4200, s0;
	s7 =	sadd.s32 $0x24200, s0;
	s9 =	smul.u32 $0x4F000, s11  }
0x9: {  	s10 =	sshll.u32 s11, $0xC;
	s23 =	sshll.u32 s11, $0x6;
	s5 =	smul.u32 $0x13C000, s3  }
0xa: {  	_ =	strace $0x80000047;
	s18 =	ssub.s32 $0x2, s3;
	[dreg:$0x4] =	wrdreg s7  }
0xb: {  	s3 =	sshll.u32 s3, $0x10;
	s7 =	sor.u32 $0x1C09, s23;
	s23 =	simm.s32 $0x2C00  }
0xc: {  	s19 =	sshrl.u32 s18, $0x1;
	s21 =	sor.u32 s10, s3;
	s22 =	sshrl.u32 s9, $0x2  }
0xd: {  	s3 =	sadd.s32 s3, s8;
	s5 =	sadd.s32 s6, s5;
	s20 =	ssub.s32 s18, s19  }
0xe: {  	s6 =	sadd.s32 s8, s21;
	s14 =	sadd.s32 s22, s2;
	s13 =	sadd.s32 s10, s3  }
0xf: {  	s18 =	simm.s32 $0x300;
	s19 =	simm.s32 $0x5;
	s21 =	simm.s32 $0x400  }
0x10: {  	s22 =	simm.s32 $0x6;
	s3 =	simm.s32 $0x280;
	s8 =	simm.s32 $0x0  }
0x11: {  	s5 =	sshrl.u32 s5, $0x3;
	s24 =	sadd.s32 $0x20, s6;
	s25 =	sadd.s32 $0x40, s6  }
0x12: {  	s26 =	sadd.s32 $0x60, s6;
	s12 =	smax.u32 s20, $0x1;
	[dreg:$0x5] =	wrdreg s24  }
0x13: {  	s14 =	sshrl.u32 s14, $0x3;
	s20 =	simm.s32 $0x50;
	[dreg:$0x6] =	wrdreg s25  }
0x14: {  	s0 =	sadd.s32 s5, s0;
	[dreg:$0x7] =	wrdreg s26;
	s24 =	simm.s32 $0x1  }
0x15: {  	s25 =	simm.s32 $0x80;
	s26 =	simm.s32 $0x3;
	s0 =	sadd.s32 $0x26A00, s0  }
0x16: {  	s5 =	simm.s32 $0x380;
	[dreg:$0x8] =	wrdreg s0;
	s0 =	simm.s32 $0x8  }
.LBB2_1:
0x17: {  	s9 =	rddreg [dreg:$0x4]  }
0x18: {  	[spmem:s14], [sflag:s7] =	dma.local [hbm:s9], $0x2780  }
0x19: {  	_ =	swait.ge [sflag:s15], $0x2780  }
0x1a: {  	[sflag:s15] =	ssyncset.done $0x0  }
0x1b: {  	[sflag:s15] =	ssyncadd.s32 $0xFFFFD880  }
0x1c: {  	[bflag:$0x0] =	sbarrier.arrive $0xFFFF  }
0x1d: {  	[tilespmem:s4], [sflag:$0x5] =	stream.linear.gather [hbm4b:s6+s4], $0x100, $0x38;
	[tilespmem:$0x19000] =	vst v63  }
0x1e: {  	s10 =	rddreg [dreg:$0x5]  }
0x1f: {  	[tilespmem:s16], [sflag:$0x6] =	stream.linear.gather [hbm4b:s10+s4], $0x100, $0x38;
	[tilespmem:$0x19000] =	vst v63  }
0x20: {  	s11 =	rddreg [dreg:$0x6]  }
0x21: {  	[tilespmem:s17], [sflag:$0x7] =	stream.linear.gather [hbm4b:s11+s4], $0x100, $0x38;
	[tilespmem:$0x19000] =	vst v63  }
0x22: {  	s10 =	rddreg [dreg:$0x7]  }
0x23: {  	[tilespmem:s18], [sflag:$0x8] =	stream.linear.gather [hbm4b:s10+s4], $0x100, $0x38;
	[tilespmem:$0x19000] =	vst v63  }
0x24: {  	_ =	swait.ge [sflag:s19], $0x100  }
0x25: {  	[sflag:s19] =	ssyncset.done $0x0  }
0x26: {  	[sflag:s19] =	ssyncadd.s32 $0xFFFFFF00  }
0x27: {  	[tilespmem:s21], [sflag:$0x1] =	stream.indirect.gather [hbm4b:s1+s20], $0x80, s4, s20, $0xb8;
	[tilespmem:$0x19000] =	vst v63  }
0x28: {  	_ =	swait.ge [sflag:s22], $0x100  }
0x29: {  	[sflag:s22] =	ssyncset.done $0x0  }
0x2a: {  	[sflag:s22] =	ssyncadd.s32 $0xFFFFFF00  }
0x2b: {  	[tilespmem:s23], [sflag:$0x2] =	stream.indirect.gather [hbm4b:s1+s20], $0x80, s16, s20, $0xb8;
	[tilespmem:$0x19000] =	vst v63  }
0x2c: {  	_ =	swait.ge [sflag:s24], $0x2800  }
0x2d: {  	[sflag:s24] =	ssyncset.done $0x0  }
0x2e: {  	[sflag:s24] =	ssyncadd.s32 $0xFFFFD800  }
0x2f: {  	[spmem:s2] =	stream.indirect.scatter.add.f32 [tilespmem:s21], [sflag:$0x3], $0x80, s25, s20, $0xb8;
	[tilespmem:$0x19000] =	vst v63  }
0x30: {  	_ =	swait.ge [sflag:s26], $0x2800  }
0x31: {  	s9 =	sadd.s32 $0x0, s13;
	[sflag:s26] =	ssyncset.done $0x0  }
0x32: {  	s10 =	sadd.s32 $0x80, s9;
	[sflag:s26] =	ssyncadd.s32 $0xFFFFD800  }
0x33: {  	[tilespmem:s4], [sflag:$0x5] =	stream.linear.gather [hbm4b:s10+s4], $0x100, $0x38;
	[tilespmem:$0x19000] =	vst v63  }
0x34: {  	_ =	swait.ge [sflag:s28], $0x100  }
0x35: {  	[sflag:s28] =	ssyncset.done $0x0  }
0x36: {  	[sflag:s28] =	ssyncadd.s32 $0xFFFFFF00  }
0x37: {  	[tilespmem:s21], [sflag:$0x1] =	stream.indirect.gather [hbm4b:s1+s20], $0x80, s17, s20, $0xb8;
	[tilespmem:$0x19000] =	vst v63  }
0x38: {  	_ =	swait.ge [sflag:s29], $0x2800  }
0x39: {  	[sflag:s29] =	ssyncset.done $0x0  }
0x3a: {  	[sflag:s29] =	ssyncadd.s32 $0xFFFFD800  }
0x3b: {  	[spmem:s2] =	stream.indirect.scatter.add.f32 [tilespmem:s23], [sflag:$0x4], $0x80, s30, s20, $0xb8;
	[tilespmem:$0x19000] =	vst v63  }
0x3c: {  	_ =	swait.ge [sflag:s31], $0x2800  }
0x3d: {  	[sflag:s31] =	ssyncset.done $0x0  }
0x3e: {  	s11 =	sadd.s32 $0xA0, s9;
	[sflag:s31] =	ssyncadd.s32 $0xFFFFD800  }
0x3f: {  	[tilespmem:s16], [sflag:$0x6] =	stream.linear.gather [hbm4b:s11+s4], $0x100, $0x38;
	[tilespmem:$0x19000] =	vst v63  }
0x40: {  	_ =	swait.ge [sflag:s0], $0x100  }
0x41: {  	[sflag:s0] =	ssyncset.done $0x0  }
0x42: {  	[sflag:s0] =	ssyncadd.s32 $0xFFFFFF00  }
0x43: {  	[tilespmem:s23], [sflag:$0x2] =	stream.indirect.gather [hbm4b:s1+s20], $0x80, s18, s20, $0xb8;
	[tilespmem:$0x19000] =	vst v63  }
0x44: {  	_ =	swait.ge [sflag:s24], $0x2800  }
0x45: {  	[sflag:s24] =	ssyncset.done $0x0  }
0x46: {  	[sflag:s24] =	ssyncadd.s32 $0xFFFFD800  }
0x47: {  	[spmem:s2] =	stream.indirect.scatter.add.f32 [tilespmem:s21], [sflag:$0x3], $0x80, s3, s20, $0xb8;
	[tilespmem:$0x19000] =	vst v63  }
0x48: {  	_ =	swait.ge [sflag:s26], $0x2800  }
0x49: {  	[sflag:s26] =	ssyncset.done $0x0  }
0x4a: {  	s11 =	sadd.s32 $0xC0, s9;
	[sflag:s26] =	ssyncadd.s32 $0xFFFFD800  }
0x4b: {  	[tilespmem:s17], [sflag:$0x7] =	stream.linear.gather [hbm4b:s11+s4], $0x100, $0x38;
	[tilespmem:$0x19000] =	vst v63  }
0x4c: {  	_ =	swait.ge [sflag:s19], $0x100  }
0x4d: {  	[sflag:s19] =	ssyncset.done $0x0  }
0x4e: {  	[sflag:s19] =	ssyncadd.s32 $0xFFFFFF00  }
0x4f: {  	[tilespmem:s21], [sflag:$0x1] =	stream.indirect.gather [hbm4b:s1+s20], $0x80, s4, s20, $0xb8;
	[tilespmem:$0x19000] =	vst v63  }
0x50: {  	_ =	swait.ge [sflag:s29], $0x2800  }
0x51: {  	[sflag:s29] =	ssyncset.done $0x0  }
0x52: {  	[sflag:s29] =	ssyncadd.s32 $0xFFFFD800  }
0x53: {  	[spmem:s2] =	stream.indirect.scatter.add.f32 [tilespmem:s23], [sflag:$0x4], $0x80, s5, s20, $0xb8;
	[tilespmem:$0x19000] =	vst v63  }
0x54: {  	_ =	swait.ge [sflag:s31], $0x2800  }
0x55: {  	[sflag:s31] =	ssyncset.done $0x0  }
0x56: {  	s9 =	sadd.s32 $0xE0, s9;
	[sflag:s31] =	ssyncadd.s32 $0xFFFFD800  }
0x57: {  	[tilespmem:s18], [sflag:$0x8] =	stream.linear.gather [hbm4b:s9+s4], $0x100, $0x38;
	[tilespmem:$0x19000] =	vst v63  }
0x58: {  	_ =	swait.ge [sflag:s22], $0x100  }
0x59: {  	[sflag:s22] =	ssyncset.done $0x0  }
0x5a: {  	s9 =	simm.s32 $0x80;
	[sflag:s22] =	ssyncadd.s32 $0xFFFFFF00  }
.LBB2_2:
0x5b: {  	[tilespmem:s23], [sflag:$0x2] =	stream.indirect.gather [hbm4b:s1+s20], $0x80, s16, s20, $0xb8;
	[tilespmem:$0x19000] =	vst v63  }
0x5c: {  	s10 =	smov.u32 s9  }
0x5d: {  	p0 =	sne.s32 s9, $0xF00;
	s9 =	sadd.s32 $0x80, s9;
	_ =	swait.ge [sflag:s24], $0x2800  }
0x5e: {  	[sflag:s24] =	ssyncset.done $0x0  }
0x5f: {  	[sflag:s24] =	ssyncadd.s32 $0xFFFFD800  }
0x60: {  	[spmem:s2] =	stream.indirect.scatter.add.f32 [tilespmem:s21], [sflag:$0x3], $0x80, s25, s20, $0xb8;
	[tilespmem:$0x19000] =	vst v63  }
0x61: {  	_ =	swait.ge [sflag:s26], $0x2800  }
0x62: {  	s10 =	sadd.s32 s10, s13;
	[sflag:s26] =	ssyncset.done $0x0  }
0x63: {  	s11 =	sadd.s32 $0x80, s10;
	[sflag:s26] =	ssyncadd.s32 $0xFFFFD800  }
0x64: {  	[tilespmem:s4], [sflag:$0x5] =	stream.linear.gather [hbm4b:s11+s4], $0x100, $0x38;
	[tilespmem:$0x19000] =	vst v63  }
0x65: {  	_ =	swait.ge [sflag:s28], $0x100  }
0x66: {  	[sflag:s28] =	ssyncset.done $0x0  }
0x67: {  	[sflag:s28] =	ssyncadd.s32 $0xFFFFFF00  }
0x68: {  	[tilespmem:s21], [sflag:$0x1] =	stream.indirect.gather [hbm4b:s1+s20], $0x80, s17, s20, $0xb8;
	[tilespmem:$0x19000] =	vst v63  }
0x69: {  	_ =	swait.ge [sflag:s29], $0x2800  }
0x6a: {  	[sflag:s29] =	ssyncset.done $0x0  }
0x6b: {  	[sflag:s29] =	ssyncadd.s32 $0xFFFFD800  }
0x6c: {  	[spmem:s2] =	stream.indirect.scatter.add.f32 [tilespmem:s23], [sflag:$0x4], $0x80, s30, s20, $0xb8;
	[tilespmem:$0x19000] =	vst v63  }
0x6d: {  	_ =	swait.ge [sflag:s31], $0x2800  }
0x6e: {  	[sflag:s31] =	ssyncset.done $0x0  }
0x6f: {  	s11 =	sadd.s32 $0xA0, s10;
	[sflag:s31] =	ssyncadd.s32 $0xFFFFD800  }
0x70: {  	[tilespmem:s16], [sflag:$0x6] =	stream.linear.gather [hbm4b:s11+s4], $0x100, $0x38;
	[tilespmem:$0x19000] =	vst v63  }
0x71: {  	_ =	swait.ge [sflag:s0], $0x100  }
0x72: {  	[sflag:s0] =	ssyncset.done $0x0  }
0x73: {  	[sflag:s0] =	ssyncadd.s32 $0xFFFFFF00  }
0x74: {  	[tilespmem:s23], [sflag:$0x2] =	stream.indirect.gather [hbm4b:s1+s20], $0x80, s18, s20, $0xb8;
	[tilespmem:$0x19000] =	vst v63  }
0x75: {  	_ =	swait.ge [sflag:s24], $0x2800  }
0x76: {  	[sflag:s24] =	ssyncset.done $0x0  }
0x77: {  	[sflag:s24] =	ssyncadd.s32 $0xFFFFD800  }
0x78: {  	[spmem:s2] =	stream.indirect.scatter.add.f32 [tilespmem:s21], [sflag:$0x3], $0x80, s3, s20, $0xb8;
	[tilespmem:$0x19000] =	vst v63  }
0x79: {  	_ =	swait.ge [sflag:s26], $0x2800  }
0x7a: {  	[sflag:s26] =	ssyncset.done $0x0  }
0x7b: {  	s11 =	sadd.s32 $0xC0, s10;
	[sflag:s26] =	ssyncadd.s32 $0xFFFFD800  }
0x7c: {  	[tilespmem:s17], [sflag:$0x7] =	stream.linear.gather [hbm4b:s11+s4], $0x100, $0x38;
	[tilespmem:$0x19000] =	vst v63  }
0x7d: {  	_ =	swait.ge [sflag:s19], $0x100  }
0x7e: {  	[sflag:s19] =	ssyncset.done $0x0  }
0x7f: {  	[sflag:s19] =	ssyncadd.s32 $0xFFFFFF00  }
0x80: {  	[tilespmem:s21], [sflag:$0x1] =	stream.indirect.gather [hbm4b:s1+s20], $0x80, s4, s20, $0xb8;
	[tilespmem:$0x19000] =	vst v63  }
0x81: {  	_ =	swait.ge [sflag:s29], $0x2800  }
0x82: {  	[sflag:s29] =	ssyncset.done $0x0  }
0x83: {  	[sflag:s29] =	ssyncadd.s32 $0xFFFFD800  }
0x84: {  	[spmem:s2] =	stream.indirect.scatter.add.f32 [tilespmem:s23], [sflag:$0x4], $0x80, s5, s20, $0xb8;
	[tilespmem:$0x19000] =	vst v63  }
0x85: {  	_ =	swait.ge [sflag:s31], $0x2800  }
0x86: {  	[sflag:s31] =	ssyncset.done $0x0  }
.Ltmp0:
0x87: {  	s10 =	sadd.s32 $0xE0, s10;
	[sflag:s31] =	ssyncadd.s32 $0xFFFFD800;
	(pc) =	sbr.rel @p0 .LBB2_2-.Ltmp0, $4  }
0x88: {  	[tilespmem:s18], [sflag:$0x8] =	stream.linear.gather [hbm4b:s10+s4], $0x100, $0x38;
	[tilespmem:$0x19000] =	vst v63  }
0x89: {  	_ =	swait.ge [sflag:s22], $0x100  }
0x8a: {  	[sflag:s22] =	ssyncset.done $0x0  }
0x8b: {  	[sflag:s22] =	ssyncadd.s32 $0xFFFFFF00  }
0x8c: {  	[tilespmem:s23], [sflag:$0x2] =	stream.indirect.gather [hbm4b:s1+s20], $0x80, s16, s20, $0xb8;
	[tilespmem:$0x19000] =	vst v63  }
0x8d: {  	_ =	swait.ge [sflag:s24], $0x2800  }
0x8e: {  	[sflag:s24] =	ssyncset.done $0x0  }
0x8f: {  	[sflag:s24] =	ssyncadd.s32 $0xFFFFD800  }
0x90: {  	[spmem:s2] =	stream.indirect.scatter.add.f32 [tilespmem:s21], [sflag:$0x3], $0x80, s25, s20, $0xb8;
	[tilespmem:$0x19000] =	vst v63  }
0x91: {  	_ =	swait.ge [sflag:s26], $0x2800  }
0x92: {  	[sflag:s26] =	ssyncset.done $0x0  }
0x93: {  	[sflag:s26] =	ssyncadd.s32 $0xFFFFD800  }
0x94: {  	_ =	swait.ge [sflag:s28], $0x100  }
0x95: {  	[sflag:s28] =	ssyncset.done $0x0  }
0x96: {  	[sflag:s28] =	ssyncadd.s32 $0xFFFFFF00  }
0x97: {  	[tilespmem:s21], [sflag:$0x1] =	stream.indirect.gather [hbm4b:s1+s20], $0x80, s17, s20, $0xb8;
	[tilespmem:$0x19000] =	vst v63  }
0x98: {  	_ =	swait.ge [sflag:s29], $0x2800  }
0x99: {  	[sflag:s29] =	ssyncset.done $0x0  }
0x9a: {  	[sflag:s29] =	ssyncadd.s32 $0xFFFFD800  }
0x9b: {  	[spmem:s2] =	stream.indirect.scatter.add.f32 [tilespmem:s23], [sflag:$0x4], $0x80, s30, s20, $0xb8;
	[tilespmem:$0x19000] =	vst v63  }
0x9c: {  	_ =	swait.ge [sflag:s31], $0x2800  }
0x9d: {  	[sflag:s31] =	ssyncset.done $0x0  }
0x9e: {  	[sflag:s31] =	ssyncadd.s32 $0xFFFFD800  }
0x9f: {  	_ =	swait.ge [sflag:s0], $0x100  }
0xa0: {  	[sflag:s0] =	ssyncset.done $0x0  }
0xa1: {  	[sflag:s0] =	ssyncadd.s32 $0xFFFFFF00  }
0xa2: {  	[tilespmem:s23], [sflag:$0x2] =	stream.indirect.gather [hbm4b:s1+s20], $0x80, s18, s20, $0xb8;
	[tilespmem:$0x19000] =	vst v63  }
0xa3: {  	_ =	swait.ge [sflag:s24], $0x2800  }
0xa4: {  	[sflag:s24] =	ssyncset.done $0x0  }
0xa5: {  	[sflag:s24] =	ssyncadd.s32 $0xFFFFD800  }
0xa6: {  	[spmem:s2] =	stream.indirect.scatter.add.f32 [tilespmem:s21], [sflag:$0x3], $0x80, s3, s20, $0xb8;
	[tilespmem:$0x19000] =	vst v63  }
0xa7: {  	_ =	swait.ge [sflag:s26], $0x2800  }
0xa8: {  	[sflag:s26] =	ssyncset.done $0x0  }
0xa9: {  	[sflag:s26] =	ssyncadd.s32 $0xFFFFD800  }
0xaa: {  	_ =	swait.ge [sflag:s29], $0x2800  }
0xab: {  	[sflag:s29] =	ssyncset.done $0x0  }
0xac: {  	[sflag:s29] =	ssyncadd.s32 $0xFFFFD800  }
0xad: {  	[spmem:s2] =	stream.indirect.scatter.add.f32 [tilespmem:s23], [sflag:$0x4], $0x80, s5, s20, $0xb8;
	[tilespmem:$0x19000] =	vst v63  }
0xae: {  	_ =	swait.ge [sflag:s31], $0x2800  }
0xaf: {  	[sflag:s31] =	ssyncset.done $0x0  }
0xb0: {  	s8 =	sadd.s32 $0x1, s8;
	[sflag:s31] =	ssyncadd.s32 $0xFFFFD800  }
0xb1: {  	p0 =	sne.s32 s8, s12;
	[bflag:$0x0] =	sbarrier.arrive $0xFFFF  }
.Ltmp1:
0xb2: {  	s9 =	rddreg [dreg:$0x8];
	(pc) =	sbr.rel @p0 .LBB2_1-.Ltmp1, $4  }
0xb3: {  	[hbm:s9], [sflag:s7] =	dma.local [spmem:s14], $0x2780  }
0xb4: {  	_ =	swait.ge [sflag:s15], $0x2780  }
0xb5: {  	[sflag:s15] =	ssyncset.done $0x0  }
0xb6: {  	[sflag:s15] =	ssyncadd.s32 $0xFFFFD880  }
0xb7: {  	_ =	sfence.sel $0x180000  }
0xb8: {  	[bflag:$0x0] =	sbarrier.arrive $0xFFFF  }
0xb9: {  	_ =	strace $0x90000047  }
0xba: {  	s0 =	stileid.u32;
	[bflag:$0x2] =	sbarrier.arrive $0xFFFF  }
0xbb: {  	p0 =	sne.s32 s0, $0x0;
	s0 =	rddreg [dreg:$0x3]  }
0xbc: {  	s0 =	sadd.s32 @!p0 $0x100000, s0  }
0xbd: {  	[sflag:s0] =	ssyncadd.tile.s32 @!p0 $0x1;
	_ =	shalt  }
.Lfunc_end2:
_tile_overlayer_lowered:
.L_overlay_start_2:
0xbe: {  	(tag) =	ssettag $0x2  }
0xbf: {  	s0 =	rddreg [dreg:$0x0];
	s2 =	stileid.u32  }
0xc0: {  	s1 =	rddreg [dreg:$0x1];
	p0 =	sne.s32 s2, $0x0  }
0xc1: {  	s3 =	rddreg [dreg:$0x2];
	[bflag:$0x3] =	sbarrier.arrive $0xFFFF;
	s2 =	simm.s32 @!p0 $0x1C09  }
0xc2: {  	[timem:s3], [sflag:s2] =	dma.local @!p0 [hbm:s0], s1  }
0xc3: {  	s0 =	simm.s32 @!p0 $0x9  }
0xc4: {  	_ =	swait.ge @!p0 [sflag:s0], s1  }
0xc5: {  	s1 =	ssub.s32 @!p0 $0x0, s1;
	[sflag:s0] =	ssyncset.done @!p0 $0x0  }
0xc6: {  	[sflag:s0] =	ssyncadd.s32 @!p0 s1  }
0xc7: {  	[bflag:$0x3] =	sbarrier.arrive $0xFFFF  }
0xc8: {  	_ =	shalt  }

// kernel: kernel.15.cloned.1.call-start
scs
__scs_entry_jumppad:
0x0: {  	(pc) =	sbr.rel $0x88, $3  }
0x1: {  	(tag) =	ssettag $0x0;
	lr =	simm.s32 $0x1  }
0x2: {  	[smem:$0x3F8E] =	sst lr;
	_ =	strace $0xD0000000  }
0x3: {  	_ = 	snop  }
0x4: {  	_ = 	snop  }
0x5: {  	_ = 	snop  }
0x6: {  	_ = 	snop  }
0x7: {  	_ = 	snop  }
__scs_overlays_trampoline_lowered:
0x8: {  	[smem:$0x3F9D] =	sst s0  }
0x9: {  	[smem:$0x3F9E] =	sst s1  }
0xa: {  	[smem:$0x3F9F] =	sst s2  }
0xb: {  	[smem:$0x3FA0] =	sst s3  }
0xc: {  	[smem:$0x3FA1] =	sst s4  }
0xd: {  	[smem:$0x3FA2] =	sst s5  }
0xe: {  	[smem:$0x3FA3] =	sst s6  }
0xf: {  	[smem:$0x3FA4] =	sst s7  }
0x10: {  	[smem:$0x3FA5] =	sst s8  }
0x11: {  	[smem:$0x3FA6] =	sst s9;
	s0 =	simm.s32 @!p0 $0x0  }
0x12: {  	s1 =	sld [smem:$0x3F8C];
	s0 =	simm.s32 @p0 $0x1  }
0x13: {  	[smem:$0x3FA7] =	sst s0;
	s0 =	simm.s32 @!p1 $0x0  }
0x14: {  	s2 =	sld [smem:$0x3F8B];
	s0 =	simm.s32 @p1 $0x1  }
0x15: {  	[smem:$0x3FA8] =	sst s0;
	s0 =	simm.s32 @!p2 $0x0  }
0x16: {  	s3 =	sld [smem:$0x3FDB];
	s0 =	simm.s32 @p2 $0x1  }
0x17: {  	s4 =	simm.s32 $0x1BF5;
	[smem:$0x3FAA] =	sst s0  }
0x18: {  	s0 =	sld [smem:$0x3F8D];
	_ =	swait.ge [sflag:s4], $0x0  }
0x19: {  	s7 =	sld [smem:$0x3F8E]  }
0x1a: {  	s8 =	sadd.s32 $0xFFFFE003, lr  }
0x1b: {  	s9 =	sadd.s32 $0xFFFFFEF7, lr;
	s5 =	simm.s32 $0xFFFFFFFF;
	p2 =	slt.u32 s8, $0xFFFFF086  }
0x1c: {  	p1 =	slt.u32 s9, $0xF7A;
	s5 =	simm.s32 @!p2 $0x0  }
0x1d: {  	s5 =	simm.s32 @p1 $0x1;
	p0 =	seq.s32 s7, s2  }
0x1e: {  	s7 =	smul.u32 @!p0 $0xF7A, s2;
	p2 =	seq.s32 @!p0 s5, $0x0  }
0x1f: {  	s9 =	smul.u32 $0xF7A, s1;
	s8 =	simm.s32 @!p0 $0x1BF5;
	p2 =	por !p2, p0  }
0x20: {  	[sflag:s8] =	ssyncset.s32 @!p0 $0xFFFFF086;
	s6 =	sadd.s32 @!p0 s3, s7;
	s7 =	simm.s32 @!p0 $0x108  }
0x21: {  	s3 =	sadd.s32 s3, s9;
	s6 =	sadd.s32 @!p0 $0x88, s6;
	s7 =	simm.s32 @p2 $0x1082  }
0x22: {  	[simem:s7], [sflag:s8] =	dma.local @!p0 [hbm:s6], $0xF7A  }
0x23: {  	s9 =	sor.u32 $0xD0000000, s2;
	s6 =	simm.s32 $0x108;
	_ =	swait.ge @!p0 [sflag:s8], $0x0  }
0x24: {  	s3 =	sadd.s32 $0x88, s3;
	s6 =	simm.s32 @!p1 $0x1082;
	[sflag:s4] =	ssyncset.s32 $0xFFFFF086  }
0x25: {  	[simem:s6], [sflag:s4] =	dma.local [hbm:s3], $0xF7A  }
0x26: {  	[smem:$0x3F8E] =	sst s1;
	(tag) =	ssettag s2;
	_ =	strace s9  }
0x27: {  	s1 =	sld [smem:$0x3F9E]  }
0x28: {  	s2 =	sld [smem:$0x3F9F]  }
0x29: {  	s4 =	sld [smem:$0x3FA1]  }
0x2a: {  	p0 =	seq.s32 s5, $0x0;
	s5 =	sld [smem:$0x3FA2]  }
0x2b: {  	s6 =	sld [smem:$0x3FA3]  }
0x2c: {  	s7 =	sld [smem:$0x3FA4]  }
0x2d: {  	s3 =	simm.s32 $0x108;
	s8 =	sld [smem:$0x3FA5]  }
0x2e: {  	s3 =	simm.s32 @!p0 $0x1082;
	s9 =	sld [smem:$0x3FA6]  }
0x2f: {  	lr =	sadd.s32 s0, s3;
	s0 =	sld [smem:$0x3F9D]  }
0x30: {  	s3 =	sld [smem:$0x3FA0]  }
0x31: {  	[smem:$0x3FA9] =	sst s10  }
0x32: {  	s10 =	sld [smem:$0x3FA7];
	_ =	sdelay $0x3  }
0x33: {  	p0 =	seq.s32 s10, $0x1;
	s10 =	sld [smem:$0x3FA9];
	_ =	sdelay $0x3  }
0x34: {  	[smem:$0x3FA9] =	sst s10  }
0x35: {  	s10 =	sld [smem:$0x3FA8];
	_ =	sdelay $0x3  }
0x36: {  	p1 =	seq.s32 s10, $0x1;
	s10 =	sld [smem:$0x3FA9];
	_ =	sdelay $0x3  }
0x37: {  	[smem:$0x3FA9] =	sst s10  }
0x38: {  	s10 =	sld [smem:$0x3FAA]  }
0x39: {  	_ = 	snop;
	(pc) =	sbr.ind lr, $3  }
0x3a: {  	_ = 	snop  }
0x3b: {  	_ = 	snop  }
0x3c: {  	p2 =	seq.s32 s10, $0x1;
	s10 =	sld [smem:$0x3FA9]  }
0x3d: {  	_ =	shalt  }
0x3e: {  	_ =	shalt  }
0x3f: {  	_ =	shalt  }
0x40: {  	_ =	shalt  }
0x41: {  	_ =	shalt  }
0x42: {  	_ =	shalt  }
0x43: {  	_ =	shalt  }
0x44: {  	_ =	shalt  }
0x45: {  	_ =	shalt  }
0x46: {  	_ =	shalt  }
0x47: {  	_ =	shalt  }
0x48: {  	_ =	shalt  }
0x49: {  	_ =	shalt  }
0x4a: {  	_ =	shalt  }
0x4b: {  	_ =	shalt  }
0x4c: {  	_ =	shalt  }
0x4d: {  	_ =	shalt  }
0x4e: {  	_ =	shalt  }
0x4f: {  	_ =	shalt  }
0x50: {  	_ =	shalt  }
0x51: {  	_ =	shalt  }
0x52: {  	_ =	shalt  }
0x53: {  	_ =	shalt  }
0x54: {  	_ =	shalt  }
0x55: {  	_ =	shalt  }
0x56: {  	_ =	shalt  }
0x57: {  	_ =	shalt  }
0x58: {  	_ =	shalt  }
0x59: {  	_ =	shalt  }
0x5a: {  	_ =	shalt  }
0x5b: {  	_ =	shalt  }
0x5c: {  	_ =	shalt  }
0x5d: {  	_ =	shalt  }
0x5e: {  	_ =	shalt  }
0x5f: {  	_ =	shalt  }
0x60: {  	_ =	shalt  }
0x61: {  	_ =	shalt  }
0x62: {  	_ =	shalt  }
0x63: {  	_ =	shalt  }
0x64: {  	_ =	shalt  }
0x65: {  	_ =	shalt  }
0x66: {  	_ =	shalt  }
0x67: {  	_ =	shalt  }
0x68: {  	_ =	shalt  }
0x69: {  	_ =	shalt  }
0x6a: {  	_ =	shalt  }
0x6b: {  	_ =	shalt  }
0x6c: {  	_ =	shalt  }
0x6d: {  	_ =	shalt  }
0x6e: {  	_ =	shalt  }
0x6f: {  	_ =	shalt  }
0x70: {  	_ =	shalt  }
0x71: {  	_ =	shalt  }
0x72: {  	_ =	shalt  }
0x73: {  	_ =	shalt  }
0x74: {  	_ =	shalt  }
0x75: {  	_ =	shalt  }
0x76: {  	_ =	shalt  }
0x77: {  	_ =	shalt  }
0x78: {  	_ =	shalt  }
0x79: {  	_ =	shalt  }
0x7a: {  	_ =	shalt  }
0x7b: {  	_ =	shalt  }
0x7c: {  	_ =	shalt  }
0x7d: {  	_ =	shalt  }
0x7e: {  	_ =	shalt  }
0x7f: {  	_ =	shalt  }
0x80: {  	_ =	shalt  }
0x81: {  	_ =	shalt  }
0x82: {  	_ =	shalt  }
0x83: {  	_ =	shalt  }
0x84: {  	_ =	shalt  }
0x85: {  	_ =	shalt  }
0x86: {  	_ =	shalt  }
0x87: {  	_ =	shalt  }
.Lfunc_end0:
.L_simem_size_0:
called_computation.2_lowered:
.L_overlay_start_0:
0x88: {  	s2 =	sld [smem:$0x3FD9]  }
0x89: {  	s3 =	sld [smem:$0x3FFE];
	_ =	sdelay $0x1  }
0x8a: {  	s1 =	srdreg.scid  }
0x8b: {  	s0 =	sand.u32 $0x1, s1  }
0x8c: {  	s16 =	sshll.u32 s0, $0xA;
	s2 =	sadd.s32 s3, s2  }
0x8d: {  	s2 =	sadd.s32 s2, s16  }
0x8e: {  	[smem:$0x3FB5] =	sst s2  }
0x8f: {  	_ = 	snop  }
0x90: {  	(tm) =	ssettm $0x1  }
0x91: {  	s17 =	sld [smem:$0x3FFB];
	_ =	sdelay $0x3  }
0x92: {  	_ =	strace s17  }
0x93: {  	s2 =	sld [smem:$0x3FFC];
	_ =	sdelay $0x3  }
0x94: {  	_ =	strace s2  }
0x95: {  	s2 =	sld [smem:$0x3FFD];
	_ =	sdelay $0x3  }
0x96: {  	_ =	strace s2  }
0x97: {  	_ =	strace $0x8FFFFFFF  }
0x98: {  	s18 =	sld [smem:$0x3FDB];
	_ =	sdelay $0x1  }
0x99: {  	s19 =	simm.s32 $_scs_section_size  }
0x9a: {  	s4 =	simm.s32 $_size__tile_overlayer_lowered;
	s5 =	simm.s32 $_tile_overlayer_lowered  }
0x9b: {  	s22 =	simm.s32 $0x1BFF;
	s21 =	sshll.u32 s5, $0x1;
	s2 =	sadd.s32 s19, s18  }
0x9c: {  	s6 =	simm.s32 $0x0;
	s20 =	sshll.u32 s4, $0x1;
	s4 =	sadd.s32 s21, s2  }
0x9d: {  	[timem:s6], [sflag:s22] =	dma.local [hbm:s4], s20  }
0x9e: {  	_ =	swait.ge [sflag:s22], s20  }
0x9f: {  	s3 =	ssub.s32 $0x0, s20;
	[sflag:s22] =	ssyncset.done $0x0  }
0xa0: {  	[sflag:s22] =	ssyncadd.s32 s3;
	_ =	sdelay $0x1  }
0xa1: {  	s23 =	simm.s32 $0x1B8B  }
0xa2: {  	_ =	swait.ge [sflag:s23], $0x1  }
0xa3: {  	[sflag:s23] =	ssyncset.done $0x0  }
0xa4: {  	s25 =	simm.s32 $0x1B8E;
	s24 =	sld [smem:$0x3FFE];
	[sflag:s23] =	ssyncadd.s32 $0xFFFFFFFF  }
0xa5: {  	s26 =	simm.s32 $execute0_lowered;
	[smem:$0x3FD2] =	sst s25  }
0xa6: {  	s4 =	sshll.u32 s26, $0x1;
	_ =	strace $0x8000004C;
	[dreg:$0x1] =	wrdreg $0xFFFFFFFF  }
0xa7: {  	s28 =	simm.s32 $_size_execute0_lowered;
	s2 =	sadd.s32 s2, s4;
	[dreg:$0x0] =	wrdreg $0x0  }
0xa8: {  	s4 =	sshll.u32 s28, $0x1;
	[dreg:$0x2] =	wrdreg s2  }
0xa9: {  	[dreg:$0x3] =	wrdreg s4  }
0xaa: {  	[dreg:$0x4] =	wrdreg $0xC0  }
0xab: {  	_ =	task [dreg:s6], $0x5FFFF  }
0xac: {  	[dreg:$0x1] =	wrdreg $0xFFFFFFFF  }
0xad: {  	[dreg:$0x0] =	wrdreg $0x60  }
0xae: {  	[dreg:$0x2] =	wrdreg s24  }
0xaf: {  	[dreg:$0x3] =	wrdreg $0x54000  }
0xb0: {  	[dreg:$0x4] =	wrdreg $0x9  }
0xb1: {  	_ =	task.clear_ibuf [dreg:s6], $0x5FFFF;
	_ =	strace $0x9000004C  }
0xb2: {  	s29 =	simm.s32 $0x9;
	_ =	strace $0x8000004E  }
0xb3: {  	_ =	swait.ge [sflag:s29], $0x1  }
0xb4: {  	[sflag:s29] =	ssyncadd.s32 $0xFFFFFFFF  }
0xb5: {  	_ =	strace $0x9000004E  }
0xb6: {  	_ =	sfence  }
0xb7: {  	s30 =	sld [smem:$0x0];
	_ =	sdelay $0x2  }
0xb8: {  	s31 =	sshll.u32 s1, $0xD;
	s1 =	sshrl.u32 s1, $0x2  }
0xb9: {  	s3 =	sand.u32 $0x4000, s31;
	s1 =	sadd.s32 s1, s30  }
0xba: {  	s0 =	sor.u32 s3, s0;
	s1 =	sshll.u32 s1, $0x11  }
0xbb: {  	s0 =	sor.u32 s1, s0  }
0xbc: {  	s0 =	sadd.s32 $0x8F2B, s0  }
0xbd: {  	[sflag:s0] =	ssyncadd.remote.s32 $0x1  }
0xbe: {  	_ =	sfence.sel $0xFFFF  }
0xbf: {  	[dreg:$0x0] =	wrdreg $0xFFFFFFFF;
	(pc) =	sbr.abs _section_cstart, $3  }
0xc0: {  	[dreg:$0x1] =	wrdreg $0xFFFFFFFF  }
0xc1: {  	_ =	task.clear_ibuf [dreg:s6], $0x2FFFF;
	_ =	strace $0x9FFFFFFF  }
0xc2: {  	(tm) =	ssettm $0x7FFFFFFF  }
0xc3: {  	_ =	shalt  }
tec
execute0_lowered:
.L_overlay_start_1:
0x0: {  	(tag) =	ssettag $0x1  }
0x1: {  	s0 =	rddreg [dreg:$0x0]  }
0x2: {  	s1 =	rddreg [dreg:$0x1];
	s2 =	srdreg.scid;
	s3 =	simm.s32 $0x0  }
0x3: {  	s11 =	stileid.u32;
	s15 =	simm.s32 $0x9;
	s16 =	simm.s32 $0x100  }
0x4: {  	s17 =	simm.s32 $0x200;
	s28 =	simm.s32 $0x7;
	s29 =	simm.s32 $0x2  }
0x5: {  	s30 =	simm.s32 $0x180;
	s31 =	simm.s32 $0x4;
	s2 =	sand.u32 $0x1, s2  }
0x6: {  	[smem:$0x7FF] =	sst s3;
	s6 =	smul.u32 $0x13C00, s11;
	s4 =	sadd.s32 $0x26A00, s0  }
0x7: {  	s8 =	sadd.s32 $0x4200, s0;
	s7 =	sadd.s32 $0x24200, s0;
	s9 =	smul.u32 $0x4F000, s11  }
0x8: {  	s10 =	sshll.u32 s11, $0xC;
	s23 =	sshll.u32 s11, $0x6;
	s5 =	smul.u32 $0x13C000, s2  }
0x9: {  	_ =	strace $0x8000004D;
	s18 =	ssub.s32 $0x2, s2;
	[dreg:$0x3] =	wrdreg s7  }
0xa: {  	s2 =	sshll.u32 s2, $0x10;
	s7 =	sor.u32 $0x1C09, s23;
	s23 =	simm.s32 $0x2C00  }
0xb: {  	s19 =	sshrl.u32 s18, $0x1;
	s21 =	sor.u32 s10, s2;
	s22 =	sshrl.u32 s9, $0x2  }
0xc: {  	s2 =	sadd.s32 s2, s8;
	s5 =	sadd.s32 s6, s5;
	s20 =	ssub.s32 s18, s19  }
0xd: {  	s6 =	sadd.s32 s8, s21;
	s14 =	sadd.s32 s22, s1;
	s13 =	sadd.s32 s10, s2  }
0xe: {  	s18 =	simm.s32 $0x300;
	s19 =	simm.s32 $0x5;
	s21 =	simm.s32 $0x400  }
0xf: {  	s22 =	simm.s32 $0x6;
	s2 =	simm.s32 $0x280;
	s8 =	simm.s32 $0x0  }
0x10: {  	s5 =	sshrl.u32 s5, $0x3;
	s24 =	sadd.s32 $0x20, s6;
	s25 =	sadd.s32 $0x40, s6  }
0x11: {  	s26 =	sadd.s32 $0x60, s6;
	s12 =	smax.u32 s20, $0x1;
	[dreg:$0x4] =	wrdreg s24  }
0x12: {  	s14 =	sshrl.u32 s14, $0x3;
	s20 =	simm.s32 $0x50;
	[dreg:$0x5] =	wrdreg s25  }
0x13: {  	s0 =	sadd.s32 s5, s0;
	[dreg:$0x6] =	wrdreg s26;
	s24 =	simm.s32 $0x1  }
0x14: {  	s25 =	simm.s32 $0x80;
	s26 =	simm.s32 $0x3;
	s0 =	sadd.s32 $0xC5000, s0  }
0x15: {  	s5 =	simm.s32 $0x380;
	[dreg:$0x7] =	wrdreg s0;
	s0 =	simm.s32 $0x8  }
.LBB2_1:
0x16: {  	s9 =	rddreg [dreg:$0x3]  }
0x17: {  	[spmem:s14], [sflag:s7] =	dma.local [hbm:s9], $0x2780  }
0x18: {  	_ =	swait.ge [sflag:s15], $0x2780  }
0x19: {  	[sflag:s15] =	ssyncset.done $0x0  }
0x1a: {  	[sflag:s15] =	ssyncadd.s32 $0xFFFFD880  }
0x1b: {  	[bflag:$0x0] =	sbarrier.arrive $0xFFFF  }
0x1c: {  	[tilespmem:s3], [sflag:$0x5] =	stream.linear.gather [hbm4b:s6+s3], $0x100, $0x38;
	[tilespmem:$0x19000] =	vst v63  }
0x1d: {  	s10 =	rddreg [dreg:$0x4]  }
0x1e: {  	[tilespmem:s16], [sflag:$0x6] =	stream.linear.gather [hbm4b:s10+s3], $0x100, $0x38;
	[tilespmem:$0x19000] =	vst v63  }
0x1f: {  	s11 =	rddreg [dreg:$0x5]  }
0x20: {  	[tilespmem:s17], [sflag:$0x7] =	stream.linear.gather [hbm4b:s11+s3], $0x100, $0x38;
	[tilespmem:$0x19000] =	vst v63  }
0x21: {  	s10 =	rddreg [dreg:$0x6]  }
0x22: {  	[tilespmem:s18], [sflag:$0x8] =	stream.linear.gather [hbm4b:s10+s3], $0x100, $0x38;
	[tilespmem:$0x19000] =	vst v63  }
0x23: {  	_ =	swait.ge [sflag:s19], $0x100  }
0x24: {  	[sflag:s19] =	ssyncset.done $0x0  }
0x25: {  	[sflag:s19] =	ssyncadd.s32 $0xFFFFFF00  }
0x26: {  	[tilespmem:s21], [sflag:$0x1] =	stream.indirect.gather [hbm4b:s4+s20], $0x80, s3, s20, $0xb8;
	[tilespmem:$0x19000] =	vst v63  }
0x27: {  	_ =	swait.ge [sflag:s22], $0x100  }
0x28: {  	[sflag:s22] =	ssyncset.done $0x0  }
0x29: {  	[sflag:s22] =	ssyncadd.s32 $0xFFFFFF00  }
0x2a: {  	[tilespmem:s23], [sflag:$0x2] =	stream.indirect.gather [hbm4b:s4+s20], $0x80, s16, s20, $0xb8;
	[tilespmem:$0x19000] =	vst v63  }
0x2b: {  	_ =	swait.ge [sflag:s24], $0x2800  }
0x2c: {  	[sflag:s24] =	ssyncset.done $0x0  }
0x2d: {  	[sflag:s24] =	ssyncadd.s32 $0xFFFFD800  }
0x2e: {  	[spmem:s1] =	stream.indirect.scatter.add.f32 [tilespmem:s21], [sflag:$0x3], $0x80, s25, s20, $0xb8;
	[tilespmem:$0x19000] =	vst v63  }
0x2f: {  	_ =	swait.ge [sflag:s26], $0x2800  }
0x30: {  	s9 =	sadd.s32 $0x0, s13;
	[sflag:s26] =	ssyncset.done $0x0  }
0x31: {  	s10 =	sadd.s32 $0x80, s9;
	[sflag:s26] =	ssyncadd.s32 $0xFFFFD800  }
0x32: {  	[tilespmem:s3], [sflag:$0x5] =	stream.linear.gather [hbm4b:s10+s3], $0x100, $0x38;
	[tilespmem:$0x19000] =	vst v63  }
0x33: {  	_ =	swait.ge [sflag:s28], $0x100  }
0x34: {  	[sflag:s28] =	ssyncset.done $0x0  }
0x35: {  	[sflag:s28] =	ssyncadd.s32 $0xFFFFFF00  }
0x36: {  	[tilespmem:s21], [sflag:$0x1] =	stream.indirect.gather [hbm4b:s4+s20], $0x80, s17, s20, $0xb8;
	[tilespmem:$0x19000] =	vst v63  }
0x37: {  	_ =	swait.ge [sflag:s29], $0x2800  }
0x38: {  	[sflag:s29] =	ssyncset.done $0x0  }
0x39: {  	[sflag:s29] =	ssyncadd.s32 $0xFFFFD800  }
0x3a: {  	[spmem:s1] =	stream.indirect.scatter.add.f32 [tilespmem:s23], [sflag:$0x4], $0x80, s30, s20, $0xb8;
	[tilespmem:$0x19000] =	vst v63  }
0x3b: {  	_ =	swait.ge [sflag:s31], $0x2800  }
0x3c: {  	[sflag:s31] =	ssyncset.done $0x0  }
0x3d: {  	s11 =	sadd.s32 $0xA0, s9;
	[sflag:s31] =	ssyncadd.s32 $0xFFFFD800  }
0x3e: {  	[tilespmem:s16], [sflag:$0x6] =	stream.linear.gather [hbm4b:s11+s3], $0x100, $0x38;
	[tilespmem:$0x19000] =	vst v63  }
0x3f: {  	_ =	swait.ge [sflag:s0], $0x100  }
0x40: {  	[sflag:s0] =	ssyncset.done $0x0  }
0x41: {  	[sflag:s0] =	ssyncadd.s32 $0xFFFFFF00  }
0x42: {  	[tilespmem:s23], [sflag:$0x2] =	stream.indirect.gather [hbm4b:s4+s20], $0x80, s18, s20, $0xb8;
	[tilespmem:$0x19000] =	vst v63  }
0x43: {  	_ =	swait.ge [sflag:s24], $0x2800  }
0x44: {  	[sflag:s24] =	ssyncset.done $0x0  }
0x45: {  	[sflag:s24] =	ssyncadd.s32 $0xFFFFD800  }
0x46: {  	[spmem:s1] =	stream.indirect.scatter.add.f32 [tilespmem:s21], [sflag:$0x3], $0x80, s2, s20, $0xb8;
	[tilespmem:$0x19000] =	vst v63  }
0x47: {  	_ =	swait.ge [sflag:s26], $0x2800  }
0x48: {  	[sflag:s26] =	ssyncset.done $0x0  }
0x49: {  	s11 =	sadd.s32 $0xC0, s9;
	[sflag:s26] =	ssyncadd.s32 $0xFFFFD800  }
0x4a: {  	[tilespmem:s17], [sflag:$0x7] =	stream.linear.gather [hbm4b:s11+s3], $0x100, $0x38;
	[tilespmem:$0x19000] =	vst v63  }
0x4b: {  	_ =	swait.ge [sflag:s19], $0x100  }
0x4c: {  	[sflag:s19] =	ssyncset.done $0x0  }
0x4d: {  	[sflag:s19] =	ssyncadd.s32 $0xFFFFFF00  }
0x4e: {  	[tilespmem:s21], [sflag:$0x1] =	stream.indirect.gather [hbm4b:s4+s20], $0x80, s3, s20, $0xb8;
	[tilespmem:$0x19000] =	vst v63  }
0x4f: {  	_ =	swait.ge [sflag:s29], $0x2800  }
0x50: {  	[sflag:s29] =	ssyncset.done $0x0  }
0x51: {  	[sflag:s29] =	ssyncadd.s32 $0xFFFFD800  }
0x52: {  	[spmem:s1] =	stream.indirect.scatter.add.f32 [tilespmem:s23], [sflag:$0x4], $0x80, s5, s20, $0xb8;
	[tilespmem:$0x19000] =	vst v63  }
0x53: {  	_ =	swait.ge [sflag:s31], $0x2800  }
0x54: {  	[sflag:s31] =	ssyncset.done $0x0  }
0x55: {  	s9 =	sadd.s32 $0xE0, s9;
	[sflag:s31] =	ssyncadd.s32 $0xFFFFD800  }
0x56: {  	[tilespmem:s18], [sflag:$0x8] =	stream.linear.gather [hbm4b:s9+s3], $0x100, $0x38;
	[tilespmem:$0x19000] =	vst v63  }
0x57: {  	_ =	swait.ge [sflag:s22], $0x100  }
0x58: {  	[sflag:s22] =	ssyncset.done $0x0  }
0x59: {  	s9 =	simm.s32 $0x80;
	[sflag:s22] =	ssyncadd.s32 $0xFFFFFF00  }
.LBB2_2:
0x5a: {  	[tilespmem:s23], [sflag:$0x2] =	stream.indirect.gather [hbm4b:s4+s20], $0x80, s16, s20, $0xb8;
	[tilespmem:$0x19000] =	vst v63  }
0x5b: {  	s10 =	smov.u32 s9  }
0x5c: {  	p0 =	sne.s32 s9, $0xF00;
	s9 =	sadd.s32 $0x80, s9;
	_ =	swait.ge [sflag:s24], $0x2800  }
0x5d: {  	[sflag:s24] =	ssyncset.done $0x0  }
0x5e: {  	[sflag:s24] =	ssyncadd.s32 $0xFFFFD800  }
0x5f: {  	[spmem:s1] =	stream.indirect.scatter.add.f32 [tilespmem:s21], [sflag:$0x3], $0x80, s25, s20, $0xb8;
	[tilespmem:$0x19000] =	vst v63  }
0x60: {  	_ =	swait.ge [sflag:s26], $0x2800  }
0x61: {  	s10 =	sadd.s32 s10, s13;
	[sflag:s26] =	ssyncset.done $0x0  }
0x62: {  	s11 =	sadd.s32 $0x80, s10;
	[sflag:s26] =	ssyncadd.s32 $0xFFFFD800  }
0x63: {  	[tilespmem:s3], [sflag:$0x5] =	stream.linear.gather [hbm4b:s11+s3], $0x100, $0x38;
	[tilespmem:$0x19000] =	vst v63  }
0x64: {  	_ =	swait.ge [sflag:s28], $0x100  }
0x65: {  	[sflag:s28] =	ssyncset.done $0x0  }
0x66: {  	[sflag:s28] =	ssyncadd.s32 $0xFFFFFF00  }
0x67: {  	[tilespmem:s21], [sflag:$0x1] =	stream.indirect.gather [hbm4b:s4+s20], $0x80, s17, s20, $0xb8;
	[tilespmem:$0x19000] =	vst v63  }
0x68: {  	_ =	swait.ge [sflag:s29], $0x2800  }
0x69: {  	[sflag:s29] =	ssyncset.done $0x0  }
0x6a: {  	[sflag:s29] =	ssyncadd.s32 $0xFFFFD800  }
0x6b: {  	[spmem:s1] =	stream.indirect.scatter.add.f32 [tilespmem:s23], [sflag:$0x4], $0x80, s30, s20, $0xb8;
	[tilespmem:$0x19000] =	vst v63  }
0x6c: {  	_ =	swait.ge [sflag:s31], $0x2800  }
0x6d: {  	[sflag:s31] =	ssyncset.done $0x0  }
0x6e: {  	s11 =	sadd.s32 $0xA0, s10;
	[sflag:s31] =	ssyncadd.s32 $0xFFFFD800  }
0x6f: {  	[tilespmem:s16], [sflag:$0x6] =	stream.linear.gather [hbm4b:s11+s3], $0x100, $0x38;
	[tilespmem:$0x19000] =	vst v63  }
0x70: {  	_ =	swait.ge [sflag:s0], $0x100  }
0x71: {  	[sflag:s0] =	ssyncset.done $0x0  }
0x72: {  	[sflag:s0] =	ssyncadd.s32 $0xFFFFFF00  }
0x73: {  	[tilespmem:s23], [sflag:$0x2] =	stream.indirect.gather [hbm4b:s4+s20], $0x80, s18, s20, $0xb8;
	[tilespmem:$0x19000] =	vst v63  }
0x74: {  	_ =	swait.ge [sflag:s24], $0x2800  }
0x75: {  	[sflag:s24] =	ssyncset.done $0x0  }
0x76: {  	[sflag:s24] =	ssyncadd.s32 $0xFFFFD800  }
0x77: {  	[spmem:s1] =	stream.indirect.scatter.add.f32 [tilespmem:s21], [sflag:$0x3], $0x80, s2, s20, $0xb8;
	[tilespmem:$0x19000] =	vst v63  }
0x78: {  	_ =	swait.ge [sflag:s26], $0x2800  }
0x79: {  	[sflag:s26] =	ssyncset.done $0x0  }
0x7a: {  	s11 =	sadd.s32 $0xC0, s10;
	[sflag:s26] =	ssyncadd.s32 $0xFFFFD800  }
0x7b: {  	[tilespmem:s17], [sflag:$0x7] =	stream.linear.gather [hbm4b:s11+s3], $0x100, $0x38;
	[tilespmem:$0x19000] =	vst v63  }
0x7c: {  	_ =	swait.ge [sflag:s19], $0x100  }
0x7d: {  	[sflag:s19] =	ssyncset.done $0x0  }
0x7e: {  	[sflag:s19] =	ssyncadd.s32 $0xFFFFFF00  }
0x7f: {  	[tilespmem:s21], [sflag:$0x1] =	stream.indirect.gather [hbm4b:s4+s20], $0x80, s3, s20, $0xb8;
	[tilespmem:$0x19000] =	vst v63  }
0x80: {  	_ =	swait.ge [sflag:s29], $0x2800  }
0x81: {  	[sflag:s29] =	ssyncset.done $0x0  }
0x82: {  	[sflag:s29] =	ssyncadd.s32 $0xFFFFD800  }
0x83: {  	[spmem:s1] =	stream.indirect.scatter.add.f32 [tilespmem:s23], [sflag:$0x4], $0x80, s5, s20, $0xb8;
	[tilespmem:$0x19000] =	vst v63  }
0x84: {  	_ =	swait.ge [sflag:s31], $0x2800  }
0x85: {  	[sflag:s31] =	ssyncset.done $0x0  }
.Ltmp0:
0x86: {  	s10 =	sadd.s32 $0xE0, s10;
	[sflag:s31] =	ssyncadd.s32 $0xFFFFD800;
	(pc) =	sbr.rel @p0 .LBB2_2-.Ltmp0, $4  }
0x87: {  	[tilespmem:s18], [sflag:$0x8] =	stream.linear.gather [hbm4b:s10+s3], $0x100, $0x38;
	[tilespmem:$0x19000] =	vst v63  }
0x88: {  	_ =	swait.ge [sflag:s22], $0x100  }
0x89: {  	[sflag:s22] =	ssyncset.done $0x0  }
0x8a: {  	[sflag:s22] =	ssyncadd.s32 $0xFFFFFF00  }
0x8b: {  	[tilespmem:s23], [sflag:$0x2] =	stream.indirect.gather [hbm4b:s4+s20], $0x80, s16, s20, $0xb8;
	[tilespmem:$0x19000] =	vst v63  }
0x8c: {  	_ =	swait.ge [sflag:s24], $0x2800  }
0x8d: {  	[sflag:s24] =	ssyncset.done $0x0  }
0x8e: {  	[sflag:s24] =	ssyncadd.s32 $0xFFFFD800  }
0x8f: {  	[spmem:s1] =	stream.indirect.scatter.add.f32 [tilespmem:s21], [sflag:$0x3], $0x80, s25, s20, $0xb8;
	[tilespmem:$0x19000] =	vst v63  }
0x90: {  	_ =	swait.ge [sflag:s26], $0x2800  }
0x91: {  	[sflag:s26] =	ssyncset.done $0x0  }
0x92: {  	[sflag:s26] =	ssyncadd.s32 $0xFFFFD800  }
0x93: {  	_ =	swait.ge [sflag:s28], $0x100  }
0x94: {  	[sflag:s28] =	ssyncset.done $0x0  }
0x95: {  	[sflag:s28] =	ssyncadd.s32 $0xFFFFFF00  }
0x96: {  	[tilespmem:s21], [sflag:$0x1] =	stream.indirect.gather [hbm4b:s4+s20], $0x80, s17, s20, $0xb8;
	[tilespmem:$0x19000] =	vst v63  }
0x97: {  	_ =	swait.ge [sflag:s29], $0x2800  }
0x98: {  	[sflag:s29] =	ssyncset.done $0x0  }
0x99: {  	[sflag:s29] =	ssyncadd.s32 $0xFFFFD800  }
0x9a: {  	[spmem:s1] =	stream.indirect.scatter.add.f32 [tilespmem:s23], [sflag:$0x4], $0x80, s30, s20, $0xb8;
	[tilespmem:$0x19000] =	vst v63  }
0x9b: {  	_ =	swait.ge [sflag:s31], $0x2800  }
0x9c: {  	[sflag:s31] =	ssyncset.done $0x0  }
0x9d: {  	[sflag:s31] =	ssyncadd.s32 $0xFFFFD800  }
0x9e: {  	_ =	swait.ge [sflag:s0], $0x100  }
0x9f: {  	[sflag:s0] =	ssyncset.done $0x0  }
0xa0: {  	[sflag:s0] =	ssyncadd.s32 $0xFFFFFF00  }
0xa1: {  	[tilespmem:s23], [sflag:$0x2] =	stream.indirect.gather [hbm4b:s4+s20], $0x80, s18, s20, $0xb8;
	[tilespmem:$0x19000] =	vst v63  }
0xa2: {  	_ =	swait.ge [sflag:s24], $0x2800  }
0xa3: {  	[sflag:s24] =	ssyncset.done $0x0  }
0xa4: {  	[sflag:s24] =	ssyncadd.s32 $0xFFFFD800  }
0xa5: {  	[spmem:s1] =	stream.indirect.scatter.add.f32 [tilespmem:s21], [sflag:$0x3], $0x80, s2, s20, $0xb8;
	[tilespmem:$0x19000] =	vst v63  }
0xa6: {  	_ =	swait.ge [sflag:s26], $0x2800  }
0xa7: {  	[sflag:s26] =	ssyncset.done $0x0  }
0xa8: {  	[sflag:s26] =	ssyncadd.s32 $0xFFFFD800  }
0xa9: {  	_ =	swait.ge [sflag:s29], $0x2800  }
0xaa: {  	[sflag:s29] =	ssyncset.done $0x0  }
0xab: {  	[sflag:s29] =	ssyncadd.s32 $0xFFFFD800  }
0xac: {  	[spmem:s1] =	stream.indirect.scatter.add.f32 [tilespmem:s23], [sflag:$0x4], $0x80, s5, s20, $0xb8;
	[tilespmem:$0x19000] =	vst v63  }
0xad: {  	_ =	swait.ge [sflag:s31], $0x2800  }
0xae: {  	[sflag:s31] =	ssyncset.done $0x0  }
0xaf: {  	s8 =	sadd.s32 $0x1, s8;
	[sflag:s31] =	ssyncadd.s32 $0xFFFFD800  }
0xb0: {  	p0 =	sne.s32 s8, s12;
	[bflag:$0x0] =	sbarrier.arrive $0xFFFF  }
.Ltmp1:
0xb1: {  	s9 =	rddreg [dreg:$0x7];
	(pc) =	sbr.rel @p0 .LBB2_1-.Ltmp1, $4  }
0xb2: {  	[hbm:s9], [sflag:s7] =	dma.local [spmem:s14], $0x2780  }
0xb3: {  	_ =	swait.ge [sflag:s15], $0x2780  }
0xb4: {  	[sflag:s15] =	ssyncset.done $0x0  }
0xb5: {  	[sflag:s15] =	ssyncadd.s32 $0xFFFFD880  }
0xb6: {  	_ =	sfence.sel $0x180000  }
0xb7: {  	[bflag:$0x0] =	sbarrier.arrive $0xFFFF  }
0xb8: {  	_ =	strace $0x9000004D  }
0xb9: {  	s0 =	stileid.u32;
	[bflag:$0x2] =	sbarrier.arrive $0xFFFF  }
0xba: {  	p0 =	sne.s32 s0, $0x0;
	s0 =	rddreg [dreg:$0x2]  }
0xbb: {  	s0 =	sadd.s32 @!p0 $0x100000, s0  }
0xbc: {  	[sflag:s0] =	ssyncadd.tile.s32 @!p0 $0x1;
	_ =	shalt  }
.Lfunc_end2:
_tile_overlayer_lowered:
.L_overlay_start_2:
0xbd: {  	(tag) =	ssettag $0x2  }
0xbe: {  	s0 =	rddreg [dreg:$0x0];
	s2 =	stileid.u32  }
0xbf: {  	s1 =	rddreg [dreg:$0x1];
	p0 =	sne.s32 s2, $0x0  }
0xc0: {  	s3 =	rddreg [dreg:$0x2];
	[bflag:$0x3] =	sbarrier.arrive $0xFFFF;
	s2 =	simm.s32 @!p0 $0x1C09  }
0xc1: {  	[timem:s3], [sflag:s2] =	dma.local @!p0 [hbm:s0], s1  }
0xc2: {  	s0 =	simm.s32 @!p0 $0x9  }
0xc3: {  	_ =	swait.ge @!p0 [sflag:s0], s1  }
0xc4: {  	s1 =	ssub.s32 @!p0 $0x0, s1;
	[sflag:s0] =	ssyncset.done @!p0 $0x0  }
0xc5: {  	[sflag:s0] =	ssyncadd.s32 @!p0 s1  }
0xc6: {  	[bflag:$0x3] =	sbarrier.arrive $0xFFFF  }
0xc7: {  	_ =	shalt  }

// kernel: kernel.18.cloned.1.call-start
scs
__scs_entry_jumppad:
0x0: {  	(pc) =	sbr.rel $0x88, $3  }
0x1: {  	(tag) =	ssettag $0x0;
	lr =	simm.s32 $0x1  }
0x2: {  	[smem:$0x3F8E] =	sst lr;
	_ =	strace $0xD0000000  }
0x3: {  	_ = 	snop  }
0x4: {  	_ = 	snop  }
0x5: {  	_ = 	snop  }
0x6: {  	_ = 	snop  }
0x7: {  	_ = 	snop  }
__scs_overlays_trampoline_lowered:
0x8: {  	[smem:$0x3F9D] =	sst s0  }
0x9: {  	[smem:$0x3F9E] =	sst s1  }
0xa: {  	[smem:$0x3F9F] =	sst s2  }
0xb: {  	[smem:$0x3FA0] =	sst s3  }
0xc: {  	[smem:$0x3FA1] =	sst s4  }
0xd: {  	[smem:$0x3FA2] =	sst s5  }
0xe: {  	[smem:$0x3FA3] =	sst s6  }
0xf: {  	[smem:$0x3FA4] =	sst s7  }
0x10: {  	[smem:$0x3FA5] =	sst s8  }
0x11: {  	[smem:$0x3FA6] =	sst s9;
	s0 =	simm.s32 @!p0 $0x0  }
0x12: {  	s1 =	sld [smem:$0x3F8C];
	s0 =	simm.s32 @p0 $0x1  }
0x13: {  	[smem:$0x3FA7] =	sst s0;
	s0 =	simm.s32 @!p1 $0x0  }
0x14: {  	s2 =	sld [smem:$0x3F8B];
	s0 =	simm.s32 @p1 $0x1  }
0x15: {  	[smem:$0x3FA8] =	sst s0;
	s0 =	simm.s32 @!p2 $0x0  }
0x16: {  	s3 =	sld [smem:$0x3FDB];
	s0 =	simm.s32 @p2 $0x1  }
0x17: {  	s4 =	simm.s32 $0x1BF5;
	[smem:$0x3FAA] =	sst s0  }
0x18: {  	s0 =	sld [smem:$0x3F8D];
	_ =	swait.ge [sflag:s4], $0x0  }
0x19: {  	s7 =	sld [smem:$0x3F8E]  }
0x1a: {  	s8 =	sadd.s32 $0xFFFFE003, lr  }
0x1b: {  	s9 =	sadd.s32 $0xFFFFFEF7, lr;
	s5 =	simm.s32 $0xFFFFFFFF;
	p2 =	slt.u32 s8, $0xFFFFF086  }
0x1c: {  	p1 =	slt.u32 s9, $0xF7A;
	s5 =	simm.s32 @!p2 $0x0  }
0x1d: {  	s5 =	simm.s32 @p1 $0x1;
	p0 =	seq.s32 s7, s2  }
0x1e: {  	s7 =	smul.u32 @!p0 $0xF7A, s2;
	p2 =	seq.s32 @!p0 s5, $0x0  }
0x1f: {  	s9 =	smul.u32 $0xF7A, s1;
	s8 =	simm.s32 @!p0 $0x1BF5;
	p2 =	por !p2, p0  }
0x20: {  	[sflag:s8] =	ssyncset.s32 @!p0 $0xFFFFF086;
	s6 =	sadd.s32 @!p0 s3, s7;
	s7 =	simm.s32 @!p0 $0x108  }
0x21: {  	s3 =	sadd.s32 s3, s9;
	s6 =	sadd.s32 @!p0 $0x88, s6;
	s7 =	simm.s32 @p2 $0x1082  }
0x22: {  	[simem:s7], [sflag:s8] =	dma.local @!p0 [hbm:s6], $0xF7A  }
0x23: {  	s9 =	sor.u32 $0xD0000000, s2;
	s6 =	simm.s32 $0x108;
	_ =	swait.ge @!p0 [sflag:s8], $0x0  }
0x24: {  	s3 =	sadd.s32 $0x88, s3;
	s6 =	simm.s32 @!p1 $0x1082;
	[sflag:s4] =	ssyncset.s32 $0xFFFFF086  }
0x25: {  	[simem:s6], [sflag:s4] =	dma.local [hbm:s3], $0xF7A  }
0x26: {  	[smem:$0x3F8E] =	sst s1;
	(tag) =	ssettag s2;
	_ =	strace s9  }
0x27: {  	s1 =	sld [smem:$0x3F9E]  }
0x28: {  	s2 =	sld [smem:$0x3F9F]  }
0x29: {  	s4 =	sld [smem:$0x3FA1]  }
0x2a: {  	p0 =	seq.s32 s5, $0x0;
	s5 =	sld [smem:$0x3FA2]  }
0x2b: {  	s6 =	sld [smem:$0x3FA3]  }
0x2c: {  	s7 =	sld [smem:$0x3FA4]  }
0x2d: {  	s3 =	simm.s32 $0x108;
	s8 =	sld [smem:$0x3FA5]  }
0x2e: {  	s3 =	simm.s32 @!p0 $0x1082;
	s9 =	sld [smem:$0x3FA6]  }
0x2f: {  	lr =	sadd.s32 s0, s3;
	s0 =	sld [smem:$0x3F9D]  }
0x30: {  	s3 =	sld [smem:$0x3FA0]  }
0x31: {  	[smem:$0x3FA9] =	sst s10  }
0x32: {  	s10 =	sld [smem:$0x3FA7];
	_ =	sdelay $0x3  }
0x33: {  	p0 =	seq.s32 s10, $0x1;
	s10 =	sld [smem:$0x3FA9];
	_ =	sdelay $0x3  }
0x34: {  	[smem:$0x3FA9] =	sst s10  }
0x35: {  	s10 =	sld [smem:$0x3FA8];
	_ =	sdelay $0x3  }
0x36: {  	p1 =	seq.s32 s10, $0x1;
	s10 =	sld [smem:$0x3FA9];
	_ =	sdelay $0x3  }
0x37: {  	[smem:$0x3FA9] =	sst s10  }
0x38: {  	s10 =	sld [smem:$0x3FAA]  }
0x39: {  	_ = 	snop;
	(pc) =	sbr.ind lr, $3  }
0x3a: {  	_ = 	snop  }
0x3b: {  	_ = 	snop  }
0x3c: {  	p2 =	seq.s32 s10, $0x1;
	s10 =	sld [smem:$0x3FA9]  }
0x3d: {  	_ =	shalt  }
0x3e: {  	_ =	shalt  }
0x3f: {  	_ =	shalt  }
0x40: {  	_ =	shalt  }
0x41: {  	_ =	shalt  }
0x42: {  	_ =	shalt  }
0x43: {  	_ =	shalt  }
0x44: {  	_ =	shalt  }
0x45: {  	_ =	shalt  }
0x46: {  	_ =	shalt  }
0x47: {  	_ =	shalt  }
0x48: {  	_ =	shalt  }
0x49: {  	_ =	shalt  }
0x4a: {  	_ =	shalt  }
0x4b: {  	_ =	shalt  }
0x4c: {  	_ =	shalt  }
0x4d: {  	_ =	shalt  }
0x4e: {  	_ =	shalt  }
0x4f: {  	_ =	shalt  }
0x50: {  	_ =	shalt  }
0x51: {  	_ =	shalt  }
0x52: {  	_ =	shalt  }
0x53: {  	_ =	shalt  }
0x54: {  	_ =	shalt  }
0x55: {  	_ =	shalt  }
0x56: {  	_ =	shalt  }
0x57: {  	_ =	shalt  }
0x58: {  	_ =	shalt  }
0x59: {  	_ =	shalt  }
0x5a: {  	_ =	shalt  }
0x5b: {  	_ =	shalt  }
0x5c: {  	_ =	shalt  }
0x5d: {  	_ =	shalt  }
0x5e: {  	_ =	shalt  }
0x5f: {  	_ =	shalt  }
0x60: {  	_ =	shalt  }
0x61: {  	_ =	shalt  }
0x62: {  	_ =	shalt  }
0x63: {  	_ =	shalt  }
0x64: {  	_ =	shalt  }
0x65: {  	_ =	shalt  }
0x66: {  	_ =	shalt  }
0x67: {  	_ =	shalt  }
0x68: {  	_ =	shalt  }
0x69: {  	_ =	shalt  }
0x6a: {  	_ =	shalt  }
0x6b: {  	_ =	shalt  }
0x6c: {  	_ =	shalt  }
0x6d: {  	_ =	shalt  }
0x6e: {  	_ =	shalt  }
0x6f: {  	_ =	shalt  }
0x70: {  	_ =	shalt  }
0x71: {  	_ =	shalt  }
0x72: {  	_ =	shalt  }
0x73: {  	_ =	shalt  }
0x74: {  	_ =	shalt  }
0x75: {  	_ =	shalt  }
0x76: {  	_ =	shalt  }
0x77: {  	_ =	shalt  }
0x78: {  	_ =	shalt  }
0x79: {  	_ =	shalt  }
0x7a: {  	_ =	shalt  }
0x7b: {  	_ =	shalt  }
0x7c: {  	_ =	shalt  }
0x7d: {  	_ =	shalt  }
0x7e: {  	_ =	shalt  }
0x7f: {  	_ =	shalt  }
0x80: {  	_ =	shalt  }
0x81: {  	_ =	shalt  }
0x82: {  	_ =	shalt  }
0x83: {  	_ =	shalt  }
0x84: {  	_ =	shalt  }
0x85: {  	_ =	shalt  }
0x86: {  	_ =	shalt  }
0x87: {  	_ =	shalt  }
.Lfunc_end0:
.L_simem_size_0:
called_computation.3_lowered:
.L_overlay_start_0:
0x88: {  	s2 =	sld [smem:$0x3FD9]  }
0x89: {  	s3 =	sld [smem:$0x3FFE];
	_ =	sdelay $0x1  }
0x8a: {  	s1 =	srdreg.scid  }
0x8b: {  	s0 =	sand.u32 $0x1, s1  }
0x8c: {  	s16 =	sshll.u32 s0, $0xA;
	s2 =	sadd.s32 s3, s2  }
0x8d: {  	s2 =	sadd.s32 s2, s16  }
0x8e: {  	[smem:$0x3FB5] =	sst s2  }
0x8f: {  	_ = 	snop  }
0x90: {  	(tm) =	ssettm $0x1  }
0x91: {  	s17 =	sld [smem:$0x3FFB];
	_ =	sdelay $0x3  }
0x92: {  	_ =	strace s17  }
0x93: {  	s2 =	sld [smem:$0x3FFC];
	_ =	sdelay $0x3  }
0x94: {  	_ =	strace s2  }
0x95: {  	s2 =	sld [smem:$0x3FFD];
	_ =	sdelay $0x3  }
0x96: {  	_ =	strace s2  }
0x97: {  	_ =	strace $0x8FFFFFFF  }
0x98: {  	s18 =	sld [smem:$0x3FDB];
	_ =	sdelay $0x1  }
0x99: {  	s19 =	simm.s32 $_scs_section_size  }
0x9a: {  	s4 =	simm.s32 $_size__tile_overlayer_lowered;
	s5 =	simm.s32 $_tile_overlayer_lowered  }
0x9b: {  	s22 =	simm.s32 $0x1BFF;
	s21 =	sshll.u32 s5, $0x1;
	s2 =	sadd.s32 s19, s18  }
0x9c: {  	s6 =	simm.s32 $0x0;
	s20 =	sshll.u32 s4, $0x1;
	s4 =	sadd.s32 s21, s2  }
0x9d: {  	[timem:s6], [sflag:s22] =	dma.local [hbm:s4], s20  }
0x9e: {  	_ =	swait.ge [sflag:s22], s20  }
0x9f: {  	s3 =	ssub.s32 $0x0, s20;
	[sflag:s22] =	ssyncset.done $0x0  }
0xa0: {  	[sflag:s22] =	ssyncadd.s32 s3;
	_ =	sdelay $0x1  }
0xa1: {  	s23 =	simm.s32 $0x1B8B  }
0xa2: {  	_ =	swait.ge [sflag:s23], $0x1  }
0xa3: {  	[sflag:s23] =	ssyncset.done $0x0  }
0xa4: {  	s25 =	simm.s32 $0x1B8E;
	s24 =	sld [smem:$0x3FFE];
	[sflag:s23] =	ssyncadd.s32 $0xFFFFFFFF  }
0xa5: {  	s26 =	simm.s32 $execute0_lowered;
	[smem:$0x3FD2] =	sst s25  }
0xa6: {  	s4 =	sshll.u32 s26, $0x1;
	_ =	strace $0x8000004F;
	[dreg:$0x1] =	wrdreg $0xFFFFFFFF  }
0xa7: {  	s28 =	simm.s32 $_size_execute0_lowered;
	s2 =	sadd.s32 s2, s4;
	[dreg:$0x0] =	wrdreg $0x0  }
0xa8: {  	s4 =	sshll.u32 s28, $0x1;
	[dreg:$0x2] =	wrdreg s2  }
0xa9: {  	[dreg:$0x3] =	wrdreg s4  }
0xaa: {  	[dreg:$0x4] =	wrdreg $0xC0  }
0xab: {  	_ =	task [dreg:s6], $0x5FFFF  }
0xac: {  	[dreg:$0x1] =	wrdreg $0xFFFFFFFF  }
0xad: {  	[dreg:$0x0] =	wrdreg $0x60  }
0xae: {  	[dreg:$0x2] =	wrdreg s24  }
0xaf: {  	[dreg:$0x3] =	wrdreg $0x54000  }
0xb0: {  	[dreg:$0x4] =	wrdreg $0x9  }
0xb1: {  	_ =	task.clear_ibuf [dreg:s6], $0x5FFFF;
	_ =	strace $0x9000004F  }
0xb2: {  	s29 =	simm.s32 $0x9;
	_ =	strace $0x80000051  }
0xb3: {  	_ =	swait.ge [sflag:s29], $0x1  }
0xb4: {  	[sflag:s29] =	ssyncadd.s32 $0xFFFFFFFF  }
0xb5: {  	_ =	strace $0x90000051  }
0xb6: {  	_ =	sfence  }
0xb7: {  	s30 =	sld [smem:$0x0];
	_ =	sdelay $0x2  }
0xb8: {  	s31 =	sshll.u32 s1, $0xD;
	s1 =	sshrl.u32 s1, $0x2  }
0xb9: {  	s3 =	sand.u32 $0x4000, s31;
	s1 =	sadd.s32 s1, s30  }
0xba: {  	s0 =	sor.u32 s3, s0;
	s1 =	sshll.u32 s1, $0x11  }
0xbb: {  	s0 =	sor.u32 s1, s0  }
0xbc: {  	s0 =	sadd.s32 $0x8F2B, s0  }
0xbd: {  	[sflag:s0] =	ssyncadd.remote.s32 $0x1  }
0xbe: {  	_ =	sfence.sel $0xFFFF  }
0xbf: {  	[dreg:$0x0] =	wrdreg $0xFFFFFFFF;
	(pc) =	sbr.abs _section_cstart, $3  }
0xc0: {  	[dreg:$0x1] =	wrdreg $0xFFFFFFFF  }
0xc1: {  	_ =	task.clear_ibuf [dreg:s6], $0x2FFFF;
	_ =	strace $0x9FFFFFFF  }
0xc2: {  	(tm) =	ssettm $0x7FFFFFFF  }
0xc3: {  	_ =	shalt  }
tec
execute0_lowered:
.L_overlay_start_1:
0x0: {  	(tag) =	ssettag $0x1  }
0x1: {  	s0 =	rddreg [dreg:$0x0]  }
0x2: {  	s1 =	rddreg [dreg:$0x1];
	s2 =	srdreg.scid;
	s3 =	simm.s32 $0x0  }
0x3: {  	s11 =	stileid.u32;
	s15 =	simm.s32 $0x9;
	s16 =	simm.s32 $0x100  }
0x4: {  	s17 =	simm.s32 $0x200;
	s28 =	simm.s32 $0x7;
	s29 =	simm.s32 $0x2  }
0x5: {  	s30 =	simm.s32 $0x180;
	s31 =	simm.s32 $0x4;
	s2 =	sand.u32 $0x1, s2  }
0x6: {  	[smem:$0x7FF] =	sst s3;
	s6 =	smul.u32 $0x13C00, s11;
	s4 =	sadd.s32 $0x26A00, s0  }
0x7: {  	s8 =	sadd.s32 $0x4200, s0;
	s7 =	sadd.s32 $0x24200, s0;
	s9 =	smul.u32 $0x4F000, s11  }
0x8: {  	s10 =	sshll.u32 s11, $0xC;
	s23 =	sshll.u32 s11, $0x6;
	s5 =	smul.u32 $0x13C000, s2  }
0x9: {  	_ =	strace $0x80000050;
	s18 =	ssub.s32 $0x2, s2;
	[dreg:$0x3] =	wrdreg s7  }
0xa: {  	s2 =	sshll.u32 s2, $0x10;
	s7 =	sor.u32 $0x1C09, s23;
	s23 =	simm.s32 $0x2C00  }
0xb: {  	s19 =	sshrl.u32 s18, $0x1;
	s21 =	sor.u32 s10, s2;
	s22 =	sshrl.u32 s9, $0x2  }
0xc: {  	s2 =	sadd.s32 s2, s8;
	s5 =	sadd.s32 s6, s5;
	s20 =	ssub.s32 s18, s19  }
0xd: {  	s6 =	sadd.s32 s8, s21;
	s14 =	sadd.s32 s22, s1;
	s13 =	sadd.s32 s10, s2  }
0xe: {  	s18 =	simm.s32 $0x300;
	s19 =	simm.s32 $0x5;
	s21 =	simm.s32 $0x400  }
0xf: {  	s22 =	simm.s32 $0x6;
	s2 =	simm.s32 $0x280;
	s8 =	simm.s32 $0x0  }
0x10: {  	s5 =	sshrl.u32 s5, $0x3;
	s24 =	sadd.s32 $0x20, s6;
	s25 =	sadd.s32 $0x40, s6  }
0x11: {  	s26 =	sadd.s32 $0x60, s6;
	s12 =	smax.u32 s20, $0x1;
	[dreg:$0x4] =	wrdreg s24  }
0x12: {  	s14 =	sshrl.u32 s14, $0x3;
	s20 =	simm.s32 $0x50;
	[dreg:$0x5] =	wrdreg s25  }
0x13: {  	s0 =	sadd.s32 s5, s0;
	[dreg:$0x6] =	wrdreg s26;
	s24 =	simm.s32 $0x1  }
0x14: {  	s25 =	simm.s32 $0x80;
	s26 =	simm.s32 $0x3;
	s0 =	sadd.s32 $0xC5000, s0  }
0x15: {  	s5 =	simm.s32 $0x380;
	[dreg:$0x7] =	wrdreg s0;
	s0 =	simm.s32 $0x8  }
.LBB2_1:
0x16: {  	s9 =	rddreg [dreg:$0x3]  }
0x17: {  	[spmem:s14], [sflag:s7] =	dma.local [hbm:s9], $0x2780  }
0x18: {  	_ =	swait.ge [sflag:s15], $0x2780  }
0x19: {  	[sflag:s15] =	ssyncset.done $0x0  }
0x1a: {  	[sflag:s15] =	ssyncadd.s32 $0xFFFFD880  }
0x1b: {  	[bflag:$0x0] =	sbarrier.arrive $0xFFFF  }
0x1c: {  	[tilespmem:s3], [sflag:$0x5] =	stream.linear.gather [hbm4b:s6+s3], $0x100, $0x38;
	[tilespmem:$0x19000] =	vst v63  }
0x1d: {  	s10 =	rddreg [dreg:$0x4]  }
0x1e: {  	[tilespmem:s16], [sflag:$0x6] =	stream.linear.gather [hbm4b:s10+s3], $0x100, $0x38;
	[tilespmem:$0x19000] =	vst v63  }
0x1f: {  	s11 =	rddreg [dreg:$0x5]  }
0x20: {  	[tilespmem:s17], [sflag:$0x7] =	stream.linear.gather [hbm4b:s11+s3], $0x100, $0x38;
	[tilespmem:$0x19000] =	vst v63  }
0x21: {  	s10 =	rddreg [dreg:$0x6]  }
0x22: {  	[tilespmem:s18], [sflag:$0x8] =	stream.linear.gather [hbm4b:s10+s3], $0x100, $0x38;
	[tilespmem:$0x19000] =	vst v63  }
0x23: {  	_ =	swait.ge [sflag:s19], $0x100  }
0x24: {  	[sflag:s19] =	ssyncset.done $0x0  }
0x25: {  	[sflag:s19] =	ssyncadd.s32 $0xFFFFFF00  }
0x26: {  	[tilespmem:s21], [sflag:$0x1] =	stream.indirect.gather [hbm4b:s4+s20], $0x80, s3, s20, $0xb8;
	[tilespmem:$0x19000] =	vst v63  }
0x27: {  	_ =	swait.ge [sflag:s22], $0x100  }
0x28: {  	[sflag:s22] =	ssyncset.done $0x0  }
0x29: {  	[sflag:s22] =	ssyncadd.s32 $0xFFFFFF00  }
0x2a: {  	[tilespmem:s23], [sflag:$0x2] =	stream.indirect.gather [hbm4b:s4+s20], $0x80, s16, s20, $0xb8;
	[tilespmem:$0x19000] =	vst v63  }
0x2b: {  	_ =	swait.ge [sflag:s24], $0x2800  }
0x2c: {  	[sflag:s24] =	ssyncset.done $0x0  }
0x2d: {  	[sflag:s24] =	ssyncadd.s32 $0xFFFFD800  }
0x2e: {  	[spmem:s1] =	stream.indirect.scatter.add.f32 [tilespmem:s21], [sflag:$0x3], $0x80, s25, s20, $0xb8;
	[tilespmem:$0x19000] =	vst v63  }
0x2f: {  	_ =	swait.ge [sflag:s26], $0x2800  }
0x30: {  	s9 =	sadd.s32 $0x0, s13;
	[sflag:s26] =	ssyncset.done $0x0  }
0x31: {  	s10 =	sadd.s32 $0x80, s9;
	[sflag:s26] =	ssyncadd.s32 $0xFFFFD800  }
0x32: {  	[tilespmem:s3], [sflag:$0x5] =	stream.linear.gather [hbm4b:s10+s3], $0x100, $0x38;
	[tilespmem:$0x19000] =	vst v63  }
0x33: {  	_ =	swait.ge [sflag:s28], $0x100  }
0x34: {  	[sflag:s28] =	ssyncset.done $0x0  }
0x35: {  	[sflag:s28] =	ssyncadd.s32 $0xFFFFFF00  }
0x36: {  	[tilespmem:s21], [sflag:$0x1] =	stream.indirect.gather [hbm4b:s4+s20], $0x80, s17, s20, $0xb8;
	[tilespmem:$0x19000] =	vst v63  }
0x37: {  	_ =	swait.ge [sflag:s29], $0x2800  }
0x38: {  	[sflag:s29] =	ssyncset.done $0x0  }
0x39: {  	[sflag:s29] =	ssyncadd.s32 $0xFFFFD800  }
0x3a: {  	[spmem:s1] =	stream.indirect.scatter.add.f32 [tilespmem:s23], [sflag:$0x4], $0x80, s30, s20, $0xb8;
	[tilespmem:$0x19000] =	vst v63  }
0x3b: {  	_ =	swait.ge [sflag:s31], $0x2800  }
0x3c: {  	[sflag:s31] =	ssyncset.done $0x0  }
0x3d: {  	s11 =	sadd.s32 $0xA0, s9;
	[sflag:s31] =	ssyncadd.s32 $0xFFFFD800  }
0x3e: {  	[tilespmem:s16], [sflag:$0x6] =	stream.linear.gather [hbm4b:s11+s3], $0x100, $0x38;
	[tilespmem:$0x19000] =	vst v63  }
0x3f: {  	_ =	swait.ge [sflag:s0], $0x100  }
0x40: {  	[sflag:s0] =	ssyncset.done $0x0  }
0x41: {  	[sflag:s0] =	ssyncadd.s32 $0xFFFFFF00  }
0x42: {  	[tilespmem:s23], [sflag:$0x2] =	stream.indirect.gather [hbm4b:s4+s20], $0x80, s18, s20, $0xb8;
	[tilespmem:$0x19000] =	vst v63  }
0x43: {  	_ =	swait.ge [sflag:s24], $0x2800  }
0x44: {  	[sflag:s24] =	ssyncset.done $0x0  }
0x45: {  	[sflag:s24] =	ssyncadd.s32 $0xFFFFD800  }
0x46: {  	[spmem:s1] =	stream.indirect.scatter.add.f32 [tilespmem:s21], [sflag:$0x3], $0x80, s2, s20, $0xb8;
	[tilespmem:$0x19000] =	vst v63  }
0x47: {  	_ =	swait.ge [sflag:s26], $0x2800  }
0x48: {  	[sflag:s26] =	ssyncset.done $0x0  }
0x49: {  	s11 =	sadd.s32 $0xC0, s9;
	[sflag:s26] =	ssyncadd.s32 $0xFFFFD800  }
0x4a: {  	[tilespmem:s17], [sflag:$0x7] =	stream.linear.gather [hbm4b:s11+s3], $0x100, $0x38;
	[tilespmem:$0x19000] =	vst v63  }
0x4b: {  	_ =	swait.ge [sflag:s19], $0x100  }
0x4c: {  	[sflag:s19] =	ssyncset.done $0x0  }
0x4d: {  	[sflag:s19] =	ssyncadd.s32 $0xFFFFFF00  }
0x4e: {  	[tilespmem:s21], [sflag:$0x1] =	stream.indirect.gather [hbm4b:s4+s20], $0x80, s3, s20, $0xb8;
	[tilespmem:$0x19000] =	vst v63  }
0x4f: {  	_ =	swait.ge [sflag:s29], $0x2800  }
0x50: {  	[sflag:s29] =	ssyncset.done $0x0  }
0x51: {  	[sflag:s29] =	ssyncadd.s32 $0xFFFFD800  }
0x52: {  	[spmem:s1] =	stream.indirect.scatter.add.f32 [tilespmem:s23], [sflag:$0x4], $0x80, s5, s20, $0xb8;
	[tilespmem:$0x19000] =	vst v63  }
0x53: {  	_ =	swait.ge [sflag:s31], $0x2800  }
0x54: {  	[sflag:s31] =	ssyncset.done $0x0  }
0x55: {  	s9 =	sadd.s32 $0xE0, s9;
	[sflag:s31] =	ssyncadd.s32 $0xFFFFD800  }
0x56: {  	[tilespmem:s18], [sflag:$0x8] =	stream.linear.gather [hbm4b:s9+s3], $0x100, $0x38;
	[tilespmem:$0x19000] =	vst v63  }
0x57: {  	_ =	swait.ge [sflag:s22], $0x100  }
0x58: {  	[sflag:s22] =	ssyncset.done $0x0  }
0x59: {  	s9 =	simm.s32 $0x80;
	[sflag:s22] =	ssyncadd.s32 $0xFFFFFF00  }
.LBB2_2:
0x5a: {  	[tilespmem:s23], [sflag:$0x2] =	stream.indirect.gather [hbm4b:s4+s20], $0x80, s16, s20, $0xb8;
	[tilespmem:$0x19000] =	vst v63  }
0x5b: {  	s10 =	smov.u32 s9  }
0x5c: {  	p0 =	sne.s32 s9, $0xF00;
	s9 =	sadd.s32 $0x80, s9;
	_ =	swait.ge [sflag:s24], $0x2800  }
0x5d: {  	[sflag:s24] =	ssyncset.done $0x0  }
0x5e: {  	[sflag:s24] =	ssyncadd.s32 $0xFFFFD800  }
0x5f: {  	[spmem:s1] =	stream.indirect.scatter.add.f32 [tilespmem:s21], [sflag:$0x3], $0x80, s25, s20, $0xb8;
	[tilespmem:$0x19000] =	vst v63  }
0x60: {  	_ =	swait.ge [sflag:s26], $0x2800  }
0x61: {  	s10 =	sadd.s32 s10, s13;
	[sflag:s26] =	ssyncset.done $0x0  }
0x62: {  	s11 =	sadd.s32 $0x80, s10;
	[sflag:s26] =	ssyncadd.s32 $0xFFFFD800  }
0x63: {  	[tilespmem:s3], [sflag:$0x5] =	stream.linear.gather [hbm4b:s11+s3], $0x100, $0x38;
	[tilespmem:$0x19000] =	vst v63  }
0x64: {  	_ =	swait.ge [sflag:s28], $0x100  }
0x65: {  	[sflag:s28] =	ssyncset.done $0x0  }
0x66: {  	[sflag:s28] =	ssyncadd.s32 $0xFFFFFF00  }
0x67: {  	[tilespmem:s21], [sflag:$0x1] =	stream.indirect.gather [hbm4b:s4+s20], $0x80, s17, s20, $0xb8;
	[tilespmem:$0x19000] =	vst v63  }
0x68: {  	_ =	swait.ge [sflag:s29], $0x2800  }
0x69: {  	[sflag:s29] =	ssyncset.done $0x0  }
0x6a: {  	[sflag:s29] =	ssyncadd.s32 $0xFFFFD800  }
0x6b: {  	[spmem:s1] =	stream.indirect.scatter.add.f32 [tilespmem:s23], [sflag:$0x4], $0x80, s30, s20, $0xb8;
	[tilespmem:$0x19000] =	vst v63  }
0x6c: {  	_ =	swait.ge [sflag:s31], $0x2800  }
0x6d: {  	[sflag:s31] =	ssyncset.done $0x0  }
0x6e: {  	s11 =	sadd.s32 $0xA0, s10;
	[sflag:s31] =	ssyncadd.s32 $0xFFFFD800  }
0x6f: {  	[tilespmem:s16], [sflag:$0x6] =	stream.linear.gather [hbm4b:s11+s3], $0x100, $0x38;
	[tilespmem:$0x19000] =	vst v63  }
0x70: {  	_ =	swait.ge [sflag:s0], $0x100  }
0x71: {  	[sflag:s0] =	ssyncset.done $0x0  }
0x72: {  	[sflag:s0] =	ssyncadd.s32 $0xFFFFFF00  }
0x73: {  	[tilespmem:s23], [sflag:$0x2] =	stream.indirect.gather [hbm4b:s4+s20], $0x80, s18, s20, $0xb8;
	[tilespmem:$0x19000] =	vst v63  }
0x74: {  	_ =	swait.ge [sflag:s24], $0x2800  }
0x75: {  	[sflag:s24] =	ssyncset.done $0x0  }
0x76: {  	[sflag:s24] =	ssyncadd.s32 $0xFFFFD800  }
0x77: {  	[spmem:s1] =	stream.indirect.scatter.add.f32 [tilespmem:s21], [sflag:$0x3], $0x80, s2, s20, $0xb8;
	[tilespmem:$0x19000] =	vst v63  }
0x78: {  	_ =	swait.ge [sflag:s26], $0x2800  }
0x79: {  	[sflag:s26] =	ssyncset.done $0x0  }
0x7a: {  	s11 =	sadd.s32 $0xC0, s10;
	[sflag:s26] =	ssyncadd.s32 $0xFFFFD800  }
0x7b: {  	[tilespmem:s17], [sflag:$0x7] =	stream.linear.gather [hbm4b:s11+s3], $0x100, $0x38;
	[tilespmem:$0x19000] =	vst v63  }
0x7c: {  	_ =	swait.ge [sflag:s19], $0x100  }
0x7d: {  	[sflag:s19] =	ssyncset.done $0x0  }
0x7e: {  	[sflag:s19] =	ssyncadd.s32 $0xFFFFFF00  }
0x7f: {  	[tilespmem:s21], [sflag:$0x1] =	stream.indirect.gather [hbm4b:s4+s20], $0x80, s3, s20, $0xb8;
	[tilespmem:$0x19000] =	vst v63  }
0x80: {  	_ =	swait.ge [sflag:s29], $0x2800  }
0x81: {  	[sflag:s29] =	ssyncset.done $0x0  }
0x82: {  	[sflag:s29] =	ssyncadd.s32 $0xFFFFD800  }
0x83: {  	[spmem:s1] =	stream.indirect.scatter.add.f32 [tilespmem:s23], [sflag:$0x4], $0x80, s5, s20, $0xb8;
	[tilespmem:$0x19000] =	vst v63  }
0x84: {  	_ =	swait.ge [sflag:s31], $0x2800  }
0x85: {  	[sflag:s31] =	ssyncset.done $0x0  }
.Ltmp0:
0x86: {  	s10 =	sadd.s32 $0xE0, s10;
	[sflag:s31] =	ssyncadd.s32 $0xFFFFD800;
	(pc) =	sbr.rel @p0 .LBB2_2-.Ltmp0, $4  }
0x87: {  	[tilespmem:s18], [sflag:$0x8] =	stream.linear.gather [hbm4b:s10+s3], $0x100, $0x38;
	[tilespmem:$0x19000] =	vst v63  }
0x88: {  	_ =	swait.ge [sflag:s22], $0x100  }
0x89: {  	[sflag:s22] =	ssyncset.done $0x0  }
0x8a: {  	[sflag:s22] =	ssyncadd.s32 $0xFFFFFF00  }
0x8b: {  	[tilespmem:s23], [sflag:$0x2] =	stream.indirect.gather [hbm4b:s4+s20], $0x80, s16, s20, $0xb8;
	[tilespmem:$0x19000] =	vst v63  }
0x8c: {  	_ =	swait.ge [sflag:s24], $0x2800  }
0x8d: {  	[sflag:s24] =	ssyncset.done $0x0  }
0x8e: {  	[sflag:s24] =	ssyncadd.s32 $0xFFFFD800  }
0x8f: {  	[spmem:s1] =	stream.indirect.scatter.add.f32 [tilespmem:s21], [sflag:$0x3], $0x80, s25, s20, $0xb8;
	[tilespmem:$0x19000] =	vst v63  }
0x90: {  	_ =	swait.ge [sflag:s26], $0x2800  }
0x91: {  	[sflag:s26] =	ssyncset.done $0x0  }
0x92: {  	[sflag:s26] =	ssyncadd.s32 $0xFFFFD800  }
0x93: {  	_ =	swait.ge [sflag:s28], $0x100  }
0x94: {  	[sflag:s28] =	ssyncset.done $0x0  }
0x95: {  	[sflag:s28] =	ssyncadd.s32 $0xFFFFFF00  }
0x96: {  	[tilespmem:s21], [sflag:$0x1] =	stream.indirect.gather [hbm4b:s4+s20], $0x80, s17, s20, $0xb8;
	[tilespmem:$0x19000] =	vst v63  }
0x97: {  	_ =	swait.ge [sflag:s29], $0x2800  }
0x98: {  	[sflag:s29] =	ssyncset.done $0x0  }
0x99: {  	[sflag:s29] =	ssyncadd.s32 $0xFFFFD800  }
0x9a: {  	[spmem:s1] =	stream.indirect.scatter.add.f32 [tilespmem:s23], [sflag:$0x4], $0x80, s30, s20, $0xb8;
	[tilespmem:$0x19000] =	vst v63  }
0x9b: {  	_ =	swait.ge [sflag:s31], $0x2800  }
0x9c: {  	[sflag:s31] =	ssyncset.done $0x0  }
0x9d: {  	[sflag:s31] =	ssyncadd.s32 $0xFFFFD800  }
0x9e: {  	_ =	swait.ge [sflag:s0], $0x100  }
0x9f: {  	[sflag:s0] =	ssyncset.done $0x0  }
0xa0: {  	[sflag:s0] =	ssyncadd.s32 $0xFFFFFF00  }
0xa1: {  	[tilespmem:s23], [sflag:$0x2] =	stream.indirect.gather [hbm4b:s4+s20], $0x80, s18, s20, $0xb8;
	[tilespmem:$0x19000] =	vst v63  }
0xa2: {  	_ =	swait.ge [sflag:s24], $0x2800  }
0xa3: {  	[sflag:s24] =	ssyncset.done $0x0  }
0xa4: {  	[sflag:s24] =	ssyncadd.s32 $0xFFFFD800  }
0xa5: {  	[spmem:s1] =	stream.indirect.scatter.add.f32 [tilespmem:s21], [sflag:$0x3], $0x80, s2, s20, $0xb8;
	[tilespmem:$0x19000] =	vst v63  }
0xa6: {  	_ =	swait.ge [sflag:s26], $0x2800  }
0xa7: {  	[sflag:s26] =	ssyncset.done $0x0  }
0xa8: {  	[sflag:s26] =	ssyncadd.s32 $0xFFFFD800  }
0xa9: {  	_ =	swait.ge [sflag:s29], $0x2800  }
0xaa: {  	[sflag:s29] =	ssyncset.done $0x0  }
0xab: {  	[sflag:s29] =	ssyncadd.s32 $0xFFFFD800  }
0xac: {  	[spmem:s1] =	stream.indirect.scatter.add.f32 [tilespmem:s23], [sflag:$0x4], $0x80, s5, s20, $0xb8;
	[tilespmem:$0x19000] =	vst v63  }
0xad: {  	_ =	swait.ge [sflag:s31], $0x2800  }
0xae: {  	[sflag:s31] =	ssyncset.done $0x0  }
0xaf: {  	s8 =	sadd.s32 $0x1, s8;
	[sflag:s31] =	ssyncadd.s32 $0xFFFFD800  }
0xb0: {  	p0 =	sne.s32 s8, s12;
	[bflag:$0x0] =	sbarrier.arrive $0xFFFF  }
.Ltmp1:
0xb1: {  	s9 =	rddreg [dreg:$0x7];
	(pc) =	sbr.rel @p0 .LBB2_1-.Ltmp1, $4  }
0xb2: {  	[hbm:s9], [sflag:s7] =	dma.local [spmem:s14], $0x2780  }
0xb3: {  	_ =	swait.ge [sflag:s15], $0x2780  }
0xb4: {  	[sflag:s15] =	ssyncset.done $0x0  }
0xb5: {  	[sflag:s15] =	ssyncadd.s32 $0xFFFFD880  }
0xb6: {  	_ =	sfence.sel $0x180000  }
0xb7: {  	[bflag:$0x0] =	sbarrier.arrive $0xFFFF  }
0xb8: {  	_ =	strace $0x90000050  }
0xb9: {  	s0 =	stileid.u32;
	[bflag:$0x2] =	sbarrier.arrive $0xFFFF  }
0xba: {  	p0 =	sne.s32 s0, $0x0;
	s0 =	rddreg [dreg:$0x2]  }
0xbb: {  	s0 =	sadd.s32 @!p0 $0x100000, s0  }
0xbc: {  	[sflag:s0] =	ssyncadd.tile.s32 @!p0 $0x1;
	_ =	shalt  }
.Lfunc_end2:
_tile_overlayer_lowered:
.L_overlay_start_2:
0xbd: {  	(tag) =	ssettag $0x2  }
0xbe: {  	s0 =	rddreg [dreg:$0x0];
	s2 =	stileid.u32  }
0xbf: {  	s1 =	rddreg [dreg:$0x1];
	p0 =	sne.s32 s2, $0x0  }
0xc0: {  	s3 =	rddreg [dreg:$0x2];
	[bflag:$0x3] =	sbarrier.arrive $0xFFFF;
	s2 =	simm.s32 @!p0 $0x1C09  }
0xc1: {  	[timem:s3], [sflag:s2] =	dma.local @!p0 [hbm:s0], s1  }
0xc2: {  	s0 =	simm.s32 @!p0 $0x9  }
0xc3: {  	_ =	swait.ge @!p0 [sflag:s0], s1  }
0xc4: {  	s1 =	ssub.s32 @!p0 $0x0, s1;
	[sflag:s0] =	ssyncset.done @!p0 $0x0  }
0xc5: {  	[sflag:s0] =	ssyncadd.s32 @!p0 s1  }
0xc6: {  	[bflag:$0x3] =	sbarrier.arrive $0xFFFF  }
0xc7: {  	_ =	shalt  }

// kernel: kernel.9.cloned.1.call-start
scs
__scs_entry_jumppad:
0x0: {  	(pc) =	sbr.rel $0x88, $3  }
0x1: {  	(tag) =	ssettag $0x0;
	lr =	simm.s32 $0x1  }
0x2: {  	[smem:$0x3F8E] =	sst lr;
	_ =	strace $0xD0000000  }
0x3: {  	_ = 	snop  }
0x4: {  	_ = 	snop  }
0x5: {  	_ = 	snop  }
0x6: {  	_ = 	snop  }
0x7: {  	_ = 	snop  }
__scs_overlays_trampoline_lowered:
0x8: {  	[smem:$0x3F9D] =	sst s0  }
0x9: {  	[smem:$0x3F9E] =	sst s1  }
0xa: {  	[smem:$0x3F9F] =	sst s2  }
0xb: {  	[smem:$0x3FA0] =	sst s3  }
0xc: {  	[smem:$0x3FA1] =	sst s4  }
0xd: {  	[smem:$0x3FA2] =	sst s5  }
0xe: {  	[smem:$0x3FA3] =	sst s6  }
0xf: {  	[smem:$0x3FA4] =	sst s7  }
0x10: {  	[smem:$0x3FA5] =	sst s8  }
0x11: {  	[smem:$0x3FA6] =	sst s9;
	s0 =	simm.s32 @!p0 $0x0  }
0x12: {  	s1 =	sld [smem:$0x3F8C];
	s0 =	simm.s32 @p0 $0x1  }
0x13: {  	[smem:$0x3FA7] =	sst s0;
	s0 =	simm.s32 @!p1 $0x0  }
0x14: {  	s2 =	sld [smem:$0x3F8B];
	s0 =	simm.s32 @p1 $0x1  }
0x15: {  	[smem:$0x3FA8] =	sst s0;
	s0 =	simm.s32 @!p2 $0x0  }
0x16: {  	s3 =	sld [smem:$0x3FDB];
	s0 =	simm.s32 @p2 $0x1  }
0x17: {  	s4 =	simm.s32 $0x1BF5;
	[smem:$0x3FAA] =	sst s0  }
0x18: {  	s0 =	sld [smem:$0x3F8D];
	_ =	swait.ge [sflag:s4], $0x0  }
0x19: {  	s7 =	sld [smem:$0x3F8E]  }
0x1a: {  	s8 =	sadd.s32 $0xFFFFE003, lr  }
0x1b: {  	s9 =	sadd.s32 $0xFFFFFEF7, lr;
	s5 =	simm.s32 $0xFFFFFFFF;
	p2 =	slt.u32 s8, $0xFFFFF086  }
0x1c: {  	p1 =	slt.u32 s9, $0xF7A;
	s5 =	simm.s32 @!p2 $0x0  }
0x1d: {  	s5 =	simm.s32 @p1 $0x1;
	p0 =	seq.s32 s7, s2  }
0x1e: {  	s7 =	smul.u32 @!p0 $0xF7A, s2;
	p2 =	seq.s32 @!p0 s5, $0x0  }
0x1f: {  	s9 =	smul.u32 $0xF7A, s1;
	s8 =	simm.s32 @!p0 $0x1BF5;
	p2 =	por !p2, p0  }
0x20: {  	[sflag:s8] =	ssyncset.s32 @!p0 $0xFFFFF086;
	s6 =	sadd.s32 @!p0 s3, s7;
	s7 =	simm.s32 @!p0 $0x108  }
0x21: {  	s3 =	sadd.s32 s3, s9;
	s6 =	sadd.s32 @!p0 $0x88, s6;
	s7 =	simm.s32 @p2 $0x1082  }
0x22: {  	[simem:s7], [sflag:s8] =	dma.local @!p0 [hbm:s6], $0xF7A  }
0x23: {  	s9 =	sor.u32 $0xD0000000, s2;
	s6 =	simm.s32 $0x108;
	_ =	swait.ge @!p0 [sflag:s8], $0x0  }
0x24: {  	s3 =	sadd.s32 $0x88, s3;
	s6 =	simm.s32 @!p1 $0x1082;
	[sflag:s4] =	ssyncset.s32 $0xFFFFF086  }
0x25: {  	[simem:s6], [sflag:s4] =	dma.local [hbm:s3], $0xF7A  }
0x26: {  	[smem:$0x3F8E] =	sst s1;
	(tag) =	ssettag s2;
	_ =	strace s9  }
0x27: {  	s1 =	sld [smem:$0x3F9E]  }
0x28: {  	s2 =	sld [smem:$0x3F9F]  }
0x29: {  	s4 =	sld [smem:$0x3FA1]  }
0x2a: {  	p0 =	seq.s32 s5, $0x0;
	s5 =	sld [smem:$0x3FA2]  }
0x2b: {  	s6 =	sld [smem:$0x3FA3]  }
0x2c: {  	s7 =	sld [smem:$0x3FA4]  }
0x2d: {  	s3 =	simm.s32 $0x108;
	s8 =	sld [smem:$0x3FA5]  }
0x2e: {  	s3 =	simm.s32 @!p0 $0x1082;
	s9 =	sld [smem:$0x3FA6]  }
0x2f: {  	lr =	sadd.s32 s0, s3;
	s0 =	sld [smem:$0x3F9D]  }
0x30: {  	s3 =	sld [smem:$0x3FA0]  }
0x31: {  	[smem:$0x3FA9] =	sst s10  }
0x32: {  	s10 =	sld [smem:$0x3FA7];
	_ =	sdelay $0x3  }
0x33: {  	p0 =	seq.s32 s10, $0x1;
	s10 =	sld [smem:$0x3FA9];
	_ =	sdelay $0x3  }
0x34: {  	[smem:$0x3FA9] =	sst s10  }
0x35: {  	s10 =	sld [smem:$0x3FA8];
	_ =	sdelay $0x3  }
0x36: {  	p1 =	seq.s32 s10, $0x1;
	s10 =	sld [smem:$0x3FA9];
	_ =	sdelay $0x3  }
0x37: {  	[smem:$0x3FA9] =	sst s10  }
0x38: {  	s10 =	sld [smem:$0x3FAA]  }
0x39: {  	_ = 	snop;
	(pc) =	sbr.ind lr, $3  }
0x3a: {  	_ = 	snop  }
0x3b: {  	_ = 	snop  }
0x3c: {  	p2 =	seq.s32 s10, $0x1;
	s10 =	sld [smem:$0x3FA9]  }
0x3d: {  	_ =	shalt  }
0x3e: {  	_ =	shalt  }
0x3f: {  	_ =	shalt  }
0x40: {  	_ =	shalt  }
0x41: {  	_ =	shalt  }
0x42: {  	_ =	shalt  }
0x43: {  	_ =	shalt  }
0x44: {  	_ =	shalt  }
0x45: {  	_ =	shalt  }
0x46: {  	_ =	shalt  }
0x47: {  	_ =	shalt  }
0x48: {  	_ =	shalt  }
0x49: {  	_ =	shalt  }
0x4a: {  	_ =	shalt  }
0x4b: {  	_ =	shalt  }
0x4c: {  	_ =	shalt  }
0x4d: {  	_ =	shalt  }
0x4e: {  	_ =	shalt  }
0x4f: {  	_ =	shalt  }
0x50: {  	_ =	shalt  }
0x51: {  	_ =	shalt  }
0x52: {  	_ =	shalt  }
0x53: {  	_ =	shalt  }
0x54: {  	_ =	shalt  }
0x55: {  	_ =	shalt  }
0x56: {  	_ =	shalt  }
0x57: {  	_ =	shalt  }
0x58: {  	_ =	shalt  }
0x59: {  	_ =	shalt  }
0x5a: {  	_ =	shalt  }
0x5b: {  	_ =	shalt  }
0x5c: {  	_ =	shalt  }
0x5d: {  	_ =	shalt  }
0x5e: {  	_ =	shalt  }
0x5f: {  	_ =	shalt  }
0x60: {  	_ =	shalt  }
0x61: {  	_ =	shalt  }
0x62: {  	_ =	shalt  }
0x63: {  	_ =	shalt  }
0x64: {  	_ =	shalt  }
0x65: {  	_ =	shalt  }
0x66: {  	_ =	shalt  }
0x67: {  	_ =	shalt  }
0x68: {  	_ =	shalt  }
0x69: {  	_ =	shalt  }
0x6a: {  	_ =	shalt  }
0x6b: {  	_ =	shalt  }
0x6c: {  	_ =	shalt  }
0x6d: {  	_ =	shalt  }
0x6e: {  	_ =	shalt  }
0x6f: {  	_ =	shalt  }
0x70: {  	_ =	shalt  }
0x71: {  	_ =	shalt  }
0x72: {  	_ =	shalt  }
0x73: {  	_ =	shalt  }
0x74: {  	_ =	shalt  }
0x75: {  	_ =	shalt  }
0x76: {  	_ =	shalt  }
0x77: {  	_ =	shalt  }
0x78: {  	_ =	shalt  }
0x79: {  	_ =	shalt  }
0x7a: {  	_ =	shalt  }
0x7b: {  	_ =	shalt  }
0x7c: {  	_ =	shalt  }
0x7d: {  	_ =	shalt  }
0x7e: {  	_ =	shalt  }
0x7f: {  	_ =	shalt  }
0x80: {  	_ =	shalt  }
0x81: {  	_ =	shalt  }
0x82: {  	_ =	shalt  }
0x83: {  	_ =	shalt  }
0x84: {  	_ =	shalt  }
0x85: {  	_ =	shalt  }
0x86: {  	_ =	shalt  }
0x87: {  	_ =	shalt  }
.Lfunc_end0:
.L_simem_size_0:
called_computation_lowered:
.L_overlay_start_0:
0x88: {  	s2 =	sld [smem:$0x3FD9]  }
0x89: {  	s3 =	sld [smem:$0x3FFE];
	_ =	sdelay $0x1  }
0x8a: {  	s1 =	srdreg.scid  }
0x8b: {  	s0 =	sand.u32 $0x1, s1  }
0x8c: {  	s17 =	sshll.u32 s0, $0xA;
	s2 =	sadd.s32 s3, s2  }
0x8d: {  	s2 =	sadd.s32 s2, s17  }
0x8e: {  	[smem:$0x3FB5] =	sst s2  }
0x8f: {  	_ = 	snop  }
0x90: {  	s18 =	sld [smem:$0x3FD0];
	(tm) =	ssettm $0x1  }
0x91: {  	s19 =	sld [smem:$0x3FFB];
	_ =	sdelay $0x3  }
0x92: {  	_ =	strace s19  }
0x93: {  	s2 =	sld [smem:$0x3FFC];
	_ =	sdelay $0x3  }
0x94: {  	_ =	strace s2  }
0x95: {  	s2 =	sld [smem:$0x3FFD];
	_ =	sdelay $0x3  }
0x96: {  	_ =	strace s2  }
0x97: {  	_ =	strace $0x8FFFFFFF  }
0x98: {  	s20 =	sld [smem:$0x3FDB];
	_ =	sdelay $0x1  }
0x99: {  	s4 =	simm.s32 $_scs_section_size  }
0x9a: {  	s5 =	simm.s32 $_size__tile_overlayer_lowered;
	s6 =	simm.s32 $_tile_overlayer_lowered  }
0x9b: {  	s7 =	simm.s32 $0x1BFF;
	s21 =	sshll.u32 s6, $0x1;
	s4 =	sadd.s32 s4, s20  }
0x9c: {  	s22 =	simm.s32 $0x0;
	s5 =	sshll.u32 s5, $0x1;
	s6 =	sadd.s32 s21, s4  }
0x9d: {  	[timem:s22], [sflag:s7] =	dma.local [hbm:s6], s5  }
0x9e: {  	_ =	swait.ge [sflag:s7], s5  }
0x9f: {  	s5 =	ssub.s32 $0x0, s5;
	[sflag:s7] =	ssyncset.done $0x0  }
0xa0: {  	[sflag:s7] =	ssyncadd.s32 s5;
	_ =	sdelay $0x1  }
0xa1: {  	s23 =	simm.s32 $0x1B8B  }
0xa2: {  	_ =	swait.ge [sflag:s23], $0x1  }
0xa3: {  	[sflag:s23] =	ssyncset.done $0x0  }
0xa4: {  	[sflag:s23] =	ssyncadd.s32 $0xFFFFFFFF  }
0xa5: {  	s5 =	sld [smem:$0x0]  }
0xa6: {  	s6 =	sand.u32 $0xFFFFFFFE, s1  }
0xa7: {  	p0 =	sne.s32 s1, s6  }
0xa8: {  	s6 =	sshll.u32 @p0 s6, $0xE  }
0xa9: {  	s6 =	sadd.s32 @p0 $0x11B8D, s6;
	s7 =	sshll.u32 @p0 s5, $0x11  }
0xaa: {  	s6 =	sor.u32 @p0 s7, s6  }
0xab: {  	[sflag:s6] =	ssyncadd.remote.s32 @p0 $0x1;
	_ =	sdelay $0x1  }
0xac: {  	s6 =	simm.s32 @p0 $0x1B8D  }
0xad: {  	_ =	swait.eq @p0 [sflag:s6], $0x1  }
0xae: {  	[sflag:s6] =	ssyncadd.s32 @p0 $0xFFFFFFFF  }
0xaf: {  	s7 =	sshll.u32 @!p0 s1, $0xE  }
0xb0: {  	s7 =	sor.u32 @!p0 $0x4000, s7;
	s6 =	simm.s32 @!p0 $0x1B8D  }
0xb1: {  	s5 =	sshll.u32 @!p0 s5, $0x11;
	s7 =	sadd.s32 @!p0 $0x11B8D, s7;
	_ =	swait.eq @!p0 [sflag:s6], $0x1  }
0xb2: {  	s5 =	sor.u32 @!p0 s5, s7;
	[sflag:s6] =	ssyncadd.s32 @!p0 $0xFFFFFFFF  }
0xb3: {  	s25 =	simm.s32 $0x1B8E;
	s24 =	sld [smem:$0x3FFE];
	[sflag:s5] =	ssyncadd.remote.s32 @!p0 $0x1  }
0xb4: {  	s26 =	simm.s32 $execute0_lowered;
	[smem:$0x3FD2] =	sst s25  }
0xb5: {  	s6 =	sshll.u32 s26, $0x1;
	_ =	strace $0x80000049;
	[dreg:$0x1] =	wrdreg $0xFFFFFFFF  }
0xb6: {  	s28 =	simm.s32 $_size_execute0_lowered;
	s4 =	sadd.s32 s4, s6;
	[dreg:$0x0] =	wrdreg $0x0  }
0xb7: {  	s6 =	sshll.u32 s28, $0x1;
	[dreg:$0x2] =	wrdreg s4  }
0xb8: {  	[dreg:$0x3] =	wrdreg s6  }
0xb9: {  	[dreg:$0x4] =	wrdreg $0xC0  }
0xba: {  	_ =	task [dreg:s22], $0x5FFFF  }
0xbb: {  	[dreg:$0x1] =	wrdreg $0xFFFFFFFF  }
0xbc: {  	[dreg:$0x0] =	wrdreg $0x60  }
0xbd: {  	[dreg:$0x2] =	wrdreg s18  }
0xbe: {  	[dreg:$0x3] =	wrdreg s24  }
0xbf: {  	[dreg:$0x4] =	wrdreg $0x29000  }
0xc0: {  	[dreg:$0x5] =	wrdreg $0x9  }
0xc1: {  	_ =	task.clear_ibuf [dreg:s22], $0x6FFFF;
	_ =	strace $0x90000049  }
0xc2: {  	s29 =	simm.s32 $0x9;
	_ =	strace $0x8000004B  }
0xc3: {  	_ =	swait.ge [sflag:s29], $0x1  }
0xc4: {  	[sflag:s29] =	ssyncadd.s32 $0xFFFFFFFF  }
0xc5: {  	_ =	strace $0x9000004B  }
0xc6: {  	_ =	sfence  }
0xc7: {  	s30 =	sld [smem:$0x0];
	_ =	sdelay $0x2  }
0xc8: {  	s31 =	sshll.u32 s1, $0xD;
	s1 =	sshrl.u32 s1, $0x2  }
0xc9: {  	s4 =	sand.u32 $0x4000, s31;
	s1 =	sadd.s32 s1, s30  }
0xca: {  	s0 =	sor.u32 s4, s0;
	s1 =	sshll.u32 s1, $0x11  }
0xcb: {  	s0 =	sor.u32 s1, s0  }
0xcc: {  	s0 =	sadd.s32 $0x8F2B, s0  }
0xcd: {  	[sflag:s0] =	ssyncadd.remote.s32 $0x1  }
0xce: {  	_ =	sfence.sel $0xFFFF  }
0xcf: {  	[dreg:$0x0] =	wrdreg $0xFFFFFFFF;
	(pc) =	sbr.abs _section_cstart, $3  }
0xd0: {  	[dreg:$0x1] =	wrdreg $0xFFFFFFFF  }
0xd1: {  	_ =	task.clear_ibuf [dreg:s22], $0x2FFFF;
	_ =	strace $0x9FFFFFFF  }
0xd2: {  	(tm) =	ssettm $0x7FFFFFFF  }
0xd3: {  	_ =	shalt  }
tec
execute0_lowered:
.L_overlay_start_1:
0x0: {  	(tag) =	ssettag $0x1  }
0x1: {  	s12 =	rddreg [dreg:$0x0]  }
0x2: {  	s6 =	rddreg [dreg:$0x1]  }
0x3: {  	s1 =	rddreg [dreg:$0x2]  }
0x4: {  	s2 =	srdreg.scid;
	s0 =	rddreg [dreg:$0x3]  }
0x5: {  	s3 =	simm.s32 $0x0;
	s16 =	simm.s32 $0x50;
	s7 =	sand.u32 $0x1, s2  }
0x6: {  	s17 =	simm.s32 $0x80;
	s2 =	stileid.u32;
	s5 =	smul.u32 $0x13C000, s7  }
0x7: {  	s18 =	simm.s32 $0x1;
	s19 =	simm.s32 $0x2;
	s8 =	smul.u32 $0x13C00, s2  }
0x8: {  	s20 =	simm.s32 $0x0;
	[smem:$0x7FF] =	sst s3;
	s10 =	smul.u32 $0x4F000, s2  }
0x9: {  	s4 =	sshll.u32 s7, $0x4;
	s24 =	ssub.s32 $0x2, s7;
	s7 =	smul.u32 $0x28000, s7  }
0xa: {  	_ =	strace $0x8000004A;
	s13 =	smul.u32 $0x2800, s2;
	s28 =	sshll.u32 s2, $0x6  }
0xb: {  	s9 =	sor.u32 s2, s4;
	s4 =	sadd.s32 $0x24200, s6;
	s25 =	sshrl.u32 s24, $0x1  }
0xc: {  	s8 =	sadd.s32 s8, s5;
	s9 =	smul.u32 $0x2800, s9;
	s5 =	sadd.s32 $0x75A00, s6  }
0xd: {  	s10 =	sshrl.u32 s10, $0x2;
	s14 =	ssub.s32 s24, s25;
	s29 =	sadd.s32 s13, s7  }
0xe: {  	s7 =	sor.u32 $0x1C03, s28;
	s8 =	sshrl.u32 s8, $0x3;
	s15 =	sadd.s32 s10, s1  }
0xf: {  	s13 =	sor.u32 $0xF0, s29;
	s31 =	sor.u32 $0xA0, s29;
	s10 =	smax.u32 s14, $0x1  }
0x10: {  	s14 =	simm.s32 $0x3;
	s11 =	sadd.s32 s8, s6;
	s26 =	sshrl.u32 s9, $0x3  }
0x11: {  	s30 =	sshrl.u32 s13, $0x3;
	s13 =	sshrl.u32 s31, $0x3;
	s6 =	sadd.s32 s12, s26  }
0x12: {  	s9 =	sadd.s32 $0x76000, s11;
	s11 =	sadd.s32 s30, s12;
	s12 =	sadd.s32 s13, s12  }
0x13: {  	s13 =	sshrl.u32 s15, $0x3;
	s15 =	simm.s32 $0x100;
	s8 =	sadd.s32 $0xA, s6  }
.LBB2_1:
0x14: {  	[spmem:s13], [sflag:s7] =	dma.local [hbm:s4], $0x2780  }
0x15: {  	_ =	swait.ge [sflag:s14], $0x2780  }
0x16: {  	[sflag:s14] =	ssyncset.done $0x0  }
0x17: {  	[sflag:s14] =	ssyncadd.s32 $0xFFFFD880  }
0x18: {  	[tilespmem:s15], [sflag:$0x3] =	stream.linear.gather [hbm4b:s5+s3], $0x2800, $0x38;
	[tilespmem:$0x16500] =	vst v63  }
0x19: {  	_ =	swait.ge [sflag:s14], $0x2800  }
0x1a: {  	[sflag:s14] =	ssyncset.done $0x0  }
0x1b: {  	[sflag:s14] =	ssyncadd.s32 $0xFFFFD800  }
0x1c: {  	[bflag:$0x0] =	sbarrier.arrive $0xFFFF  }
0x1d: {  	[tilespmem:s3], [sflag:$0x3] =	stream.linear.gather [hbm4b:s6+s3], $0x50, $0x38;
	[tilespmem:$0x16500] =	vst v63  }
0x1e: {  	_ =	swait.ge [sflag:s14], $0x50  }
0x1f: {  	[sflag:s14] =	ssyncset.done $0x0  }
0x20: {  	[sflag:s14] =	ssyncadd.s32 $0xFFFFFFB0  }
0x21: {  	[spmem:s1] =	stream.indirect.scatter.add.f32 [tilespmem:s15], [sflag:$0x1], $0x80, s3, s16, $0xb8;
	[tilespmem:$0x16500] =	vst v63  }
0x22: {  	_ = 	snop  }
0x23: {  	[tilespmem:s17], [sflag:$0x3] =	stream.linear.gather [hbm4b:s8+s3], $0x50, $0x38;
	[tilespmem:$0x16500] =	vst v63  }
0x24: {  	_ =	swait.ge [sflag:s14], $0x50  }
0x25: {  	[sflag:s14] =	ssyncset.done $0x0  }
0x26: {  	[sflag:s14] =	ssyncadd.s32 $0xFFFFFFB0  }
0x27: {  	[spmem:s1] =	stream.indirect.scatter.add.f32 [tilespmem:s15], [sflag:$0x2], $0x80, s17, s16, $0xb8;
	[tilespmem:$0x16500] =	vst v63  }
0x28: {  	_ =	swait.ge [sflag:s18], $0x2800  }
0x29: {  	[sflag:s18] =	ssyncset.done $0x0  }
0x2a: {  	s21 =	sadd.s32 $0x0, s12;
	[sflag:s18] =	ssyncadd.s32 $0xFFFFD800  }
0x2b: {  	[tilespmem:s3], [sflag:$0x3] =	stream.linear.gather [hbm4b:s21+s3], $0x50, $0x38;
	[tilespmem:$0x16500] =	vst v63  }
0x2c: {  	_ =	swait.ge [sflag:s14], $0x50  }
0x2d: {  	[sflag:s14] =	ssyncset.done $0x0  }
0x2e: {  	[sflag:s14] =	ssyncadd.s32 $0xFFFFFFB0  }
0x2f: {  	[spmem:s1] =	stream.indirect.scatter.add.f32 [tilespmem:s15], [sflag:$0x1], $0x80, s3, s16, $0xb8;
	[tilespmem:$0x16500] =	vst v63  }
0x30: {  	_ =	swait.ge [sflag:s19], $0x2800  }
0x31: {  	[sflag:s19] =	ssyncset.done $0x0  }
0x32: {  	s31 =	sadd.s32 $0x0, s11;
	[sflag:s19] =	ssyncadd.s32 $0xFFFFD800  }
0x33: {  	[tilespmem:s17], [sflag:$0x3] =	stream.linear.gather [hbm4b:s31+s3], $0x50, $0x38;
	[tilespmem:$0x16500] =	vst v63  }
0x34: {  	_ =	swait.ge [sflag:s14], $0x50  }
0x35: {  	[sflag:s14] =	ssyncset.done $0x0  }
0x36: {  	s21 =	simm.s32 $0x14;
	[sflag:s14] =	ssyncadd.s32 $0xFFFFFFB0  }
.LBB2_2:
0x37: {  	[spmem:s1] =	stream.indirect.scatter.add.f32 [tilespmem:s15], [sflag:$0x2], $0x80, s17, s16, $0xb8;
	[tilespmem:$0x16500] =	vst v63  }
0x38: {  	s22 =	smov.u32 s21  }
0x39: {  	p0 =	sne.s32 s21, $0x4D8;
	s21 =	sadd.s32 $0x14, s21;
	_ =	swait.ge [sflag:s18], $0x2800  }
0x3a: {  	[sflag:s18] =	ssyncset.done $0x0  }
0x3b: {  	s23 =	sadd.s32 s22, s12;
	[sflag:s18] =	ssyncadd.s32 $0xFFFFD800  }
0x3c: {  	[tilespmem:s3], [sflag:$0x3] =	stream.linear.gather [hbm4b:s23+s3], $0x50, $0x38;
	[tilespmem:$0x16500] =	vst v63  }
0x3d: {  	_ =	swait.ge [sflag:s14], $0x50  }
0x3e: {  	[sflag:s14] =	ssyncset.done $0x0  }
0x3f: {  	[sflag:s14] =	ssyncadd.s32 $0xFFFFFFB0  }
0x40: {  	[spmem:s1] =	stream.indirect.scatter.add.f32 [tilespmem:s15], [sflag:$0x1], $0x80, s3, s16, $0xb8;
	[tilespmem:$0x16500] =	vst v63  }
0x41: {  	_ =	swait.ge [sflag:s19], $0x2800  }
0x42: {  	[sflag:s19] =	ssyncset.done $0x0  }
.Ltmp0:
0x43: {  	s22 =	sadd.s32 s22, s11;
	[sflag:s19] =	ssyncadd.s32 $0xFFFFD800;
	(pc) =	sbr.rel @p0 .LBB2_2-.Ltmp0, $4  }
0x44: {  	[tilespmem:s17], [sflag:$0x3] =	stream.linear.gather [hbm4b:s22+s3], $0x50, $0x38;
	[tilespmem:$0x16500] =	vst v63  }
0x45: {  	_ =	swait.ge [sflag:s14], $0x50  }
0x46: {  	[sflag:s14] =	ssyncset.done $0x0  }
0x47: {  	[sflag:s14] =	ssyncadd.s32 $0xFFFFFFB0  }
0x48: {  	[spmem:s1] =	stream.indirect.scatter.add.f32 [tilespmem:s15], [sflag:$0x2], $0x80, s17, s16, $0xb8;
	[tilespmem:$0x16500] =	vst v63  }
0x49: {  	_ =	swait.ge [sflag:s18], $0x2800  }
0x4a: {  	[sflag:s18] =	ssyncset.done $0x0  }
0x4b: {  	[sflag:s18] =	ssyncadd.s32 $0xFFFFD800  }
0x4c: {  	_ =	swait.ge [sflag:s19], $0x2800  }
0x4d: {  	s20 =	sadd.s32 $0x1, s20;
	[sflag:s19] =	ssyncset.done $0x0  }
0x4e: {  	p0 =	sne.s32 s20, s10;
	[sflag:s19] =	ssyncadd.s32 $0xFFFFD800  }
.Ltmp1:
0x4f: {  	[bflag:$0x0] =	sbarrier.arrive $0xFFFF;
	(pc) =	sbr.rel @p0 .LBB2_1-.Ltmp1, $4  }
0x50: {  	[hbm:s9], [sflag:s7] =	dma.local [spmem:s13], $0x2780  }
0x51: {  	_ =	swait.ge [sflag:s14], $0x2780  }
0x52: {  	[sflag:s14] =	ssyncset.done $0x0  }
0x53: {  	[sflag:s14] =	ssyncadd.s32 $0xFFFFD880  }
0x54: {  	_ =	sfence.sel $0x180000  }
0x55: {  	[bflag:$0x0] =	sbarrier.arrive $0xFFFF  }
0x56: {  	p0 =	sne.s32 s2, $0x0;
	_ =	strace $0x9000004A  }
0x57: {  	s0 =	sadd.s32 @!p0 $0x100000, s0;
	[bflag:$0x2] =	sbarrier.arrive $0xFFFF  }
0x58: {  	[sflag:s0] =	ssyncadd.tile.s32 @!p0 $0x1;
	_ =	shalt  }
.Lfunc_end2:
_tile_overlayer_lowered:
.L_overlay_start_2:
0x59: {  	(tag) =	ssettag $0x2  }
0x5a: {  	s0 =	rddreg [dreg:$0x0];
	s2 =	stileid.u32  }
0x5b: {  	s1 =	rddreg [dreg:$0x1];
	p0 =	sne.s32 s2, $0x0  }
0x5c: {  	s3 =	rddreg [dreg:$0x2];
	[bflag:$0x3] =	sbarrier.arrive $0xFFFF;
	s2 =	simm.s32 @!p0 $0x1C03  }
0x5d: {  	[timem:s3], [sflag:s2] =	dma.local @!p0 [hbm:s0], s1  }
0x5e: {  	s0 =	simm.s32 @!p0 $0x3  }
0x5f: {  	_ =	swait.ge @!p0 [sflag:s0], s1  }
0x60: {  	s1 =	ssub.s32 @!p0 $0x0, s1;
	[sflag:s0] =	ssyncset.done @!p0 $0x0  }
0x61: {  	[sflag:s0] =	ssyncadd.s32 @!p0 s1  }
0x62: {  	[bflag:$0x3] =	sbarrier.arrive $0xFFFF  }
0x63: {  	_ =	shalt  }

</sc_bundles>
